<compile_context>
chip_gen: v7x
topology: tpu7x:2x2x1
jax: 0.10.2.dev20260603
libtpu: 0.0.44.dev20260713+nightly
codegen_flags: <defaults>
</compile_context>

<pallas_src>
import functools

import jax
import jax.numpy as jnp
from jax import lax
from jax.experimental import pallas as pl
from jax.experimental.pallas import tpu as pltpu
from jax.experimental.pallas import tpu_sc as plsc

_NC = 2
_NS = 16
_NW = _NC * _NS
_CH = 128


def _sc_agg_body(nchunk, npad, d,
                 h_hbm, src_hbm, dst_hbm, out_hbm,
                 src_v, dst_v, rows0, rows1, acc, sem0, sem1):
    c = lax.axis_index("c")
    s = lax.axis_index("s")
    wid = s * _NC + c

    rows_per = npad // _NS
    base = s * rows_per

    for j in range(d // 16):
        def zstep(i, _, j=j):
            rows0[i, pl.ds(j * 16, 16)] = jnp.zeros((16,), jnp.float32)
            return _
        lax.fori_loop(0, _CH, zstep, 0)
    for t in range(rows_per // _CH):
        pltpu.sync_copy(rows0, acc.at[pl.ds(base + t * _CH, _CH)])
    plsc.subcore_barrier()

    def fire(j, buf, sem):
        pltpu.async_copy(h_hbm.at[src_v.at[j]], buf, sem)

    def drain(j, buf, sem):
        pltpu.make_async_copy(h_hbm.at[src_v.at[j]], buf, sem).wait()

    half = nchunk // 2
    for hh in range(2):
        pltpu.sync_copy(src_hbm.at[wid, pl.ds(hh * half, half)], src_v)
        pltpu.sync_copy(dst_hbm.at[wid, pl.ds(hh * half, half)], dst_v)

        fire(0, rows0, sem0)

        def step(i, carry):
            a = 2 * i
            b = 2 * i + 1
            fire(b, rows1, sem1)
            drain(a, rows0, sem0)
            pltpu.sync_copy(rows0, acc.at[dst_v.at[a]], add=True)

            @pl.when(b + 1 < half)
            def _():
                fire(b + 1, rows0, sem0)

            drain(b, rows1, sem1)
            pltpu.sync_copy(rows1, acc.at[dst_v.at[b]], add=True)
            return carry

        lax.fori_loop(0, half // 2, step, 0)

    plsc.subcore_barrier()
    pltpu.sync_copy(acc.at[pl.ds(base, rows_per)],
                    out_hbm.at[c, pl.ds(base, rows_per)])


def _mlp_bn(z, w1, b1, w2, b2, g, be):
    hi = jax.lax.Precision.HIGHEST
    z = jnp.maximum(jnp.dot(z, w1[...], precision=hi,
                            preferred_element_type=jnp.float32) + b1[...], 0.0)
    z = jnp.dot(z, w2[...], precision=hi,
                preferred_element_type=jnp.float32) + b2[...]
    mu = jnp.mean(z, axis=0, keepdims=True)
    zc = z - mu
    var = jnp.mean(zc * zc, axis=0, keepdims=True)
    z = zc * jax.lax.rsqrt(var + 1e-5) * g[...] + be[...]
    return jnp.maximum(z, 0.0)


def _tc_layer_body(n, h_ref, parts_ref, w1, b1, w2, b2, g, be, out_ref):
    z = h_ref[...] + parts_ref[0, :n, :] + parts_ref[1, :n, :]
    out_ref[...] = _mlp_bn(z, w1, b1, w2, b2, g, be)


def _tc_final_body(n, gseg, h_ref, parts_ref, w1, b1, w2, b2, g, be,
                   batch_ref, wl, bl, out_ref):
    z = h_ref[...] + parts_ref[0, :n, :] + parts_ref[1, :n, :]
    h3 = _mlp_bn(z, w1, b1, w2, b2, g, be)
    ids = batch_ref[...]
    iot = lax.broadcasted_iota(jnp.int32, (gseg, n), 0)
    sel = jnp.where(iot == ids, 1.0, 0.0)
    cnt = jnp.sum(sel, axis=1, keepdims=True)
    hi = jax.lax.Precision.HIGHEST
    sums = jnp.dot(sel, h3, precision=hi,
                   preferred_element_type=jnp.float32)
    pooled = sums / jnp.maximum(cnt, 1.0)
    out_ref[...] = jnp.dot(pooled, wl[...], precision=hi,
                           preferred_element_type=jnp.float32) + bl[...]


def kernel(x, edge_index, batch, params, Wl, bl):
    n, d = x.shape
    e = edge_index.shape[1]
    gseg = 64

    nchunk = -(-e // (_NW * _CH))
    nchunk = -(-nchunk // 4) * 4
    epad = _NW * _CH * nchunk - e
    rows_per = _CH * (-(-(n + 1) // (_NS * _CH)))
    npad = _NS * rows_per

    pad_dst = n + jax.lax.rem(jnp.arange(epad, dtype=jnp.int32),
                              jnp.int32(npad - n))
    src = jnp.concatenate([edge_index[0], jnp.zeros((epad,), jnp.int32)])
    dst = jnp.concatenate([edge_index[1], pad_dst])
    srcp = src.reshape(_NW, nchunk, _CH)
    dstp = dst.reshape(_NW, nchunk, _CH)

    sc_agg = pl.kernel(
        functools.partial(_sc_agg_body, nchunk, npad, d),
        out_type=jax.ShapeDtypeStruct((_NC, npad, d), jnp.float32),
        mesh=plsc.VectorSubcoreMesh(core_axis_name="c", subcore_axis_name="s"),
        scratch_types=[
            pltpu.VMEM((nchunk // 2, _CH), jnp.int32),
            pltpu.VMEM((nchunk // 2, _CH), jnp.int32),
            pltpu.VMEM((_CH, d), jnp.float32),
            pltpu.VMEM((_CH, d), jnp.float32),
            pltpu.VMEM_SHARED((npad, d), jnp.float32),
            pltpu.SemaphoreType.DMA,
            pltpu.SemaphoreType.DMA,
        ],
    )

    h = x
    for i, (W1, b1, W2, b2, gamma, beta) in enumerate(params):
        parts = sc_agg(h, srcp, dstp)
        wargs = (W1, b1.reshape(1, -1), W2, b2.reshape(1, -1),
                 gamma.reshape(1, -1), beta.reshape(1, -1))
        if i + 1 < len(params):
            h = pl.pallas_call(
                functools.partial(_tc_layer_body, n),
                out_shape=jax.ShapeDtypeStruct((n, W2.shape[1]), jnp.float32),
            )(h, parts, *wargs)
        else:
            out = pl.pallas_call(
                functools.partial(_tc_final_body, n, gseg),
                out_shape=jax.ShapeDtypeStruct((gseg, Wl.shape[1]),
                                               jnp.float32),
            )(h, parts, *wargs, batch.reshape(1, n), Wl, bl.reshape(1, -1))
    return out

# --- scband reference (transcript-rebuilt; emitter-appended) ---
"""Pipeline reference for scband-gnn-47528108097587 (READ-ONLY COPY).

The authoritative reference and input builder live on the scoring server;
editing this copy changes nothing except your own understanding.
"""

import jax, jax.numpy as jnp
import numpy as np

N = 10000
E = 320000
D = 128
H = 128
O = 128
G = 64


def setup_inputs(seed: int = 0) -> dict:
    key = jax.random.key(seed)
    ks = jax.random.split(key, 12)
    x = jax.random.normal(ks[0], (N, D), dtype=jnp.float32)
    edge_index = jax.random.randint(ks[1], (2, E), 0, N, dtype=jnp.int32)
    batch = jnp.sort(jax.random.randint(ks[2], (N,), 0, G, dtype=jnp.int32))
    dims = [(D, H), (H, H), (H, H)]
    params = []
    kidx = 3
    for (i, o) in dims:
        W1 = jax.random.normal(ks[kidx], (i, o), dtype=jnp.float32) * 0.05
        b1 = jnp.zeros((o,), dtype=jnp.float32)
        W2 = jax.random.normal(ks[kidx + 1], (o, o), dtype=jnp.float32) * 0.05
        b2 = jnp.zeros((o,), dtype=jnp.float32)
        gamma = jnp.ones((o,), dtype=jnp.float32)
        beta = jnp.zeros((o,), dtype=jnp.float32)
        params.append((W1, b1, W2, b2, gamma, beta))
        kidx += 2
    Wl = jax.random.normal(ks[kidx], (H, O), dtype=jnp.float32) * 0.05
    bl = jnp.zeros((O,), dtype=jnp.float32)
    return {"x": x, "edge_index": edge_index, "batch": batch,
            "params": tuple(params), "Wl": Wl, "bl": bl}


def reference(x, edge_index, batch, params, Wl, bl):
    # GIN: h' = MLP((1+eps)*h + sum_{j in N(i)} h_j), eps=0 (PyG default)
    src = edge_index[0]
    dst = edge_index[1]
    h = x
    for (W1, b1, W2, b2, gamma, beta) in params:
        agg = jnp.zeros_like(h).at[dst].add(h[src])  # scatter-add over destination nodes
        z = h + agg
        z = jax.nn.relu(z @ W1 + b1) @ W2 + b2
        # BatchNorm1d with batch statistics (training-mode math, deterministic)
        mu = jnp.mean(z, axis=0)
        var = jnp.var(z, axis=0)
        z = (z - mu) / jnp.sqrt(var + 1e-5) * gamma + beta
        h = jax.nn.relu(z)
        # dropout omitted (eval mode)
    counts = jax.ops.segment_sum(jnp.ones((h.shape[0],), h.dtype), batch, num_segments=G)
    sums = jax.ops.segment_sum(h, batch, num_segments=G)
    pooled = sums / jnp.clip(counts, 1.0)[:, None]  # global_mean_pool
    return pooled @ Wl + bl

if __name__ == "__main__":
    import jax
    _d = setup_inputs()
    print(jax.jit(kernel)(*tuple(_d.values())))

</pallas_src>

<mosaic_0001>
#map = affine_map<(d0, d1) -> (0, 0)>
#map1 = affine_map<(d0, d1) -> (0, 0, 0)>
module attributes {stable_mosaic.version = 14 : i64} {
  func.func @_sc_agg_body(%arg0: i32, %arg1: i32, %arg2: memref<10000x128xf32, #tpu.memory_space<hbm>>, %arg3: memref<32x80x128xi32, #tpu.memory_space<hbm>>, %arg4: memref<32x80x128xi32, #tpu.memory_space<hbm>>, %arg5: memref<2x10240x128xf32, #tpu.memory_space<hbm>>, %arg6: memref<40x128xi32, #tpu.memory_space<vmem>>, %arg7: memref<40x128xi32, #tpu.memory_space<vmem>>, %arg8: memref<128x128xf32, #tpu.memory_space<vmem>>, %arg9: memref<128x128xf32, #tpu.memory_space<vmem>>, %arg10: memref<10240x128xf32, #tpu.memory_space<vmem_shared>>, %arg11: memref<!tpu.dma_semaphore, #tpu.memory_space<semaphore_mem>>, %arg12: memref<!tpu.dma_semaphore, #tpu.memory_space<semaphore_mem>>) attributes {dimension_semantics = [#tpu.dimension_semantics<core_parallel>, #tpu.dimension_semantics<subcore_parallel>], iteration_bounds = array<i64: 2, 16>, scalar_prefetch = 0 : i64, scratch_operands = 7 : i64, tpu.core_type = #tpu.core_type<sc_vector_subcore>, window_params = [{transform_indices = #map}, {transform_indices = #map1}, {transform_indices = #map1}, {transform_indices = #map1}]} {
    %mul3A = arith.constant 2 : i32
    %mul3A_0 = arith.muli %arg1, %mul3A : i32
    %add3A = arith.addi %mul3A_0, %arg0 : i32
    %mul3A_1 = arith.constant 640 : i32
    %mul3A_2 = arith.muli %arg1, %mul3A_1 : i32
    %scan3A = arith.constant 0 : i32
    %scan3A_3 = arith.constant 0 : i32
    %scan3A_4 = arith.constant 128 : i32
    %scan3A_5 = arith.addi %scan3A_3, %scan3A_4 : i32
    %scan3A_6 = arith.constant 1 : i32
    scf.for %scan3A_86 = %scan3A_3 to %scan3A_5 step %scan3A_6  : i32 {
      %broadcast_in_dim3A = arith.constant 0.000000e+00 : f32
      %broadcast_in_dim3A_87 = vector.broadcast %broadcast_in_dim3A : f32 to vector<16xf32>
      %swap3A = arith.index_cast %scan3A_86 : i32 to index
      %swap3A_88 = arith.constant 0 : index
      %swap3A_89 = tpu.vector_load %arg8[%swap3A, %swap3A_88] {strides = array<i32>} : memref<128x128xf32, #tpu.memory_space<vmem>>, vector<1x16xf32>,
      %swap3A_90 = vector.shape_cast %swap3A_89 : vector<1x16xf32> to vector<16xf32>
      %swap3A_91 = vector.shape_cast %broadcast_in_dim3A_87 : vector<16xf32> to vector<1x16xf32>
      tpu.vector_store %arg8[%swap3A, %swap3A_88], %swap3A_91 {strides = array<i32>} : memref<128x128xf32, #tpu.memory_space<vmem>>, vector<1x16xf32>,
    }
    %scan3A_7 = arith.constant 128 : i32
    %scan3A_8 = arith.constant 0 : i32
    %scan3A_9 = arith.constant 0 : i32
    %scan3A_10 = arith.constant 128 : i32
    %scan3A_11 = arith.addi %scan3A_9, %scan3A_10 : i32
    %scan3A_12 = arith.constant 1 : i32
    scf.for %scan3A_86 = %scan3A_9 to %scan3A_11 step %scan3A_12  : i32 {
      %broadcast_in_dim3A = arith.constant 0.000000e+00 : f32
      %broadcast_in_dim3A_87 = vector.broadcast %broadcast_in_dim3A : f32 to vector<16xf32>
      %swap3A = arith.index_cast %scan3A_86 : i32 to index
      %swap3A_88 = arith.constant 16 : index
      %swap3A_89 = tpu.vector_load %arg8[%swap3A, %swap3A_88] {strides = array<i32>} : memref<128x128xf32, #tpu.memory_space<vmem>>, vector<1x16xf32>,
      %swap3A_90 = vector.shape_cast %swap3A_89 : vector<1x16xf32> to vector<16xf32>
      %swap3A_91 = vector.shape_cast %broadcast_in_dim3A_87 : vector<16xf32> to vector<1x16xf32>
      tpu.vector_store %arg8[%swap3A, %swap3A_88], %swap3A_91 {strides = array<i32>} : memref<128x128xf32, #tpu.memory_space<vmem>>, vector<1x16xf32>,
    }
    %scan3A_13 = arith.constant 128 : i32
    %scan3A_14 = arith.constant 0 : i32
    %scan3A_15 = arith.constant 0 : i32
    %scan3A_16 = arith.constant 128 : i32
    %scan3A_17 = arith.addi %scan3A_15, %scan3A_16 : i32
    %scan3A_18 = arith.constant 1 : i32
    scf.for %scan3A_86 = %scan3A_15 to %scan3A_17 step %scan3A_18  : i32 {
      %broadcast_in_dim3A = arith.constant 0.000000e+00 : f32
      %broadcast_in_dim3A_87 = vector.broadcast %broadcast_in_dim3A : f32 to vector<16xf32>
      %swap3A = arith.index_cast %scan3A_86 : i32 to index
      %swap3A_88 = arith.constant 32 : index
      %swap3A_89 = tpu.vector_load %arg8[%swap3A, %swap3A_88] {strides = array<i32>} : memref<128x128xf32, #tpu.memory_space<vmem>>, vector<1x16xf32>,
      %swap3A_90 = vector.shape_cast %swap3A_89 : vector<1x16xf32> to vector<16xf32>
      %swap3A_91 = vector.shape_cast %broadcast_in_dim3A_87 : vector<16xf32> to vector<1x16xf32>
      tpu.vector_store %arg8[%swap3A, %swap3A_88], %swap3A_91 {strides = array<i32>} : memref<128x128xf32, #tpu.memory_space<vmem>>, vector<1x16xf32>,
    }
    %scan3A_19 = arith.constant 128 : i32
    %scan3A_20 = arith.constant 0 : i32
    %scan3A_21 = arith.constant 0 : i32
    %scan3A_22 = arith.constant 128 : i32
    %scan3A_23 = arith.addi %scan3A_21, %scan3A_22 : i32
    %scan3A_24 = arith.constant 1 : i32
    scf.for %scan3A_86 = %scan3A_21 to %scan3A_23 step %scan3A_24  : i32 {
      %broadcast_in_dim3A = arith.constant 0.000000e+00 : f32
      %broadcast_in_dim3A_87 = vector.broadcast %broadcast_in_dim3A : f32 to vector<16xf32>
      %swap3A = arith.index_cast %scan3A_86 : i32 to index
      %swap3A_88 = arith.constant 48 : index
      %swap3A_89 = tpu.vector_load %arg8[%swap3A, %swap3A_88] {strides = array<i32>} : memref<128x128xf32, #tpu.memory_space<vmem>>, vector<1x16xf32>,
      %swap3A_90 = vector.shape_cast %swap3A_89 : vector<1x16xf32> to vector<16xf32>
      %swap3A_91 = vector.shape_cast %broadcast_in_dim3A_87 : vector<16xf32> to vector<1x16xf32>
      tpu.vector_store %arg8[%swap3A, %swap3A_88], %swap3A_91 {strides = array<i32>} : memref<128x128xf32, #tpu.memory_space<vmem>>, vector<1x16xf32>,
    }
    %scan3A_25 = arith.constant 128 : i32
    %scan3A_26 = arith.constant 0 : i32
    %scan3A_27 = arith.constant 0 : i32
    %scan3A_28 = arith.constant 128 : i32
    %scan3A_29 = arith.addi %scan3A_27, %scan3A_28 : i32
    %scan3A_30 = arith.constant 1 : i32
    scf.for %scan3A_86 = %scan3A_27 to %scan3A_29 step %scan3A_30  : i32 {
      %broadcast_in_dim3A = arith.constant 0.000000e+00 : f32
      %broadcast_in_dim3A_87 = vector.broadcast %broadcast_in_dim3A : f32 to vector<16xf32>
      %swap3A = arith.index_cast %scan3A_86 : i32 to index
      %swap3A_88 = arith.constant 64 : index
      %swap3A_89 = tpu.vector_load %arg8[%swap3A, %swap3A_88] {strides = array<i32>} : memref<128x128xf32, #tpu.memory_space<vmem>>, vector<1x16xf32>,
      %swap3A_90 = vector.shape_cast %swap3A_89 : vector<1x16xf32> to vector<16xf32>
      %swap3A_91 = vector.shape_cast %broadcast_in_dim3A_87 : vector<16xf32> to vector<1x16xf32>
      tpu.vector_store %arg8[%swap3A, %swap3A_88], %swap3A_91 {strides = array<i32>} : memref<128x128xf32, #tpu.memory_space<vmem>>, vector<1x16xf32>,
    }
    %scan3A_31 = arith.constant 128 : i32
    %scan3A_32 = arith.constant 0 : i32
    %scan3A_33 = arith.constant 0 : i32
    %scan3A_34 = arith.constant 128 : i32
    %scan3A_35 = arith.addi %scan3A_33, %scan3A_34 : i32
    %scan3A_36 = arith.constant 1 : i32
    scf.for %scan3A_86 = %scan3A_33 to %scan3A_35 step %scan3A_36  : i32 {
      %broadcast_in_dim3A = arith.constant 0.000000e+00 : f32
      %broadcast_in_dim3A_87 = vector.broadcast %broadcast_in_dim3A : f32 to vector<16xf32>
      %swap3A = arith.index_cast %scan3A_86 : i32 to index
      %swap3A_88 = arith.constant 80 : index
      %swap3A_89 = tpu.vector_load %arg8[%swap3A, %swap3A_88] {strides = array<i32>} : memref<128x128xf32, #tpu.memory_space<vmem>>, vector<1x16xf32>,
      %swap3A_90 = vector.shape_cast %swap3A_89 : vector<1x16xf32> to vector<16xf32>
      %swap3A_91 = vector.shape_cast %broadcast_in_dim3A_87 : vector<16xf32> to vector<1x16xf32>
      tpu.vector_store %arg8[%swap3A, %swap3A_88], %swap3A_91 {strides = array<i32>} : memref<128x128xf32, #tpu.memory_space<vmem>>, vector<1x16xf32>,
    }
    %scan3A_37 = arith.constant 128 : i32
    %scan3A_38 = arith.constant 0 : i32
    %scan3A_39 = arith.constant 0 : i32
    %scan3A_40 = arith.constant 128 : i32
    %scan3A_41 = arith.addi %scan3A_39, %scan3A_40 : i32
    %scan3A_42 = arith.constant 1 : i32
    scf.for %scan3A_86 = %scan3A_39 to %scan3A_41 step %scan3A_42  : i32 {
      %broadcast_in_dim3A = arith.constant 0.000000e+00 : f32
      %broadcast_in_dim3A_87 = vector.broadcast %broadcast_in_dim3A : f32 to vector<16xf32>
      %swap3A = arith.index_cast %scan3A_86 : i32 to index
      %swap3A_88 = arith.constant 96 : index
      %swap3A_89 = tpu.vector_load %arg8[%swap3A, %swap3A_88] {strides = array<i32>} : memref<128x128xf32, #tpu.memory_space<vmem>>, vector<1x16xf32>,
      %swap3A_90 = vector.shape_cast %swap3A_89 : vector<1x16xf32> to vector<16xf32>
      %swap3A_91 = vector.shape_cast %broadcast_in_dim3A_87 : vector<16xf32> to vector<1x16xf32>
      tpu.vector_store %arg8[%swap3A, %swap3A_88], %swap3A_91 {strides = array<i32>} : memref<128x128xf32, #tpu.memory_space<vmem>>, vector<1x16xf32>,
    }
    %scan3A_43 = arith.constant 128 : i32
    %scan3A_44 = arith.constant 0 : i32
    %scan3A_45 = arith.constant 0 : i32
    %scan3A_46 = arith.constant 128 : i32
    %scan3A_47 = arith.addi %scan3A_45, %scan3A_46 : i32
    %scan3A_48 = arith.constant 1 : i32
    scf.for %scan3A_86 = %scan3A_45 to %scan3A_47 step %scan3A_48  : i32 {
      %broadcast_in_dim3A = arith.constant 0.000000e+00 : f32
      %broadcast_in_dim3A_87 = vector.broadcast %broadcast_in_dim3A : f32 to vector<16xf32>
      %swap3A = arith.index_cast %scan3A_86 : i32 to index
      %swap3A_88 = arith.constant 112 : index
      %swap3A_89 = tpu.vector_load %arg8[%swap3A, %swap3A_88] {strides = array<i32>} : memref<128x128xf32, #tpu.memory_space<vmem>>, vector<1x16xf32>,
      %swap3A_90 = vector.shape_cast %swap3A_89 : vector<1x16xf32> to vector<16xf32>
      %swap3A_91 = vector.shape_cast %broadcast_in_dim3A_87 : vector<16xf32> to vector<1x16xf32>
      tpu.vector_store %arg8[%swap3A, %swap3A_88], %swap3A_91 {strides = array<i32>} : memref<128x128xf32, #tpu.memory_space<vmem>>, vector<1x16xf32>,
    }
    %scan3A_49 = arith.constant 128 : i32
    %add3A_50 = arith.constant 0 : i32
    %add3A_51 = arith.addi %mul3A_2, %add3A_50 : i32
    "tpu.region"() ({
      %run_scoped3A = tpu.sem_alloc : memref<!tpu.dma_semaphore, #tpu.memory_space<semaphore_mem>>
      %dma_start3A_86 = arith.constant 0 : i32
      %dma_start3A_87 = tpu.memref_slice %arg10[%add3A_51, %dma_start3A_86] : memref<10240x128xf32, #tpu.memory_space<vmem_shared>> -> memref<128x128xf32, #tpu.memory_space<vmem_shared>>
      %dma_start3A_88 = arith.constant 0 : i32
      %dma_start3A_89 = tpu.memref_slice %arg10[%add3A_51, %dma_start3A_88] : memref<10240x128xf32, #tpu.memory_space<vmem_shared>> -> memref<128x128xf32, #tpu.memory_space<vmem_shared>>
      tpu.enqueue_dma source(%arg8 : memref<128x128xf32, #tpu.memory_space<vmem>>) target(%dma_start3A_89 : memref<128x128xf32, #tpu.memory_space<vmem_shared>>) target_semaphore(%run_scoped3A : memref<!tpu.dma_semaphore, #tpu.memory_space<semaphore_mem>>)
      %dma_wait3A = arith.constant 0 : i32
      %dma_wait3A_90 = tpu.memref_slice %arg10[%add3A_51, %dma_wait3A] : memref<10240x128xf32, #tpu.memory_space<vmem_shared>> -> memref<128x128xf32, #tpu.memory_space<vmem_shared>>
      %dma_wait3A_91 = arith.constant 0 : i32
      %dma_wait3A_92 = tpu.memref_slice %arg10[%add3A_51, %dma_wait3A_91] : memref<10240x128xf32, #tpu.memory_space<vmem_shared>> -> memref<128x128xf32, #tpu.memory_space<vmem_shared>>
      tpu.wait_dma2 semaphore(%run_scoped3A : memref<!tpu.dma_semaphore, #tpu.memory_space<semaphore_mem>>) src(%arg8 : memref<128x128xf32, #tpu.memory_space<vmem>>) dst(%dma_wait3A_92 : memref<128x128xf32, #tpu.memory_space<vmem_shared>>)
      tpu.yield
    }) : () -> ()
    %add3A_52 = arith.constant 128 : i32
    %add3A_53 = arith.addi %mul3A_2, %add3A_52 : i32
    "tpu.region"() ({
      %run_scoped3A = tpu.sem_alloc : memref<!tpu.dma_semaphore, #tpu.memory_space<semaphore_mem>>
      %dma_start3A_86 = arith.constant 0 : i32
      %dma_start3A_87 = tpu.memref_slice %arg10[%add3A_53, %dma_start3A_86] : memref<10240x128xf32, #tpu.memory_space<vmem_shared>> -> memref<128x128xf32, #tpu.memory_space<vmem_shared>>
      %dma_start3A_88 = arith.constant 0 : i32
      %dma_start3A_89 = tpu.memref_slice %arg10[%add3A_53, %dma_start3A_88] : memref<10240x128xf32, #tpu.memory_space<vmem_shared>> -> memref<128x128xf32, #tpu.memory_space<vmem_shared>>
      tpu.enqueue_dma source(%arg8 : memref<128x128xf32, #tpu.memory_space<vmem>>) target(%dma_start3A_89 : memref<128x128xf32, #tpu.memory_space<vmem_shared>>) target_semaphore(%run_scoped3A : memref<!tpu.dma_semaphore, #tpu.memory_space<semaphore_mem>>)
      %dma_wait3A = arith.constant 0 : i32
      %dma_wait3A_90 = tpu.memref_slice %arg10[%add3A_53, %dma_wait3A] : memref<10240x128xf32, #tpu.memory_space<vmem_shared>> -> memref<128x128xf32, #tpu.memory_space<vmem_shared>>
      %dma_wait3A_91 = arith.constant 0 : i32
      %dma_wait3A_92 = tpu.memref_slice %arg10[%add3A_53, %dma_wait3A_91] : memref<10240x128xf32, #tpu.memory_space<vmem_shared>> -> memref<128x128xf32, #tpu.memory_space<vmem_shared>>
      tpu.wait_dma2 semaphore(%run_scoped3A : memref<!tpu.dma_semaphore, #tpu.memory_space<semaphore_mem>>) src(%arg8 : memref<128x128xf32, #tpu.memory_space<vmem>>) dst(%dma_wait3A_92 : memref<128x128xf32, #tpu.memory_space<vmem_shared>>)
      tpu.yield
    }) : () -> ()
    %add3A_54 = arith.constant 256 : i32
    %add3A_55 = arith.addi %mul3A_2, %add3A_54 : i32
    "tpu.region"() ({
      %run_scoped3A = tpu.sem_alloc : memref<!tpu.dma_semaphore, #tpu.memory_space<semaphore_mem>>
      %dma_start3A_86 = arith.constant 0 : i32
      %dma_start3A_87 = tpu.memref_slice %arg10[%add3A_55, %dma_start3A_86] : memref<10240x128xf32, #tpu.memory_space<vmem_shared>> -> memref<128x128xf32, #tpu.memory_space<vmem_shared>>
      %dma_start3A_88 = arith.constant 0 : i32
      %dma_start3A_89 = tpu.memref_slice %arg10[%add3A_55, %dma_start3A_88] : memref<10240x128xf32, #tpu.memory_space<vmem_shared>> -> memref<128x128xf32, #tpu.memory_space<vmem_shared>>
      tpu.enqueue_dma source(%arg8 : memref<128x128xf32, #tpu.memory_space<vmem>>) target(%dma_start3A_89 : memref<128x128xf32, #tpu.memory_space<vmem_shared>>) target_semaphore(%run_scoped3A : memref<!tpu.dma_semaphore, #tpu.memory_space<semaphore_mem>>)
      %dma_wait3A = arith.constant 0 : i32
      %dma_wait3A_90 = tpu.memref_slice %arg10[%add3A_55, %dma_wait3A] : memref<10240x128xf32, #tpu.memory_space<vmem_shared>> -> memref<128x128xf32, #tpu.memory_space<vmem_shared>>
      %dma_wait3A_91 = arith.constant 0 : i32
      %dma_wait3A_92 = tpu.memref_slice %arg10[%add3A_55, %dma_wait3A_91] : memref<10240x128xf32, #tpu.memory_space<vmem_shared>> -> memref<128x128xf32, #tpu.memory_space<vmem_shared>>
      tpu.wait_dma2 semaphore(%run_scoped3A : memref<!tpu.dma_semaphore, #tpu.memory_space<semaphore_mem>>) src(%arg8 : memref<128x128xf32, #tpu.memory_space<vmem>>) dst(%dma_wait3A_92 : memref<128x128xf32, #tpu.memory_space<vmem_shared>>)
      tpu.yield
    }) : () -> ()
    %add3A_56 = arith.constant 384 : i32
    %add3A_57 = arith.addi %mul3A_2, %add3A_56 : i32
    "tpu.region"() ({
      %run_scoped3A = tpu.sem_alloc : memref<!tpu.dma_semaphore, #tpu.memory_space<semaphore_mem>>
      %dma_start3A_86 = arith.constant 0 : i32
      %dma_start3A_87 = tpu.memref_slice %arg10[%add3A_57, %dma_start3A_86] : memref<10240x128xf32, #tpu.memory_space<vmem_shared>> -> memref<128x128xf32, #tpu.memory_space<vmem_shared>>
      %dma_start3A_88 = arith.constant 0 : i32
      %dma_start3A_89 = tpu.memref_slice %arg10[%add3A_57, %dma_start3A_88] : memref<10240x128xf32, #tpu.memory_space<vmem_shared>> -> memref<128x128xf32, #tpu.memory_space<vmem_shared>>
      tpu.enqueue_dma source(%arg8 : memref<128x128xf32, #tpu.memory_space<vmem>>) target(%dma_start3A_89 : memref<128x128xf32, #tpu.memory_space<vmem_shared>>) target_semaphore(%run_scoped3A : memref<!tpu.dma_semaphore, #tpu.memory_space<semaphore_mem>>)
      %dma_wait3A = arith.constant 0 : i32
      %dma_wait3A_90 = tpu.memref_slice %arg10[%add3A_57, %dma_wait3A] : memref<10240x128xf32, #tpu.memory_space<vmem_shared>> -> memref<128x128xf32, #tpu.memory_space<vmem_shared>>
      %dma_wait3A_91 = arith.constant 0 : i32
      %dma_wait3A_92 = tpu.memref_slice %arg10[%add3A_57, %dma_wait3A_91] : memref<10240x128xf32, #tpu.memory_space<vmem_shared>> -> memref<128x128xf32, #tpu.memory_space<vmem_shared>>
      tpu.wait_dma2 semaphore(%run_scoped3A : memref<!tpu.dma_semaphore, #tpu.memory_space<semaphore_mem>>) src(%arg8 : memref<128x128xf32, #tpu.memory_space<vmem>>) dst(%dma_wait3A_92 : memref<128x128xf32, #tpu.memory_space<vmem_shared>>)
      tpu.yield
    }) : () -> ()
    %add3A_58 = arith.constant 512 : i32
    %add3A_59 = arith.addi %mul3A_2, %add3A_58 : i32
    "tpu.region"() ({
      %run_scoped3A = tpu.sem_alloc : memref<!tpu.dma_semaphore, #tpu.memory_space<semaphore_mem>>
      %dma_start3A_86 = arith.constant 0 : i32
      %dma_start3A_87 = tpu.memref_slice %arg10[%add3A_59, %dma_start3A_86] : memref<10240x128xf32, #tpu.memory_space<vmem_shared>> -> memref<128x128xf32, #tpu.memory_space<vmem_shared>>
      %dma_start3A_88 = arith.constant 0 : i32
      %dma_start3A_89 = tpu.memref_slice %arg10[%add3A_59, %dma_start3A_88] : memref<10240x128xf32, #tpu.memory_space<vmem_shared>> -> memref<128x128xf32, #tpu.memory_space<vmem_shared>>
      tpu.enqueue_dma source(%arg8 : memref<128x128xf32, #tpu.memory_space<vmem>>) target(%dma_start3A_89 : memref<128x128xf32, #tpu.memory_space<vmem_shared>>) target_semaphore(%run_scoped3A : memref<!tpu.dma_semaphore, #tpu.memory_space<semaphore_mem>>)
      %dma_wait3A = arith.constant 0 : i32
      %dma_wait3A_90 = tpu.memref_slice %arg10[%add3A_59, %dma_wait3A] : memref<10240x128xf32, #tpu.memory_space<vmem_shared>> -> memref<128x128xf32, #tpu.memory_space<vmem_shared>>
      %dma_wait3A_91 = arith.constant 0 : i32
      %dma_wait3A_92 = tpu.memref_slice %arg10[%add3A_59, %dma_wait3A_91] : memref<10240x128xf32, #tpu.memory_space<vmem_shared>> -> memref<128x128xf32, #tpu.memory_space<vmem_shared>>
      tpu.wait_dma2 semaphore(%run_scoped3A : memref<!tpu.dma_semaphore, #tpu.memory_space<semaphore_mem>>) src(%arg8 : memref<128x128xf32, #tpu.memory_space<vmem>>) dst(%dma_wait3A_92 : memref<128x128xf32, #tpu.memory_space<vmem_shared>>)
      tpu.yield
    }) : () -> ()
    %barrier3A = arith.constant 0 : index
    tpu.barrier barrier_id(%barrier3A)
    "tpu.region"() ({
      %run_scoped3A = tpu.sem_alloc : memref<!tpu.dma_semaphore, #tpu.memory_space<semaphore_mem>>
      %dma_start3A_86 = arith.constant 0 : i32
      %dma_start3A_87 = arith.constant 0 : i32
      %dma_start3A_88 = tpu.memref_slice %arg3[%add3A, %dma_start3A_86, %dma_start3A_87] : memref<32x80x128xi32, #tpu.memory_space<hbm>> -> memref<1x40x128xi32, #tpu.memory_space<hbm>>
      %dma_start3A_89 = tpu.memref_squeeze %dma_start3A_88 : memref<1x40x128xi32, #tpu.memory_space<hbm>> -> memref<40x128xi32, #tpu.memory_space<hbm>>
      %dma_start3A_90 = arith.constant 0 : i32
      %dma_start3A_91 = arith.constant 0 : i32
      %dma_start3A_92 = tpu.memref_slice %arg3[%add3A, %dma_start3A_90, %dma_start3A_91] : memref<32x80x128xi32, #tpu.memory_space<hbm>> -> memref<1x40x128xi32, #tpu.memory_space<hbm>>
      %dma_start3A_93 = tpu.memref_squeeze %dma_start3A_92 : memref<1x40x128xi32, #tpu.memory_space<hbm>> -> memref<40x128xi32, #tpu.memory_space<hbm>>
      tpu.enqueue_dma source(%dma_start3A_93 : memref<40x128xi32, #tpu.memory_space<hbm>>) target(%arg6 : memref<40x128xi32, #tpu.memory_space<vmem>>) target_semaphore(%run_scoped3A : memref<!tpu.dma_semaphore, #tpu.memory_space<semaphore_mem>>)
      %dma_wait3A = arith.constant 0 : i32
      %dma_wait3A_94 = arith.constant 0 : i32
      %dma_wait3A_95 = tpu.memref_slice %arg3[%add3A, %dma_wait3A, %dma_wait3A_94] : memref<32x80x128xi32, #tpu.memory_space<hbm>> -> memref<1x40x128xi32, #tpu.memory_space<hbm>>
      %dma_wait3A_96 = tpu.memref_squeeze %dma_wait3A_95 : memref<1x40x128xi32, #tpu.memory_space<hbm>> -> memref<40x128xi32, #tpu.memory_space<hbm>>
      %dma_wait3A_97 = arith.constant 0 : i32
      %dma_wait3A_98 = arith.constant 0 : i32
      %dma_wait3A_99 = tpu.memref_slice %arg3[%add3A, %dma_wait3A_97, %dma_wait3A_98] : memref<32x80x128xi32, #tpu.memory_space<hbm>> -> memref<1x40x128xi32, #tpu.memory_space<hbm>>
      %dma_wait3A_100 = tpu.memref_squeeze %dma_wait3A_99 : memref<1x40x128xi32, #tpu.memory_space<hbm>> -> memref<40x128xi32, #tpu.memory_space<hbm>>
      tpu.wait_dma2 semaphore(%run_scoped3A : memref<!tpu.dma_semaphore, #tpu.memory_space<semaphore_mem>>) src(%dma_wait3A_100 : memref<40x128xi32, #tpu.memory_space<hbm>>) dst(%arg6 : memref<40x128xi32, #tpu.memory_space<vmem>>)
      tpu.yield
    }) : () -> ()
    "tpu.region"() ({
      %run_scoped3A = tpu.sem_alloc : memref<!tpu.dma_semaphore, #tpu.memory_space<semaphore_mem>>
      %dma_start3A_86 = arith.constant 0 : i32
      %dma_start3A_87 = arith.constant 0 : i32
      %dma_start3A_88 = tpu.memref_slice %arg4[%add3A, %dma_start3A_86, %dma_start3A_87] : memref<32x80x128xi32, #tpu.memory_space<hbm>> -> memref<1x40x128xi32, #tpu.memory_space<hbm>>
      %dma_start3A_89 = tpu.memref_squeeze %dma_start3A_88 : memref<1x40x128xi32, #tpu.memory_space<hbm>> -> memref<40x128xi32, #tpu.memory_space<hbm>>
      %dma_start3A_90 = arith.constant 0 : i32
      %dma_start3A_91 = arith.constant 0 : i32
      %dma_start3A_92 = tpu.memref_slice %arg4[%add3A, %dma_start3A_90, %dma_start3A_91] : memref<32x80x128xi32, #tpu.memory_space<hbm>> -> memref<1x40x128xi32, #tpu.memory_space<hbm>>
      %dma_start3A_93 = tpu.memref_squeeze %dma_start3A_92 : memref<1x40x128xi32, #tpu.memory_space<hbm>> -> memref<40x128xi32, #tpu.memory_space<hbm>>
      tpu.enqueue_dma source(%dma_start3A_93 : memref<40x128xi32, #tpu.memory_space<hbm>>) target(%arg7 : memref<40x128xi32, #tpu.memory_space<vmem>>) target_semaphore(%run_scoped3A : memref<!tpu.dma_semaphore, #tpu.memory_space<semaphore_mem>>)
      %dma_wait3A = arith.constant 0 : i32
      %dma_wait3A_94 = arith.constant 0 : i32
      %dma_wait3A_95 = tpu.memref_slice %arg4[%add3A, %dma_wait3A, %dma_wait3A_94] : memref<32x80x128xi32, #tpu.memory_space<hbm>> -> memref<1x40x128xi32, #tpu.memory_space<hbm>>
      %dma_wait3A_96 = tpu.memref_squeeze %dma_wait3A_95 : memref<1x40x128xi32, #tpu.memory_space<hbm>> -> memref<40x128xi32, #tpu.memory_space<hbm>>
      %dma_wait3A_97 = arith.constant 0 : i32
      %dma_wait3A_98 = arith.constant 0 : i32
      %dma_wait3A_99 = tpu.memref_slice %arg4[%add3A, %dma_wait3A_97, %dma_wait3A_98] : memref<32x80x128xi32, #tpu.memory_space<hbm>> -> memref<1x40x128xi32, #tpu.memory_space<hbm>>
      %dma_wait3A_100 = tpu.memref_squeeze %dma_wait3A_99 : memref<1x40x128xi32, #tpu.memory_space<hbm>> -> memref<40x128xi32, #tpu.memory_space<hbm>>
      tpu.wait_dma2 semaphore(%run_scoped3A : memref<!tpu.dma_semaphore, #tpu.memory_space<semaphore_mem>>) src(%dma_wait3A_100 : memref<40x128xi32, #tpu.memory_space<hbm>>) dst(%arg7 : memref<40x128xi32, #tpu.memory_space<vmem>>)
      tpu.yield
    }) : () -> ()
    %dma_start3A = arith.constant 0 : i32
    %dma_start3A_60 = arith.constant 0 : i32
    %dma_start3A_61 = tpu.memref_slice %arg6[%dma_start3A, %dma_start3A_60] : memref<40x128xi32, #tpu.memory_space<vmem>> -> memref<1x128xi32, #tpu.memory_space<vmem>>
    %dma_start3A_62 = tpu.memref_squeeze %dma_start3A_61 : memref<1x128xi32, #tpu.memory_space<vmem>> -> memref<128xi32, #tpu.memory_space<vmem>>
    %dma_start3A_63 = arith.constant 0 : i32
    %dma_start3A_64 = arith.constant 0 : i32
    %dma_start3A_65 = tpu.memref_slice %arg2[%dma_start3A_63, %dma_start3A_64] : memref<10000x128xf32, #tpu.memory_space<hbm>> -> memref<10000x128xf32, #tpu.memory_space<hbm>>
    tpu.enqueue_indirect_dma source(%dma_start3A_65 : memref<10000x128xf32, #tpu.memory_space<hbm>>) target(%arg8 : memref<128x128xf32, #tpu.memory_space<vmem>>) offsets(%dma_start3A_62 : memref<128xi32, #tpu.memory_space<vmem>>) semaphore(%arg11 : memref<!tpu.dma_semaphore, #tpu.memory_space<semaphore_mem>>)
    %scan3A_66 = arith.constant 0 : i32
    %scan3A_67 = arith.constant 0 : i32
    %scan3A_68 = arith.constant 20 : i32
    %scan3A_69 = arith.addi %scan3A_67, %scan3A_68 : i32
    %scan3A_70 = arith.constant 1 : i32
    scf.for %scan3A_86 = %scan3A_67 to %scan3A_69 step %scan3A_70  : i32 {
      %mul3A_87 = arith.constant 2 : i32
      %mul3A_88 = arith.muli %mul3A_87, %scan3A_86 : i32
      %mul3A_89 = arith.constant 2 : i32
      %mul3A_90 = arith.muli %mul3A_89, %scan3A_86 : i32
      %add3A_91 = arith.constant 1 : i32
      %add3A_92 = arith.addi %mul3A_90, %add3A_91 : i32
      %dma_start3A_93 = arith.constant 0 : i32
      %dma_start3A_94 = tpu.memref_slice %arg6[%add3A_92, %dma_start3A_93] : memref<40x128xi32, #tpu.memory_space<vmem>> -> memref<1x128xi32, #tpu.memory_space<vmem>>
      %dma_start3A_95 = tpu.memref_squeeze %dma_start3A_94 : memref<1x128xi32, #tpu.memory_space<vmem>> -> memref<128xi32, #tpu.memory_space<vmem>>
      %dma_start3A_96 = arith.constant 0 : i32
      %dma_start3A_97 = arith.constant 0 : i32
      %dma_start3A_98 = tpu.memref_slice %arg2[%dma_start3A_96, %dma_start3A_97] : memref<10000x128xf32, #tpu.memory_space<hbm>> -> memref<10000x128xf32, #tpu.memory_space<hbm>>
      tpu.enqueue_indirect_dma source(%dma_start3A_98 : memref<10000x128xf32, #tpu.memory_space<hbm>>) target(%arg9 : memref<128x128xf32, #tpu.memory_space<vmem>>) offsets(%dma_start3A_95 : memref<128xi32, #tpu.memory_space<vmem>>) semaphore(%arg12 : memref<!tpu.dma_semaphore, #tpu.memory_space<semaphore_mem>>)
      %dma_wait3A = arith.constant 0 : i32
      %dma_wait3A_99 = tpu.memref_slice %arg6[%mul3A_88, %dma_wait3A] : memref<40x128xi32, #tpu.memory_space<vmem>> -> memref<1x128xi32, #tpu.memory_space<vmem>>
      %dma_wait3A_100 = tpu.memref_squeeze %dma_wait3A_99 : memref<1x128xi32, #tpu.memory_space<vmem>> -> memref<128xi32, #tpu.memory_space<vmem>>
      %dma_wait3A_101 = arith.constant 0 : i32
      %dma_wait3A_102 = arith.constant 0 : i32
      %dma_wait3A_103 = tpu.memref_slice %arg2[%dma_wait3A_101, %dma_wait3A_102] : memref<10000x128xf32, #tpu.memory_space<hbm>> -> memref<10000x128xf32, #tpu.memory_space<hbm>>
      tpu.wait_indirect_dma semaphore(%arg11 : memref<!tpu.dma_semaphore, #tpu.memory_space<semaphore_mem>>) src(%dma_wait3A_103 : memref<10000x128xf32, #tpu.memory_space<hbm>>) dst(%arg8 : memref<128x128xf32, #tpu.memory_space<vmem>>)
      "tpu.region"() ({
        %run_scoped3A = tpu.sem_alloc : memref<!tpu.dma_semaphore, #tpu.memory_space<semaphore_mem>>
        %dma_start3A_114 = arith.constant 0 : i32
        %dma_start3A_115 = tpu.memref_slice %arg7[%mul3A_88, %dma_start3A_114] : memref<40x128xi32, #tpu.memory_space<vmem>> -> memref<1x128xi32, #tpu.memory_space<vmem>>
        %dma_start3A_116 = tpu.memref_squeeze %dma_start3A_115 : memref<1x128xi32, #tpu.memory_space<vmem>> -> memref<128xi32, #tpu.memory_space<vmem>>
        %dma_start3A_117 = arith.constant 0 : i32
        %dma_start3A_118 = arith.constant 0 : i32
        %dma_start3A_119 = tpu.memref_slice %arg10[%dma_start3A_117, %dma_start3A_118] : memref<10240x128xf32, #tpu.memory_space<vmem_shared>> -> memref<10240x128xf32, #tpu.memory_space<vmem_shared>>
        tpu.enqueue_indirect_dma source(%arg8 : memref<128x128xf32, #tpu.memory_space<vmem>>) target(%dma_start3A_119 : memref<10240x128xf32, #tpu.memory_space<vmem_shared>>) offsets(%dma_start3A_116 : memref<128xi32, #tpu.memory_space<vmem>>) semaphore(%run_scoped3A : memref<!tpu.dma_semaphore, #tpu.memory_space<semaphore_mem>>) {add = true}
        %dma_wait3A_120 = arith.constant 0 : i32
        %dma_wait3A_121 = tpu.memref_slice %arg7[%mul3A_88, %dma_wait3A_120] : memref<40x128xi32, #tpu.memory_space<vmem>> -> memref<1x128xi32, #tpu.memory_space<vmem>>
        %dma_wait3A_122 = tpu.memref_squeeze %dma_wait3A_121 : memref<1x128xi32, #tpu.memory_space<vmem>> -> memref<128xi32, #tpu.memory_space<vmem>>
        %dma_wait3A_123 = arith.constant 0 : i32
        %dma_wait3A_124 = arith.constant 0 : i32
        %dma_wait3A_125 = tpu.memref_slice %arg10[%dma_wait3A_123, %dma_wait3A_124] : memref<10240x128xf32, #tpu.memory_space<vmem_shared>> -> memref<10240x128xf32, #tpu.memory_space<vmem_shared>>
        tpu.wait_indirect_dma semaphore(%run_scoped3A : memref<!tpu.dma_semaphore, #tpu.memory_space<semaphore_mem>>) src(%arg8 : memref<128x128xf32, #tpu.memory_space<vmem>>) dst(%dma_wait3A_125 : memref<10240x128xf32, #tpu.memory_space<vmem_shared>>)
        tpu.yield
      }) : () -> ()
      %add3A_104 = arith.constant 1 : i32
      %add3A_105 = arith.addi %add3A_92, %add3A_104 : i32
      %lt3A = arith.constant 40 : i32
      %lt3A_106 = arith.cmpi slt, %add3A_105, %lt3A : i32
      %convert_element_type3A = arith.extui %lt3A_106 : i1 to i32
      %cond3A = arith.constant 0 : i32
      %cond3A_107 = arith.cmpi ne, %convert_element_type3A, %cond3A : i32
      scf.if %cond3A_107 {
        %add3A_114 = arith.constant 1 : i32
        %add3A_115 = arith.addi %add3A_92, %add3A_114 : i32
        %dma_start3A_116 = arith.constant 0 : i32
        %dma_start3A_117 = tpu.memref_slice %arg6[%add3A_115, %dma_start3A_116] : memref<40x128xi32, #tpu.memory_space<vmem>> -> memref<1x128xi32, #tpu.memory_space<vmem>>
        %dma_start3A_118 = tpu.memref_squeeze %dma_start3A_117 : memref<1x128xi32, #tpu.memory_space<vmem>> -> memref<128xi32, #tpu.memory_space<vmem>>
        %dma_start3A_119 = arith.constant 0 : i32
        %dma_start3A_120 = arith.constant 0 : i32
        %dma_start3A_121 = tpu.memref_slice %arg2[%dma_start3A_119, %dma_start3A_120] : memref<10000x128xf32, #tpu.memory_space<hbm>> -> memref<10000x128xf32, #tpu.memory_space<hbm>>
        tpu.enqueue_indirect_dma source(%dma_start3A_121 : memref<10000x128xf32, #tpu.memory_space<hbm>>) target(%arg8 : memref<128x128xf32, #tpu.memory_space<vmem>>) offsets(%dma_start3A_118 : memref<128xi32, #tpu.memory_space<vmem>>) semaphore(%arg11 : memref<!tpu.dma_semaphore, #tpu.memory_space<semaphore_mem>>)
      } else {
      }
      %dma_wait3A_108 = arith.constant 0 : i32
      %dma_wait3A_109 = tpu.memref_slice %arg6[%add3A_92, %dma_wait3A_108] : memref<40x128xi32, #tpu.memory_space<vmem>> -> memref<1x128xi32, #tpu.memory_space<vmem>>
      %dma_wait3A_110 = tpu.memref_squeeze %dma_wait3A_109 : memref<1x128xi32, #tpu.memory_space<vmem>> -> memref<128xi32, #tpu.memory_space<vmem>>
      %dma_wait3A_111 = arith.constant 0 : i32
      %dma_wait3A_112 = arith.constant 0 : i32
      %dma_wait3A_113 = tpu.memref_slice %arg2[%dma_wait3A_111, %dma_wait3A_112] : memref<10000x128xf32, #tpu.memory_space<hbm>> -> memref<10000x128xf32, #tpu.memory_space<hbm>>
      tpu.wait_indirect_dma semaphore(%arg12 : memref<!tpu.dma_semaphore, #tpu.memory_space<semaphore_mem>>) src(%dma_wait3A_113 : memref<10000x128xf32, #tpu.memory_space<hbm>>) dst(%arg9 : memref<128x128xf32, #tpu.memory_space<vmem>>)
      "tpu.region"() ({
        %run_scoped3A = tpu.sem_alloc : memref<!tpu.dma_semaphore, #tpu.memory_space<semaphore_mem>>
        %dma_start3A_114 = arith.constant 0 : i32
        %dma_start3A_115 = tpu.memref_slice %arg7[%add3A_92, %dma_start3A_114] : memref<40x128xi32, #tpu.memory_space<vmem>> -> memref<1x128xi32, #tpu.memory_space<vmem>>
        %dma_start3A_116 = tpu.memref_squeeze %dma_start3A_115 : memref<1x128xi32, #tpu.memory_space<vmem>> -> memref<128xi32, #tpu.memory_space<vmem>>
        %dma_start3A_117 = arith.constant 0 : i32
        %dma_start3A_118 = arith.constant 0 : i32
        %dma_start3A_119 = tpu.memref_slice %arg10[%dma_start3A_117, %dma_start3A_118] : memref<10240x128xf32, #tpu.memory_space<vmem_shared>> -> memref<10240x128xf32, #tpu.memory_space<vmem_shared>>
        tpu.enqueue_indirect_dma source(%arg9 : memref<128x128xf32, #tpu.memory_space<vmem>>) target(%dma_start3A_119 : memref<10240x128xf32, #tpu.memory_space<vmem_shared>>) offsets(%dma_start3A_116 : memref<128xi32, #tpu.memory_space<vmem>>) semaphore(%run_scoped3A : memref<!tpu.dma_semaphore, #tpu.memory_space<semaphore_mem>>) {add = true}
        %dma_wait3A_120 = arith.constant 0 : i32
        %dma_wait3A_121 = tpu.memref_slice %arg7[%add3A_92, %dma_wait3A_120] : memref<40x128xi32, #tpu.memory_space<vmem>> -> memref<1x128xi32, #tpu.memory_space<vmem>>
        %dma_wait3A_122 = tpu.memref_squeeze %dma_wait3A_121 : memref<1x128xi32, #tpu.memory_space<vmem>> -> memref<128xi32, #tpu.memory_space<vmem>>
        %dma_wait3A_123 = arith.constant 0 : i32
        %dma_wait3A_124 = arith.constant 0 : i32
        %dma_wait3A_125 = tpu.memref_slice %arg10[%dma_wait3A_123, %dma_wait3A_124] : memref<10240x128xf32, #tpu.memory_space<vmem_shared>> -> memref<10240x128xf32, #tpu.memory_space<vmem_shared>>
        tpu.wait_indirect_dma semaphore(%run_scoped3A : memref<!tpu.dma_semaphore, #tpu.memory_space<semaphore_mem>>) src(%arg9 : memref<128x128xf32, #tpu.memory_space<vmem>>) dst(%dma_wait3A_125 : memref<10240x128xf32, #tpu.memory_space<vmem_shared>>)
        tpu.yield
      }) : () -> ()
    }
    %scan3A_71 = arith.constant 20 : i32
    "tpu.region"() ({
      %run_scoped3A = tpu.sem_alloc : memref<!tpu.dma_semaphore, #tpu.memory_space<semaphore_mem>>
      %dma_start3A_86 = arith.constant 40 : i32
      %dma_start3A_87 = arith.constant 0 : i32
      %dma_start3A_88 = tpu.memref_slice %arg3[%add3A, %dma_start3A_86, %dma_start3A_87] : memref<32x80x128xi32, #tpu.memory_space<hbm>> -> memref<1x40x128xi32, #tpu.memory_space<hbm>>
      %dma_start3A_89 = tpu.memref_squeeze %dma_start3A_88 : memref<1x40x128xi32, #tpu.memory_space<hbm>> -> memref<40x128xi32, #tpu.memory_space<hbm>>
      %dma_start3A_90 = arith.constant 40 : i32
      %dma_start3A_91 = arith.constant 0 : i32
      %dma_start3A_92 = tpu.memref_slice %arg3[%add3A, %dma_start3A_90, %dma_start3A_91] : memref<32x80x128xi32, #tpu.memory_space<hbm>> -> memref<1x40x128xi32, #tpu.memory_space<hbm>>
      %dma_start3A_93 = tpu.memref_squeeze %dma_start3A_92 : memref<1x40x128xi32, #tpu.memory_space<hbm>> -> memref<40x128xi32, #tpu.memory_space<hbm>>
      tpu.enqueue_dma source(%dma_start3A_93 : memref<40x128xi32, #tpu.memory_space<hbm>>) target(%arg6 : memref<40x128xi32, #tpu.memory_space<vmem>>) target_semaphore(%run_scoped3A : memref<!tpu.dma_semaphore, #tpu.memory_space<semaphore_mem>>)
      %dma_wait3A = arith.constant 40 : i32
      %dma_wait3A_94 = arith.constant 0 : i32
      %dma_wait3A_95 = tpu.memref_slice %arg3[%add3A, %dma_wait3A, %dma_wait3A_94] : memref<32x80x128xi32, #tpu.memory_space<hbm>> -> memref<1x40x128xi32, #tpu.memory_space<hbm>>
      %dma_wait3A_96 = tpu.memref_squeeze %dma_wait3A_95 : memref<1x40x128xi32, #tpu.memory_space<hbm>> -> memref<40x128xi32, #tpu.memory_space<hbm>>
      %dma_wait3A_97 = arith.constant 40 : i32
      %dma_wait3A_98 = arith.constant 0 : i32
      %dma_wait3A_99 = tpu.memref_slice %arg3[%add3A, %dma_wait3A_97, %dma_wait3A_98] : memref<32x80x128xi32, #tpu.memory_space<hbm>> -> memref<1x40x128xi32, #tpu.memory_space<hbm>>
      %dma_wait3A_100 = tpu.memref_squeeze %dma_wait3A_99 : memref<1x40x128xi32, #tpu.memory_space<hbm>> -> memref<40x128xi32, #tpu.memory_space<hbm>>
      tpu.wait_dma2 semaphore(%run_scoped3A : memref<!tpu.dma_semaphore, #tpu.memory_space<semaphore_mem>>) src(%dma_wait3A_100 : memref<40x128xi32, #tpu.memory_space<hbm>>) dst(%arg6 : memref<40x128xi32, #tpu.memory_space<vmem>>)
      tpu.yield
    }) : () -> ()
    "tpu.region"() ({
      %run_scoped3A = tpu.sem_alloc : memref<!tpu.dma_semaphore, #tpu.memory_space<semaphore_mem>>
      %dma_start3A_86 = arith.constant 40 : i32
      %dma_start3A_87 = arith.constant 0 : i32
      %dma_start3A_88 = tpu.memref_slice %arg4[%add3A, %dma_start3A_86, %dma_start3A_87] : memref<32x80x128xi32, #tpu.memory_space<hbm>> -> memref<1x40x128xi32, #tpu.memory_space<hbm>>
      %dma_start3A_89 = tpu.memref_squeeze %dma_start3A_88 : memref<1x40x128xi32, #tpu.memory_space<hbm>> -> memref<40x128xi32, #tpu.memory_space<hbm>>
      %dma_start3A_90 = arith.constant 40 : i32
      %dma_start3A_91 = arith.constant 0 : i32
      %dma_start3A_92 = tpu.memref_slice %arg4[%add3A, %dma_start3A_90, %dma_start3A_91] : memref<32x80x128xi32, #tpu.memory_space<hbm>> -> memref<1x40x128xi32, #tpu.memory_space<hbm>>
      %dma_start3A_93 = tpu.memref_squeeze %dma_start3A_92 : memref<1x40x128xi32, #tpu.memory_space<hbm>> -> memref<40x128xi32, #tpu.memory_space<hbm>>
      tpu.enqueue_dma source(%dma_start3A_93 : memref<40x128xi32, #tpu.memory_space<hbm>>) target(%arg7 : memref<40x128xi32, #tpu.memory_space<vmem>>) target_semaphore(%run_scoped3A : memref<!tpu.dma_semaphore, #tpu.memory_space<semaphore_mem>>)
      %dma_wait3A = arith.constant 40 : i32
      %dma_wait3A_94 = arith.constant 0 : i32
      %dma_wait3A_95 = tpu.memref_slice %arg4[%add3A, %dma_wait3A, %dma_wait3A_94] : memref<32x80x128xi32, #tpu.memory_space<hbm>> -> memref<1x40x128xi32, #tpu.memory_space<hbm>>
      %dma_wait3A_96 = tpu.memref_squeeze %dma_wait3A_95 : memref<1x40x128xi32, #tpu.memory_space<hbm>> -> memref<40x128xi32, #tpu.memory_space<hbm>>
      %dma_wait3A_97 = arith.constant 40 : i32
      %dma_wait3A_98 = arith.constant 0 : i32
      %dma_wait3A_99 = tpu.memref_slice %arg4[%add3A, %dma_wait3A_97, %dma_wait3A_98] : memref<32x80x128xi32, #tpu.memory_space<hbm>> -> memref<1x40x128xi32, #tpu.memory_space<hbm>>
      %dma_wait3A_100 = tpu.memref_squeeze %dma_wait3A_99 : memref<1x40x128xi32, #tpu.memory_space<hbm>> -> memref<40x128xi32, #tpu.memory_space<hbm>>
      tpu.wait_dma2 semaphore(%run_scoped3A : memref<!tpu.dma_semaphore, #tpu.memory_space<semaphore_mem>>) src(%dma_wait3A_100 : memref<40x128xi32, #tpu.memory_space<hbm>>) dst(%arg7 : memref<40x128xi32, #tpu.memory_space<vmem>>)
      tpu.yield
    }) : () -> ()
    %dma_start3A_72 = arith.constant 0 : i32
    %dma_start3A_73 = arith.constant 0 : i32
    %dma_start3A_74 = tpu.memref_slice %arg6[%dma_start3A_72, %dma_start3A_73] : memref<40x128xi32, #tpu.memory_space<vmem>> -> memref<1x128xi32, #tpu.memory_space<vmem>>
    %dma_start3A_75 = tpu.memref_squeeze %dma_start3A_74 : memref<1x128xi32, #tpu.memory_space<vmem>> -> memref<128xi32, #tpu.memory_space<vmem>>
    %dma_start3A_76 = arith.constant 0 : i32
    %dma_start3A_77 = arith.constant 0 : i32
    %dma_start3A_78 = tpu.memref_slice %arg2[%dma_start3A_76, %dma_start3A_77] : memref<10000x128xf32, #tpu.memory_space<hbm>> -> memref<10000x128xf32, #tpu.memory_space<hbm>>
    tpu.enqueue_indirect_dma source(%dma_start3A_78 : memref<10000x128xf32, #tpu.memory_space<hbm>>) target(%arg8 : memref<128x128xf32, #tpu.memory_space<vmem>>) offsets(%dma_start3A_75 : memref<128xi32, #tpu.memory_space<vmem>>) semaphore(%arg11 : memref<!tpu.dma_semaphore, #tpu.memory_space<semaphore_mem>>)
    %scan3A_79 = arith.constant 0 : i32
    %scan3A_80 = arith.constant 0 : i32
    %scan3A_81 = arith.constant 20 : i32
    %scan3A_82 = arith.addi %scan3A_80, %scan3A_81 : i32
    %scan3A_83 = arith.constant 1 : i32
    scf.for %scan3A_86 = %scan3A_80 to %scan3A_82 step %scan3A_83  : i32 {
      %mul3A_87 = arith.constant 2 : i32
      %mul3A_88 = arith.muli %mul3A_87, %scan3A_86 : i32
      %mul3A_89 = arith.constant 2 : i32
      %mul3A_90 = arith.muli %mul3A_89, %scan3A_86 : i32
      %add3A_91 = arith.constant 1 : i32
      %add3A_92 = arith.addi %mul3A_90, %add3A_91 : i32
      %dma_start3A_93 = arith.constant 0 : i32
      %dma_start3A_94 = tpu.memref_slice %arg6[%add3A_92, %dma_start3A_93] : memref<40x128xi32, #tpu.memory_space<vmem>> -> memref<1x128xi32, #tpu.memory_space<vmem>>
      %dma_start3A_95 = tpu.memref_squeeze %dma_start3A_94 : memref<1x128xi32, #tpu.memory_space<vmem>> -> memref<128xi32, #tpu.memory_space<vmem>>
      %dma_start3A_96 = arith.constant 0 : i32
      %dma_start3A_97 = arith.constant 0 : i32
      %dma_start3A_98 = tpu.memref_slice %arg2[%dma_start3A_96, %dma_start3A_97] : memref<10000x128xf32, #tpu.memory_space<hbm>> -> memref<10000x128xf32, #tpu.memory_space<hbm>>
      tpu.enqueue_indirect_dma source(%dma_start3A_98 : memref<10000x128xf32, #tpu.memory_space<hbm>>) target(%arg9 : memref<128x128xf32, #tpu.memory_space<vmem>>) offsets(%dma_start3A_95 : memref<128xi32, #tpu.memory_space<vmem>>) semaphore(%arg12 : memref<!tpu.dma_semaphore, #tpu.memory_space<semaphore_mem>>)
      %dma_wait3A = arith.constant 0 : i32
      %dma_wait3A_99 = tpu.memref_slice %arg6[%mul3A_88, %dma_wait3A] : memref<40x128xi32, #tpu.memory_space<vmem>> -> memref<1x128xi32, #tpu.memory_space<vmem>>
      %dma_wait3A_100 = tpu.memref_squeeze %dma_wait3A_99 : memref<1x128xi32, #tpu.memory_space<vmem>> -> memref<128xi32, #tpu.memory_space<vmem>>
      %dma_wait3A_101 = arith.constant 0 : i32
      %dma_wait3A_102 = arith.constant 0 : i32
      %dma_wait3A_103 = tpu.memref_slice %arg2[%dma_wait3A_101, %dma_wait3A_102] : memref<10000x128xf32, #tpu.memory_space<hbm>> -> memref<10000x128xf32, #tpu.memory_space<hbm>>
      tpu.wait_indirect_dma semaphore(%arg11 : memref<!tpu.dma_semaphore, #tpu.memory_space<semaphore_mem>>) src(%dma_wait3A_103 : memref<10000x128xf32, #tpu.memory_space<hbm>>) dst(%arg8 : memref<128x128xf32, #tpu.memory_space<vmem>>)
      "tpu.region"() ({
        %run_scoped3A = tpu.sem_alloc : memref<!tpu.dma_semaphore, #tpu.memory_space<semaphore_mem>>
        %dma_start3A_114 = arith.constant 0 : i32
        %dma_start3A_115 = tpu.memref_slice %arg7[%mul3A_88, %dma_start3A_114] : memref<40x128xi32, #tpu.memory_space<vmem>> -> memref<1x128xi32, #tpu.memory_space<vmem>>
        %dma_start3A_116 = tpu.memref_squeeze %dma_start3A_115 : memref<1x128xi32, #tpu.memory_space<vmem>> -> memref<128xi32, #tpu.memory_space<vmem>>
        %dma_start3A_117 = arith.constant 0 : i32
        %dma_start3A_118 = arith.constant 0 : i32
        %dma_start3A_119 = tpu.memref_slice %arg10[%dma_start3A_117, %dma_start3A_118] : memref<10240x128xf32, #tpu.memory_space<vmem_shared>> -> memref<10240x128xf32, #tpu.memory_space<vmem_shared>>
        tpu.enqueue_indirect_dma source(%arg8 : memref<128x128xf32, #tpu.memory_space<vmem>>) target(%dma_start3A_119 : memref<10240x128xf32, #tpu.memory_space<vmem_shared>>) offsets(%dma_start3A_116 : memref<128xi32, #tpu.memory_space<vmem>>) semaphore(%run_scoped3A : memref<!tpu.dma_semaphore, #tpu.memory_space<semaphore_mem>>) {add = true}
        %dma_wait3A_120 = arith.constant 0 : i32
        %dma_wait3A_121 = tpu.memref_slice %arg7[%mul3A_88, %dma_wait3A_120] : memref<40x128xi32, #tpu.memory_space<vmem>> -> memref<1x128xi32, #tpu.memory_space<vmem>>
        %dma_wait3A_122 = tpu.memref_squeeze %dma_wait3A_121 : memref<1x128xi32, #tpu.memory_space<vmem>> -> memref<128xi32, #tpu.memory_space<vmem>>
        %dma_wait3A_123 = arith.constant 0 : i32
        %dma_wait3A_124 = arith.constant 0 : i32
        %dma_wait3A_125 = tpu.memref_slice %arg10[%dma_wait3A_123, %dma_wait3A_124] : memref<10240x128xf32, #tpu.memory_space<vmem_shared>> -> memref<10240x128xf32, #tpu.memory_space<vmem_shared>>
        tpu.wait_indirect_dma semaphore(%run_scoped3A : memref<!tpu.dma_semaphore, #tpu.memory_space<semaphore_mem>>) src(%arg8 : memref<128x128xf32, #tpu.memory_space<vmem>>) dst(%dma_wait3A_125 : memref<10240x128xf32, #tpu.memory_space<vmem_shared>>)
        tpu.yield
      }) : () -> ()
      %add3A_104 = arith.constant 1 : i32
      %add3A_105 = arith.addi %add3A_92, %add3A_104 : i32
      %lt3A = arith.constant 40 : i32
      %lt3A_106 = arith.cmpi slt, %add3A_105, %lt3A : i32
      %convert_element_type3A = arith.extui %lt3A_106 : i1 to i32
      %cond3A = arith.constant 0 : i32
      %cond3A_107 = arith.cmpi ne, %convert_element_type3A, %cond3A : i32
      scf.if %cond3A_107 {
        %add3A_114 = arith.constant 1 : i32
        %add3A_115 = arith.addi %add3A_92, %add3A_114 : i32
        %dma_start3A_116 = arith.constant 0 : i32
        %dma_start3A_117 = tpu.memref_slice %arg6[%add3A_115, %dma_start3A_116] : memref<40x128xi32, #tpu.memory_space<vmem>> -> memref<1x128xi32, #tpu.memory_space<vmem>>
        %dma_start3A_118 = tpu.memref_squeeze %dma_start3A_117 : memref<1x128xi32, #tpu.memory_space<vmem>> -> memref<128xi32, #tpu.memory_space<vmem>>
        %dma_start3A_119 = arith.constant 0 : i32
        %dma_start3A_120 = arith.constant 0 : i32
        %dma_start3A_121 = tpu.memref_slice %arg2[%dma_start3A_119, %dma_start3A_120] : memref<10000x128xf32, #tpu.memory_space<hbm>> -> memref<10000x128xf32, #tpu.memory_space<hbm>>
        tpu.enqueue_indirect_dma source(%dma_start3A_121 : memref<10000x128xf32, #tpu.memory_space<hbm>>) target(%arg8 : memref<128x128xf32, #tpu.memory_space<vmem>>) offsets(%dma_start3A_118 : memref<128xi32, #tpu.memory_space<vmem>>) semaphore(%arg11 : memref<!tpu.dma_semaphore, #tpu.memory_space<semaphore_mem>>)
      } else {
      }
      %dma_wait3A_108 = arith.constant 0 : i32
      %dma_wait3A_109 = tpu.memref_slice %arg6[%add3A_92, %dma_wait3A_108] : memref<40x128xi32, #tpu.memory_space<vmem>> -> memref<1x128xi32, #tpu.memory_space<vmem>>
      %dma_wait3A_110 = tpu.memref_squeeze %dma_wait3A_109 : memref<1x128xi32, #tpu.memory_space<vmem>> -> memref<128xi32, #tpu.memory_space<vmem>>
      %dma_wait3A_111 = arith.constant 0 : i32
      %dma_wait3A_112 = arith.constant 0 : i32
      %dma_wait3A_113 = tpu.memref_slice %arg2[%dma_wait3A_111, %dma_wait3A_112] : memref<10000x128xf32, #tpu.memory_space<hbm>> -> memref<10000x128xf32, #tpu.memory_space<hbm>>
      tpu.wait_indirect_dma semaphore(%arg12 : memref<!tpu.dma_semaphore, #tpu.memory_space<semaphore_mem>>) src(%dma_wait3A_113 : memref<10000x128xf32, #tpu.memory_space<hbm>>) dst(%arg9 : memref<128x128xf32, #tpu.memory_space<vmem>>)
      "tpu.region"() ({
        %run_scoped3A = tpu.sem_alloc : memref<!tpu.dma_semaphore, #tpu.memory_space<semaphore_mem>>
        %dma_start3A_114 = arith.constant 0 : i32
        %dma_start3A_115 = tpu.memref_slice %arg7[%add3A_92, %dma_start3A_114] : memref<40x128xi32, #tpu.memory_space<vmem>> -> memref<1x128xi32, #tpu.memory_space<vmem>>
        %dma_start3A_116 = tpu.memref_squeeze %dma_start3A_115 : memref<1x128xi32, #tpu.memory_space<vmem>> -> memref<128xi32, #tpu.memory_space<vmem>>
        %dma_start3A_117 = arith.constant 0 : i32
        %dma_start3A_118 = arith.constant 0 : i32
        %dma_start3A_119 = tpu.memref_slice %arg10[%dma_start3A_117, %dma_start3A_118] : memref<10240x128xf32, #tpu.memory_space<vmem_shared>> -> memref<10240x128xf32, #tpu.memory_space<vmem_shared>>
        tpu.enqueue_indirect_dma source(%arg9 : memref<128x128xf32, #tpu.memory_space<vmem>>) target(%dma_start3A_119 : memref<10240x128xf32, #tpu.memory_space<vmem_shared>>) offsets(%dma_start3A_116 : memref<128xi32, #tpu.memory_space<vmem>>) semaphore(%run_scoped3A : memref<!tpu.dma_semaphore, #tpu.memory_space<semaphore_mem>>) {add = true}
        %dma_wait3A_120 = arith.constant 0 : i32
        %dma_wait3A_121 = tpu.memref_slice %arg7[%add3A_92, %dma_wait3A_120] : memref<40x128xi32, #tpu.memory_space<vmem>> -> memref<1x128xi32, #tpu.memory_space<vmem>>
        %dma_wait3A_122 = tpu.memref_squeeze %dma_wait3A_121 : memref<1x128xi32, #tpu.memory_space<vmem>> -> memref<128xi32, #tpu.memory_space<vmem>>
        %dma_wait3A_123 = arith.constant 0 : i32
        %dma_wait3A_124 = arith.constant 0 : i32
        %dma_wait3A_125 = tpu.memref_slice %arg10[%dma_wait3A_123, %dma_wait3A_124] : memref<10240x128xf32, #tpu.memory_space<vmem_shared>> -> memref<10240x128xf32, #tpu.memory_space<vmem_shared>>
        tpu.wait_indirect_dma semaphore(%run_scoped3A : memref<!tpu.dma_semaphore, #tpu.memory_space<semaphore_mem>>) src(%arg9 : memref<128x128xf32, #tpu.memory_space<vmem>>) dst(%dma_wait3A_125 : memref<10240x128xf32, #tpu.memory_space<vmem_shared>>)
        tpu.yield
      }) : () -> ()
    }
    %scan3A_84 = arith.constant 20 : i32
    %barrier3A_85 = arith.constant 0 : index
    tpu.barrier barrier_id(%barrier3A_85)
    "tpu.region"() ({
      %run_scoped3A = tpu.sem_alloc : memref<!tpu.dma_semaphore, #tpu.memory_space<semaphore_mem>>
      %dma_start3A_86 = arith.constant 0 : i32
      %dma_start3A_87 = tpu.memref_slice %arg5[%arg0, %mul3A_2, %dma_start3A_86] : memref<2x10240x128xf32, #tpu.memory_space<hbm>> -> memref<1x640x128xf32, #tpu.memory_space<hbm>>
      %dma_start3A_88 = tpu.memref_squeeze %dma_start3A_87 : memref<1x640x128xf32, #tpu.memory_space<hbm>> -> memref<640x128xf32, #tpu.memory_space<hbm>>
      %dma_start3A_89 = arith.constant 0 : i32
      %dma_start3A_90 = tpu.memref_slice %arg10[%mul3A_2, %dma_start3A_89] : memref<10240x128xf32, #tpu.memory_space<vmem_shared>> -> memref<640x128xf32, #tpu.memory_space<vmem_shared>>
      tpu.enqueue_dma source(%dma_start3A_90 : memref<640x128xf32, #tpu.memory_space<vmem_shared>>) target(%dma_start3A_88 : memref<640x128xf32, #tpu.memory_space<hbm>>) target_semaphore(%run_scoped3A : memref<!tpu.dma_semaphore, #tpu.memory_space<semaphore_mem>>)
      %dma_wait3A = arith.constant 0 : i32
      %dma_wait3A_91 = tpu.memref_slice %arg5[%arg0, %mul3A_2, %dma_wait3A] : memref<2x10240x128xf32, #tpu.memory_space<hbm>> -> memref<1x640x128xf32, #tpu.memory_space<hbm>>
      %dma_wait3A_92 = tpu.memref_squeeze %dma_wait3A_91 : memref<1x640x128xf32, #tpu.memory_space<hbm>> -> memref<640x128xf32, #tpu.memory_space<hbm>>
      %dma_wait3A_93 = arith.constant 0 : i32
      %dma_wait3A_94 = tpu.memref_slice %arg10[%mul3A_2, %dma_wait3A_93] : memref<10240x128xf32, #tpu.memory_space<vmem_shared>> -> memref<640x128xf32, #tpu.memory_space<vmem_shared>>
      tpu.wait_dma2 semaphore(%run_scoped3A : memref<!tpu.dma_semaphore, #tpu.memory_space<semaphore_mem>>) src(%dma_wait3A_94 : memref<640x128xf32, #tpu.memory_space<vmem_shared>>) dst(%dma_wait3A_92 : memref<640x128xf32, #tpu.memory_space<hbm>>)
      tpu.yield
    }) : () -> ()
    return
  }
}

#map = affine_map<(d0, d1) -> (0, 0)>
#map1 = affine_map<(d0, d1) -> (0, 0, 0)>
module attributes {stable_mosaic.version = 14 : i64} {
  func.func @_sc_agg_body(%arg0: i32, %arg1: i32, %arg2: memref<10000x128xf32, #tpu.memory_space<hbm>>, %arg3: memref<32x80x128xi32, #tpu.memory_space<hbm>>, %arg4: memref<32x80x128xi32, #tpu.memory_space<hbm>>, %arg5: memref<2x10240x128xf32, #tpu.memory_space<hbm>>, %arg6: memref<40x128xi32, #tpu.memory_space<vmem>>, %arg7: memref<40x128xi32, #tpu.memory_space<vmem>>, %arg8: memref<128x128xf32, #tpu.memory_space<vmem>>, %arg9: memref<128x128xf32, #tpu.memory_space<vmem>>, %arg10: memref<10240x128xf32, #tpu.memory_space<vmem_shared>>, %arg11: memref<!tpu.dma_semaphore, #tpu.memory_space<semaphore_mem>>, %arg12: memref<!tpu.dma_semaphore, #tpu.memory_space<semaphore_mem>>) attributes {dimension_semantics = [#tpu.dimension_semantics<core_parallel>, #tpu.dimension_semantics<subcore_parallel>], iteration_bounds = array<i64: 2, 16>, scalar_prefetch = 0 : i64, scratch_operands = 7 : i64, tpu.core_type = #tpu.core_type<sc_vector_subcore>, window_params = [{transform_indices = #map}, {transform_indices = #map1}, {transform_indices = #map1}, {transform_indices = #map1}]} {
    %mul3A = arith.constant 2 : i32
    %mul3A_0 = arith.muli %arg1, %mul3A : i32
    %add3A = arith.addi %mul3A_0, %arg0 : i32
    %mul3A_1 = arith.constant 640 : i32
    %mul3A_2 = arith.muli %arg1, %mul3A_1 : i32
    %scan3A = arith.constant 0 : i32
    %scan3A_3 = arith.constant 0 : i32
    %scan3A_4 = arith.constant 128 : i32
    %scan3A_5 = arith.addi %scan3A_3, %scan3A_4 : i32
    %scan3A_6 = arith.constant 1 : i32
    scf.for %scan3A_86 = %scan3A_3 to %scan3A_5 step %scan3A_6  : i32 {
      %broadcast_in_dim3A = arith.constant 0.000000e+00 : f32
      %broadcast_in_dim3A_87 = vector.broadcast %broadcast_in_dim3A : f32 to vector<16xf32>
      %swap3A = arith.index_cast %scan3A_86 : i32 to index
      %swap3A_88 = arith.constant 0 : index
      %swap3A_89 = tpu.vector_load %arg8[%swap3A, %swap3A_88] {strides = array<i32>} : memref<128x128xf32, #tpu.memory_space<vmem>>, vector<1x16xf32>,
      %swap3A_90 = vector.shape_cast %swap3A_89 : vector<1x16xf32> to vector<16xf32>
      %swap3A_91 = vector.shape_cast %broadcast_in_dim3A_87 : vector<16xf32> to vector<1x16xf32>
      tpu.vector_store %arg8[%swap3A, %swap3A_88], %swap3A_91 {strides = array<i32>} : memref<128x128xf32, #tpu.memory_space<vmem>>, vector<1x16xf32>,
    }
    %scan3A_7 = arith.constant 128 : i32
    %scan3A_8 = arith.constant 0 : i32
    %scan3A_9 = arith.constant 0 : i32
    %scan3A_10 = arith.constant 128 : i32
    %scan3A_11 = arith.addi %scan3A_9, %scan3A_10 : i32
    %scan3A_12 = arith.constant 1 : i32
    scf.for %scan3A_86 = %scan3A_9 to %scan3A_11 step %scan3A_12  : i32 {
      %broadcast_in_dim3A = arith.constant 0.000000e+00 : f32
      %broadcast_in_dim3A_87 = vector.broadcast %broadcast_in_dim3A : f32 to vector<16xf32>
      %swap3A = arith.index_cast %scan3A_86 : i32 to index
      %swap3A_88 = arith.constant 16 : index
      %swap3A_89 = tpu.vector_load %arg8[%swap3A, %swap3A_88] {strides = array<i32>} : memref<128x128xf32, #tpu.memory_space<vmem>>, vector<1x16xf32>,
      %swap3A_90 = vector.shape_cast %swap3A_89 : vector<1x16xf32> to vector<16xf32>
      %swap3A_91 = vector.shape_cast %broadcast_in_dim3A_87 : vector<16xf32> to vector<1x16xf32>
      tpu.vector_store %arg8[%swap3A, %swap3A_88], %swap3A_91 {strides = array<i32>} : memref<128x128xf32, #tpu.memory_space<vmem>>, vector<1x16xf32>,
    }
    %scan3A_13 = arith.constant 128 : i32
    %scan3A_14 = arith.constant 0 : i32
    %scan3A_15 = arith.constant 0 : i32
    %scan3A_16 = arith.constant 128 : i32
    %scan3A_17 = arith.addi %scan3A_15, %scan3A_16 : i32
    %scan3A_18 = arith.constant 1 : i32
    scf.for %scan3A_86 = %scan3A_15 to %scan3A_17 step %scan3A_18  : i32 {
      %broadcast_in_dim3A = arith.constant 0.000000e+00 : f32
      %broadcast_in_dim3A_87 = vector.broadcast %broadcast_in_dim3A : f32 to vector<16xf32>
      %swap3A = arith.index_cast %scan3A_86 : i32 to index
      %swap3A_88 = arith.constant 32 : index
      %swap3A_89 = tpu.vector_load %arg8[%swap3A, %swap3A_88] {strides = array<i32>} : memref<128x128xf32, #tpu.memory_space<vmem>>, vector<1x16xf32>,
      %swap3A_90 = vector.shape_cast %swap3A_89 : vector<1x16xf32> to vector<16xf32>
      %swap3A_91 = vector.shape_cast %broadcast_in_dim3A_87 : vector<16xf32> to vector<1x16xf32>
      tpu.vector_store %arg8[%swap3A, %swap3A_88], %swap3A_91 {strides = array<i32>} : memref<128x128xf32, #tpu.memory_space<vmem>>, vector<1x16xf32>,
    }
    %scan3A_19 = arith.constant 128 : i32
    %scan3A_20 = arith.constant 0 : i32
    %scan3A_21 = arith.constant 0 : i32
    %scan3A_22 = arith.constant 128 : i32
    %scan3A_23 = arith.addi %scan3A_21, %scan3A_22 : i32
    %scan3A_24 = arith.constant 1 : i32
    scf.for %scan3A_86 = %scan3A_21 to %scan3A_23 step %scan3A_24  : i32 {
      %broadcast_in_dim3A = arith.constant 0.000000e+00 : f32
      %broadcast_in_dim3A_87 = vector.broadcast %broadcast_in_dim3A : f32 to vector<16xf32>
      %swap3A = arith.index_cast %scan3A_86 : i32 to index
      %swap3A_88 = arith.constant 48 : index
      %swap3A_89 = tpu.vector_load %arg8[%swap3A, %swap3A_88] {strides = array<i32>} : memref<128x128xf32, #tpu.memory_space<vmem>>, vector<1x16xf32>,
      %swap3A_90 = vector.shape_cast %swap3A_89 : vector<1x16xf32> to vector<16xf32>
      %swap3A_91 = vector.shape_cast %broadcast_in_dim3A_87 : vector<16xf32> to vector<1x16xf32>
      tpu.vector_store %arg8[%swap3A, %swap3A_88], %swap3A_91 {strides = array<i32>} : memref<128x128xf32, #tpu.memory_space<vmem>>, vector<1x16xf32>,
    }
    %scan3A_25 = arith.constant 128 : i32
    %scan3A_26 = arith.constant 0 : i32
    %scan3A_27 = arith.constant 0 : i32
    %scan3A_28 = arith.constant 128 : i32
    %scan3A_29 = arith.addi %scan3A_27, %scan3A_28 : i32
    %scan3A_30 = arith.constant 1 : i32
    scf.for %scan3A_86 = %scan3A_27 to %scan3A_29 step %scan3A_30  : i32 {
      %broadcast_in_dim3A = arith.constant 0.000000e+00 : f32
      %broadcast_in_dim3A_87 = vector.broadcast %broadcast_in_dim3A : f32 to vector<16xf32>
      %swap3A = arith.index_cast %scan3A_86 : i32 to index
      %swap3A_88 = arith.constant 64 : index
      %swap3A_89 = tpu.vector_load %arg8[%swap3A, %swap3A_88] {strides = array<i32>} : memref<128x128xf32, #tpu.memory_space<vmem>>, vector<1x16xf32>,
      %swap3A_90 = vector.shape_cast %swap3A_89 : vector<1x16xf32> to vector<16xf32>
      %swap3A_91 = vector.shape_cast %broadcast_in_dim3A_87 : vector<16xf32> to vector<1x16xf32>
      tpu.vector_store %arg8[%swap3A, %swap3A_88], %swap3A_91 {strides = array<i32>} : memref<128x128xf32, #tpu.memory_space<vmem>>, vector<1x16xf32>,
    }
    %scan3A_31 = arith.constant 128 : i32
    %scan3A_32 = arith.constant 0 : i32
    %scan3A_33 = arith.constant 0 : i32
    %scan3A_34 = arith.constant 128 : i32
    %scan3A_35 = arith.addi %scan3A_33, %scan3A_34 : i32
    %scan3A_36 = arith.constant 1 : i32
    scf.for %scan3A_86 = %scan3A_33 to %scan3A_35 step %scan3A_36  : i32 {
      %broadcast_in_dim3A = arith.constant 0.000000e+00 : f32
      %broadcast_in_dim3A_87 = vector.broadcast %broadcast_in_dim3A : f32 to vector<16xf32>
      %swap3A = arith.index_cast %scan3A_86 : i32 to index
      %swap3A_88 = arith.constant 80 : index
      %swap3A_89 = tpu.vector_load %arg8[%swap3A, %swap3A_88] {strides = array<i32>} : memref<128x128xf32, #tpu.memory_space<vmem>>, vector<1x16xf32>,
      %swap3A_90 = vector.shape_cast %swap3A_89 : vector<1x16xf32> to vector<16xf32>
      %swap3A_91 = vector.shape_cast %broadcast_in_dim3A_87 : vector<16xf32> to vector<1x16xf32>
      tpu.vector_store %arg8[%swap3A, %swap3A_88], %swap3A_91 {strides = array<i32>} : memref<128x128xf32, #tpu.memory_space<vmem>>, vector<1x16xf32>,
    }
    %scan3A_37 = arith.constant 128 : i32
    %scan3A_38 = arith.constant 0 : i32
    %scan3A_39 = arith.constant 0 : i32
    %scan3A_40 = arith.constant 128 : i32
    %scan3A_41 = arith.addi %scan3A_39, %scan3A_40 : i32
    %scan3A_42 = arith.constant 1 : i32
    scf.for %scan3A_86 = %scan3A_39 to %scan3A_41 step %scan3A_42  : i32 {
      %broadcast_in_dim3A = arith.constant 0.000000e+00 : f32
      %broadcast_in_dim3A_87 = vector.broadcast %broadcast_in_dim3A : f32 to vector<16xf32>
      %swap3A = arith.index_cast %scan3A_86 : i32 to index
      %swap3A_88 = arith.constant 96 : index
      %swap3A_89 = tpu.vector_load %arg8[%swap3A, %swap3A_88] {strides = array<i32>} : memref<128x128xf32, #tpu.memory_space<vmem>>, vector<1x16xf32>,
      %swap3A_90 = vector.shape_cast %swap3A_89 : vector<1x16xf32> to vector<16xf32>
      %swap3A_91 = vector.shape_cast %broadcast_in_dim3A_87 : vector<16xf32> to vector<1x16xf32>
      tpu.vector_store %arg8[%swap3A, %swap3A_88], %swap3A_91 {strides = array<i32>} : memref<128x128xf32, #tpu.memory_space<vmem>>, vector<1x16xf32>,
    }
    %scan3A_43 = arith.constant 128 : i32
    %scan3A_44 = arith.constant 0 : i32
    %scan3A_45 = arith.constant 0 : i32
    %scan3A_46 = arith.constant 128 : i32
    %scan3A_47 = arith.addi %scan3A_45, %scan3A_46 : i32
    %scan3A_48 = arith.constant 1 : i32
    scf.for %scan3A_86 = %scan3A_45 to %scan3A_47 step %scan3A_48  : i32 {
      %broadcast_in_dim3A = arith.constant 0.000000e+00 : f32
      %broadcast_in_dim3A_87 = vector.broadcast %broadcast_in_dim3A : f32 to vector<16xf32>
      %swap3A = arith.index_cast %scan3A_86 : i32 to index
      %swap3A_88 = arith.constant 112 : index
      %swap3A_89 = tpu.vector_load %arg8[%swap3A, %swap3A_88] {strides = array<i32>} : memref<128x128xf32, #tpu.memory_space<vmem>>, vector<1x16xf32>,
      %swap3A_90 = vector.shape_cast %swap3A_89 : vector<1x16xf32> to vector<16xf32>
      %swap3A_91 = vector.shape_cast %broadcast_in_dim3A_87 : vector<16xf32> to vector<1x16xf32>
      tpu.vector_store %arg8[%swap3A, %swap3A_88], %swap3A_91 {strides = array<i32>} : memref<128x128xf32, #tpu.memory_space<vmem>>, vector<1x16xf32>,
    }
    %scan3A_49 = arith.constant 128 : i32
    %add3A_50 = arith.constant 0 : i32
    %add3A_51 = arith.addi %mul3A_2, %add3A_50 : i32
    "tpu.region"() ({
      %run_scoped3A = tpu.sem_alloc : memref<!tpu.dma_semaphore, #tpu.memory_space<semaphore_mem>>
      %dma_start3A_86 = arith.constant 0 : i32
      %dma_start3A_87 = tpu.memref_slice %arg10[%add3A_51, %dma_start3A_86] : memref<10240x128xf32, #tpu.memory_space<vmem_shared>> -> memref<128x128xf32, #tpu.memory_space<vmem_shared>>
      %dma_start3A_88 = arith.constant 0 : i32
      %dma_start3A_89 = tpu.memref_slice %arg10[%add3A_51, %dma_start3A_88] : memref<10240x128xf32, #tpu.memory_space<vmem_shared>> -> memref<128x128xf32, #tpu.memory_space<vmem_shared>>
      tpu.enqueue_dma source(%arg8 : memref<128x128xf32, #tpu.memory_space<vmem>>) target(%dma_start3A_89 : memref<128x128xf32, #tpu.memory_space<vmem_shared>>) target_semaphore(%run_scoped3A : memref<!tpu.dma_semaphore, #tpu.memory_space<semaphore_mem>>)
      %dma_wait3A = arith.constant 0 : i32
      %dma_wait3A_90 = tpu.memref_slice %arg10[%add3A_51, %dma_wait3A] : memref<10240x128xf32, #tpu.memory_space<vmem_shared>> -> memref<128x128xf32, #tpu.memory_space<vmem_shared>>
      %dma_wait3A_91 = arith.constant 0 : i32
      %dma_wait3A_92 = tpu.memref_slice %arg10[%add3A_51, %dma_wait3A_91] : memref<10240x128xf32, #tpu.memory_space<vmem_shared>> -> memref<128x128xf32, #tpu.memory_space<vmem_shared>>
      tpu.wait_dma2 semaphore(%run_scoped3A : memref<!tpu.dma_semaphore, #tpu.memory_space<semaphore_mem>>) src(%arg8 : memref<128x128xf32, #tpu.memory_space<vmem>>) dst(%dma_wait3A_92 : memref<128x128xf32, #tpu.memory_space<vmem_shared>>)
      tpu.yield
    }) : () -> ()
    %add3A_52 = arith.constant 128 : i32
    %add3A_53 = arith.addi %mul3A_2, %add3A_52 : i32
    "tpu.region"() ({
      %run_scoped3A = tpu.sem_alloc : memref<!tpu.dma_semaphore, #tpu.memory_space<semaphore_mem>>
      %dma_start3A_86 = arith.constant 0 : i32
      %dma_start3A_87 = tpu.memref_slice %arg10[%add3A_53, %dma_start3A_86] : memref<10240x128xf32, #tpu.memory_space<vmem_shared>> -> memref<128x128xf32, #tpu.memory_space<vmem_shared>>
      %dma_start3A_88 = arith.constant 0 : i32
      %dma_start3A_89 = tpu.memref_slice %arg10[%add3A_53, %dma_start3A_88] : memref<10240x128xf32, #tpu.memory_space<vmem_shared>> -> memref<128x128xf32, #tpu.memory_space<vmem_shared>>
      tpu.enqueue_dma source(%arg8 : memref<128x128xf32, #tpu.memory_space<vmem>>) target(%dma_start3A_89 : memref<128x128xf32, #tpu.memory_space<vmem_shared>>) target_semaphore(%run_scoped3A : memref<!tpu.dma_semaphore, #tpu.memory_space<semaphore_mem>>)
      %dma_wait3A = arith.constant 0 : i32
      %dma_wait3A_90 = tpu.memref_slice %arg10[%add3A_53, %dma_wait3A] : memref<10240x128xf32, #tpu.memory_space<vmem_shared>> -> memref<128x128xf32, #tpu.memory_space<vmem_shared>>
      %dma_wait3A_91 = arith.constant 0 : i32
      %dma_wait3A_92 = tpu.memref_slice %arg10[%add3A_53, %dma_wait3A_91] : memref<10240x128xf32, #tpu.memory_space<vmem_shared>> -> memref<128x128xf32, #tpu.memory_space<vmem_shared>>
      tpu.wait_dma2 semaphore(%run_scoped3A : memref<!tpu.dma_semaphore, #tpu.memory_space<semaphore_mem>>) src(%arg8 : memref<128x128xf32, #tpu.memory_space<vmem>>) dst(%dma_wait3A_92 : memref<128x128xf32, #tpu.memory_space<vmem_shared>>)
      tpu.yield
    }) : () -> ()
    %add3A_54 = arith.constant 256 : i32
    %add3A_55 = arith.addi %mul3A_2, %add3A_54 : i32
    "tpu.region"() ({
      %run_scoped3A = tpu.sem_alloc : memref<!tpu.dma_semaphore, #tpu.memory_space<semaphore_mem>>
      %dma_start3A_86 = arith.constant 0 : i32
      %dma_start3A_87 = tpu.memref_slice %arg10[%add3A_55, %dma_start3A_86] : memref<10240x128xf32, #tpu.memory_space<vmem_shared>> -> memref<128x128xf32, #tpu.memory_space<vmem_shared>>
      %dma_start3A_88 = arith.constant 0 : i32
      %dma_start3A_89 = tpu.memref_slice %arg10[%add3A_55, %dma_start3A_88] : memref<10240x128xf32, #tpu.memory_space<vmem_shared>> -> memref<128x128xf32, #tpu.memory_space<vmem_shared>>
      tpu.enqueue_dma source(%arg8 : memref<128x128xf32, #tpu.memory_space<vmem>>) target(%dma_start3A_89 : memref<128x128xf32, #tpu.memory_space<vmem_shared>>) target_semaphore(%run_scoped3A : memref<!tpu.dma_semaphore, #tpu.memory_space<semaphore_mem>>)
      %dma_wait3A = arith.constant 0 : i32
      %dma_wait3A_90 = tpu.memref_slice %arg10[%add3A_55, %dma_wait3A] : memref<10240x128xf32, #tpu.memory_space<vmem_shared>> -> memref<128x128xf32, #tpu.memory_space<vmem_shared>>
      %dma_wait3A_91 = arith.constant 0 : i32
      %dma_wait3A_92 = tpu.memref_slice %arg10[%add3A_55, %dma_wait3A_91] : memref<10240x128xf32, #tpu.memory_space<vmem_shared>> -> memref<128x128xf32, #tpu.memory_space<vmem_shared>>
      tpu.wait_dma2 semaphore(%run_scoped3A : memref<!tpu.dma_semaphore, #tpu.memory_space<semaphore_mem>>) src(%arg8 : memref<128x128xf32, #tpu.memory_space<vmem>>) dst(%dma_wait3A_92 : memref<128x128xf32, #tpu.memory_space<vmem_shared>>)
      tpu.yield
    }) : () -> ()
    %add3A_56 = arith.constant 384 : i32
    %add3A_57 = arith.addi %mul3A_2, %add3A_56 : i32
    "tpu.region"() ({
      %run_scoped3A = tpu.sem_alloc : memref<!tpu.dma_semaphore, #tpu.memory_space<semaphore_mem>>
      %dma_start3A_86 = arith.constant 0 : i32
      %dma_start3A_87 = tpu.memref_slice %arg10[%add3A_57, %dma_start3A_86] : memref<10240x128xf32, #tpu.memory_space<vmem_shared>> -> memref<128x128xf32, #tpu.memory_space<vmem_shared>>
      %dma_start3A_88 = arith.constant 0 : i32
      %dma_start3A_89 = tpu.memref_slice %arg10[%add3A_57, %dma_start3A_88] : memref<10240x128xf32, #tpu.memory_space<vmem_shared>> -> memref<128x128xf32, #tpu.memory_space<vmem_shared>>
      tpu.enqueue_dma source(%arg8 : memref<128x128xf32, #tpu.memory_space<vmem>>) target(%dma_start3A_89 : memref<128x128xf32, #tpu.memory_space<vmem_shared>>) target_semaphore(%run_scoped3A : memref<!tpu.dma_semaphore, #tpu.memory_space<semaphore_mem>>)
      %dma_wait3A = arith.constant 0 : i32
      %dma_wait3A_90 = tpu.memref_slice %arg10[%add3A_57, %dma_wait3A] : memref<10240x128xf32, #tpu.memory_space<vmem_shared>> -> memref<128x128xf32, #tpu.memory_space<vmem_shared>>
      %dma_wait3A_91 = arith.constant 0 : i32
      %dma_wait3A_92 = tpu.memref_slice %arg10[%add3A_57, %dma_wait3A_91] : memref<10240x128xf32, #tpu.memory_space<vmem_shared>> -> memref<128x128xf32, #tpu.memory_space<vmem_shared>>
      tpu.wait_dma2 semaphore(%run_scoped3A : memref<!tpu.dma_semaphore, #tpu.memory_space<semaphore_mem>>) src(%arg8 : memref<128x128xf32, #tpu.memory_space<vmem>>) dst(%dma_wait3A_92 : memref<128x128xf32, #tpu.memory_space<vmem_shared>>)
      tpu.yield
    }) : () -> ()
    %add3A_58 = arith.constant 512 : i32
    %add3A_59 = arith.addi %mul3A_2, %add3A_58 : i32
    "tpu.region"() ({
      %run_scoped3A = tpu.sem_alloc : memref<!tpu.dma_semaphore, #tpu.memory_space<semaphore_mem>>
      %dma_start3A_86 = arith.constant 0 : i32
      %dma_start3A_87 = tpu.memref_slice %arg10[%add3A_59, %dma_start3A_86] : memref<10240x128xf32, #tpu.memory_space<vmem_shared>> -> memref<128x128xf32, #tpu.memory_space<vmem_shared>>
      %dma_start3A_88 = arith.constant 0 : i32
      %dma_start3A_89 = tpu.memref_slice %arg10[%add3A_59, %dma_start3A_88] : memref<10240x128xf32, #tpu.memory_space<vmem_shared>> -> memref<128x128xf32, #tpu.memory_space<vmem_shared>>
      tpu.enqueue_dma source(%arg8 : memref<128x128xf32, #tpu.memory_space<vmem>>) target(%dma_start3A_89 : memref<128x128xf32, #tpu.memory_space<vmem_shared>>) target_semaphore(%run_scoped3A : memref<!tpu.dma_semaphore, #tpu.memory_space<semaphore_mem>>)
      %dma_wait3A = arith.constant 0 : i32
      %dma_wait3A_90 = tpu.memref_slice %arg10[%add3A_59, %dma_wait3A] : memref<10240x128xf32, #tpu.memory_space<vmem_shared>> -> memref<128x128xf32, #tpu.memory_space<vmem_shared>>
      %dma_wait3A_91 = arith.constant 0 : i32
      %dma_wait3A_92 = tpu.memref_slice %arg10[%add3A_59, %dma_wait3A_91] : memref<10240x128xf32, #tpu.memory_space<vmem_shared>> -> memref<128x128xf32, #tpu.memory_space<vmem_shared>>
      tpu.wait_dma2 semaphore(%run_scoped3A : memref<!tpu.dma_semaphore, #tpu.memory_space<semaphore_mem>>) src(%arg8 : memref<128x128xf32, #tpu.memory_space<vmem>>) dst(%dma_wait3A_92 : memref<128x128xf32, #tpu.memory_space<vmem_shared>>)
      tpu.yield
    }) : () -> ()
    %barrier3A = arith.constant 0 : index
    tpu.barrier barrier_id(%barrier3A)
    "tpu.region"() ({
      %run_scoped3A = tpu.sem_alloc : memref<!tpu.dma_semaphore, #tpu.memory_space<semaphore_mem>>
      %dma_start3A_86 = arith.constant 0 : i32
      %dma_start3A_87 = arith.constant 0 : i32
      %dma_start3A_88 = tpu.memref_slice %arg3[%add3A, %dma_start3A_86, %dma_start3A_87] : memref<32x80x128xi32, #tpu.memory_space<hbm>> -> memref<1x40x128xi32, #tpu.memory_space<hbm>>
      %dma_start3A_89 = tpu.memref_squeeze %dma_start3A_88 : memref<1x40x128xi32, #tpu.memory_space<hbm>> -> memref<40x128xi32, #tpu.memory_space<hbm>>
      %dma_start3A_90 = arith.constant 0 : i32
      %dma_start3A_91 = arith.constant 0 : i32
      %dma_start3A_92 = tpu.memref_slice %arg3[%add3A, %dma_start3A_90, %dma_start3A_91] : memref<32x80x128xi32, #tpu.memory_space<hbm>> -> memref<1x40x128xi32, #tpu.memory_space<hbm>>
      %dma_start3A_93 = tpu.memref_squeeze %dma_start3A_92 : memref<1x40x128xi32, #tpu.memory_space<hbm>> -> memref<40x128xi32, #tpu.memory_space<hbm>>
      tpu.enqueue_dma source(%dma_start3A_93 : memref<40x128xi32, #tpu.memory_space<hbm>>) target(%arg6 : memref<40x128xi32, #tpu.memory_space<vmem>>) target_semaphore(%run_scoped3A : memref<!tpu.dma_semaphore, #tpu.memory_space<semaphore_mem>>)
      %dma_wait3A = arith.constant 0 : i32
      %dma_wait3A_94 = arith.constant 0 : i32
      %dma_wait3A_95 = tpu.memref_slice %arg3[%add3A, %dma_wait3A, %dma_wait3A_94] : memref<32x80x128xi32, #tpu.memory_space<hbm>> -> memref<1x40x128xi32, #tpu.memory_space<hbm>>
      %dma_wait3A_96 = tpu.memref_squeeze %dma_wait3A_95 : memref<1x40x128xi32, #tpu.memory_space<hbm>> -> memref<40x128xi32, #tpu.memory_space<hbm>>
      %dma_wait3A_97 = arith.constant 0 : i32
      %dma_wait3A_98 = arith.constant 0 : i32
      %dma_wait3A_99 = tpu.memref_slice %arg3[%add3A, %dma_wait3A_97, %dma_wait3A_98] : memref<32x80x128xi32, #tpu.memory_space<hbm>> -> memref<1x40x128xi32, #tpu.memory_space<hbm>>
      %dma_wait3A_100 = tpu.memref_squeeze %dma_wait3A_99 : memref<1x40x128xi32, #tpu.memory_space<hbm>> -> memref<40x128xi32, #tpu.memory_space<hbm>>
      tpu.wait_dma2 semaphore(%run_scoped3A : memref<!tpu.dma_semaphore, #tpu.memory_space<semaphore_mem>>) src(%dma_wait3A_100 : memref<40x128xi32, #tpu.memory_space<hbm>>) dst(%arg6 : memref<40x128xi32, #tpu.memory_space<vmem>>)
      tpu.yield
    }) : () -> ()
    "tpu.region"() ({
      %run_scoped3A = tpu.sem_alloc : memref<!tpu.dma_semaphore, #tpu.memory_space<semaphore_mem>>
      %dma_start3A_86 = arith.constant 0 : i32
      %dma_start3A_87 = arith.constant 0 : i32
      %dma_start3A_88 = tpu.memref_slice %arg4[%add3A, %dma_start3A_86, %dma_start3A_87] : memref<32x80x128xi32, #tpu.memory_space<hbm>> -> memref<1x40x128xi32, #tpu.memory_space<hbm>>
      %dma_start3A_89 = tpu.memref_squeeze %dma_start3A_88 : memref<1x40x128xi32, #tpu.memory_space<hbm>> -> memref<40x128xi32, #tpu.memory_space<hbm>>
      %dma_start3A_90 = arith.constant 0 : i32
      %dma_start3A_91 = arith.constant 0 : i32
      %dma_start3A_92 = tpu.memref_slice %arg4[%add3A, %dma_start3A_90, %dma_start3A_91] : memref<32x80x128xi32, #tpu.memory_space<hbm>> -> memref<1x40x128xi32, #tpu.memory_space<hbm>>
      %dma_start3A_93 = tpu.memref_squeeze %dma_start3A_92 : memref<1x40x128xi32, #tpu.memory_space<hbm>> -> memref<40x128xi32, #tpu.memory_space<hbm>>
      tpu.enqueue_dma source(%dma_start3A_93 : memref<40x128xi32, #tpu.memory_space<hbm>>) target(%arg7 : memref<40x128xi32, #tpu.memory_space<vmem>>) target_semaphore(%run_scoped3A : memref<!tpu.dma_semaphore, #tpu.memory_space<semaphore_mem>>)
      %dma_wait3A = arith.constant 0 : i32
      %dma_wait3A_94 = arith.constant 0 : i32
      %dma_wait3A_95 = tpu.memref_slice %arg4[%add3A, %dma_wait3A, %dma_wait3A_94] : memref<32x80x128xi32, #tpu.memory_space<hbm>> -> memref<1x40x128xi32, #tpu.memory_space<hbm>>
      %dma_wait3A_96 = tpu.memref_squeeze %dma_wait3A_95 : memref<1x40x128xi32, #tpu.memory_space<hbm>> -> memref<40x128xi32, #tpu.memory_space<hbm>>
      %dma_wait3A_97 = arith.constant 0 : i32
      %dma_wait3A_98 = arith.constant 0 : i32
      %dma_wait3A_99 = tpu.memref_slice %arg4[%add3A, %dma_wait3A_97, %dma_wait3A_98] : memref<32x80x128xi32, #tpu.memory_space<hbm>> -> memref<1x40x128xi32, #tpu.memory_space<hbm>>
      %dma_wait3A_100 = tpu.memref_squeeze %dma_wait3A_99 : memref<1x40x128xi32, #tpu.memory_space<hbm>> -> memref<40x128xi32, #tpu.memory_space<hbm>>
      tpu.wait_dma2 semaphore(%run_scoped3A : memref<!tpu.dma_semaphore, #tpu.memory_space<semaphore_mem>>) src(%dma_wait3A_100 : memref<40x128xi32, #tpu.memory_space<hbm>>) dst(%arg7 : memref<40x128xi32, #tpu.memory_space<vmem>>)
      tpu.yield
    }) : () -> ()
    %dma_start3A = arith.constant 0 : i32
    %dma_start3A_60 = arith.constant 0 : i32
    %dma_start3A_61 = tpu.memref_slice %arg6[%dma_start3A, %dma_start3A_60] : memref<40x128xi32, #tpu.memory_space<vmem>> -> memref<1x128xi32, #tpu.memory_space<vmem>>
    %dma_start3A_62 = tpu.memref_squeeze %dma_start3A_61 : memref<1x128xi32, #tpu.memory_space<vmem>> -> memref<128xi32, #tpu.memory_space<vmem>>
    %dma_start3A_63 = arith.constant 0 : i32
    %dma_start3A_64 = arith.constant 0 : i32
    %dma_start3A_65 = tpu.memref_slice %arg2[%dma_start3A_63, %dma_start3A_64] : memref<10000x128xf32, #tpu.memory_space<hbm>> -> memref<10000x128xf32, #tpu.memory_space<hbm>>
    tpu.enqueue_indirect_dma source(%dma_start3A_65 : memref<10000x128xf32, #tpu.memory_space<hbm>>) target(%arg8 : memref<128x128xf32, #tpu.memory_space<vmem>>) offsets(%dma_start3A_62 : memref<128xi32, #tpu.memory_space<vmem>>) semaphore(%arg11 : memref<!tpu.dma_semaphore, #tpu.memory_space<semaphore_mem>>)
    %scan3A_66 = arith.constant 0 : i32
    %scan3A_67 = arith.constant 0 : i32
    %scan3A_68 = arith.constant 20 : i32
    %scan3A_69 = arith.addi %scan3A_67, %scan3A_68 : i32
    %scan3A_70 = arith.constant 1 : i32
    scf.for %scan3A_86 = %scan3A_67 to %scan3A_69 step %scan3A_70  : i32 {
      %mul3A_87 = arith.constant 2 : i32
      %mul3A_88 = arith.muli %mul3A_87, %scan3A_86 : i32
      %mul3A_89 = arith.constant 2 : i32
      %mul3A_90 = arith.muli %mul3A_89, %scan3A_86 : i32
      %add3A_91 = arith.constant 1 : i32
      %add3A_92 = arith.addi %mul3A_90, %add3A_91 : i32
      %dma_start3A_93 = arith.constant 0 : i32
      %dma_start3A_94 = tpu.memref_slice %arg6[%add3A_92, %dma_start3A_93] : memref<40x128xi32, #tpu.memory_space<vmem>> -> memref<1x128xi32, #tpu.memory_space<vmem>>
      %dma_start3A_95 = tpu.memref_squeeze %dma_start3A_94 : memref<1x128xi32, #tpu.memory_space<vmem>> -> memref<128xi32, #tpu.memory_space<vmem>>
      %dma_start3A_96 = arith.constant 0 : i32
      %dma_start3A_97 = arith.constant 0 : i32
      %dma_start3A_98 = tpu.memref_slice %arg2[%dma_start3A_96, %dma_start3A_97] : memref<10000x128xf32, #tpu.memory_space<hbm>> -> memref<10000x128xf32, #tpu.memory_space<hbm>>
      tpu.enqueue_indirect_dma source(%dma_start3A_98 : memref<10000x128xf32, #tpu.memory_space<hbm>>) target(%arg9 : memref<128x128xf32, #tpu.memory_space<vmem>>) offsets(%dma_start3A_95 : memref<128xi32, #tpu.memory_space<vmem>>) semaphore(%arg12 : memref<!tpu.dma_semaphore, #tpu.memory_space<semaphore_mem>>)
      %dma_wait3A = arith.constant 0 : i32
      %dma_wait3A_99 = tpu.memref_slice %arg6[%mul3A_88, %dma_wait3A] : memref<40x128xi32, #tpu.memory_space<vmem>> -> memref<1x128xi32, #tpu.memory_space<vmem>>
      %dma_wait3A_100 = tpu.memref_squeeze %dma_wait3A_99 : memref<1x128xi32, #tpu.memory_space<vmem>> -> memref<128xi32, #tpu.memory_space<vmem>>
      %dma_wait3A_101 = arith.constant 0 : i32
      %dma_wait3A_102 = arith.constant 0 : i32
      %dma_wait3A_103 = tpu.memref_slice %arg2[%dma_wait3A_101, %dma_wait3A_102] : memref<10000x128xf32, #tpu.memory_space<hbm>> -> memref<10000x128xf32, #tpu.memory_space<hbm>>
      tpu.wait_indirect_dma semaphore(%arg11 : memref<!tpu.dma_semaphore, #tpu.memory_space<semaphore_mem>>) src(%dma_wait3A_103 : memref<10000x128xf32, #tpu.memory_space<hbm>>) dst(%arg8 : memref<128x128xf32, #tpu.memory_space<vmem>>)
      "tpu.region"() ({
        %run_scoped3A = tpu.sem_alloc : memref<!tpu.dma_semaphore, #tpu.memory_space<semaphore_mem>>
        %dma_start3A_114 = arith.constant 0 : i32
        %dma_start3A_115 = tpu.memref_slice %arg7[%mul3A_88, %dma_start3A_114] : memref<40x128xi32, #tpu.memory_space<vmem>> -> memref<1x128xi32, #tpu.memory_space<vmem>>
        %dma_start3A_116 = tpu.memref_squeeze %dma_start3A_115 : memref<1x128xi32, #tpu.memory_space<vmem>> -> memref<128xi32, #tpu.memory_space<vmem>>
        %dma_start3A_117 = arith.constant 0 : i32
        %dma_start3A_118 = arith.constant 0 : i32
        %dma_start3A_119 = tpu.memref_slice %arg10[%dma_start3A_117, %dma_start3A_118] : memref<10240x128xf32, #tpu.memory_space<vmem_shared>> -> memref<10240x128xf32, #tpu.memory_space<vmem_shared>>
        tpu.enqueue_indirect_dma source(%arg8 : memref<128x128xf32, #tpu.memory_space<vmem>>) target(%dma_start3A_119 : memref<10240x128xf32, #tpu.memory_space<vmem_shared>>) offsets(%dma_start3A_116 : memref<128xi32, #tpu.memory_space<vmem>>) semaphore(%run_scoped3A : memref<!tpu.dma_semaphore, #tpu.memory_space<semaphore_mem>>) {add = true}
        %dma_wait3A_120 = arith.constant 0 : i32
        %dma_wait3A_121 = tpu.memref_slice %arg7[%mul3A_88, %dma_wait3A_120] : memref<40x128xi32, #tpu.memory_space<vmem>> -> memref<1x128xi32, #tpu.memory_space<vmem>>
        %dma_wait3A_122 = tpu.memref_squeeze %dma_wait3A_121 : memref<1x128xi32, #tpu.memory_space<vmem>> -> memref<128xi32, #tpu.memory_space<vmem>>
        %dma_wait3A_123 = arith.constant 0 : i32
        %dma_wait3A_124 = arith.constant 0 : i32
        %dma_wait3A_125 = tpu.memref_slice %arg10[%dma_wait3A_123, %dma_wait3A_124] : memref<10240x128xf32, #tpu.memory_space<vmem_shared>> -> memref<10240x128xf32, #tpu.memory_space<vmem_shared>>
        tpu.wait_indirect_dma semaphore(%run_scoped3A : memref<!tpu.dma_semaphore, #tpu.memory_space<semaphore_mem>>) src(%arg8 : memref<128x128xf32, #tpu.memory_space<vmem>>) dst(%dma_wait3A_125 : memref<10240x128xf32, #tpu.memory_space<vmem_shared>>)
        tpu.yield
      }) : () -> ()
      %add3A_104 = arith.constant 1 : i32
      %add3A_105 = arith.addi %add3A_92, %add3A_104 : i32
      %lt3A = arith.constant 40 : i32
      %lt3A_106 = arith.cmpi slt, %add3A_105, %lt3A : i32
      %convert_element_type3A = arith.extui %lt3A_106 : i1 to i32
      %cond3A = arith.constant 0 : i32
      %cond3A_107 = arith.cmpi ne, %convert_element_type3A, %cond3A : i32
      scf.if %cond3A_107 {
        %add3A_114 = arith.constant 1 : i32
        %add3A_115 = arith.addi %add3A_92, %add3A_114 : i32
        %dma_start3A_116 = arith.constant 0 : i32
        %dma_start3A_117 = tpu.memref_slice %arg6[%add3A_115, %dma_start3A_116] : memref<40x128xi32, #tpu.memory_space<vmem>> -> memref<1x128xi32, #tpu.memory_space<vmem>>
        %dma_start3A_118 = tpu.memref_squeeze %dma_start3A_117 : memref<1x128xi32, #tpu.memory_space<vmem>> -> memref<128xi32, #tpu.memory_space<vmem>>
        %dma_start3A_119 = arith.constant 0 : i32
        %dma_start3A_120 = arith.constant 0 : i32
        %dma_start3A_121 = tpu.memref_slice %arg2[%dma_start3A_119, %dma_start3A_120] : memref<10000x128xf32, #tpu.memory_space<hbm>> -> memref<10000x128xf32, #tpu.memory_space<hbm>>
        tpu.enqueue_indirect_dma source(%dma_start3A_121 : memref<10000x128xf32, #tpu.memory_space<hbm>>) target(%arg8 : memref<128x128xf32, #tpu.memory_space<vmem>>) offsets(%dma_start3A_118 : memref<128xi32, #tpu.memory_space<vmem>>) semaphore(%arg11 : memref<!tpu.dma_semaphore, #tpu.memory_space<semaphore_mem>>)
      } else {
      }
      %dma_wait3A_108 = arith.constant 0 : i32
      %dma_wait3A_109 = tpu.memref_slice %arg6[%add3A_92, %dma_wait3A_108] : memref<40x128xi32, #tpu.memory_space<vmem>> -> memref<1x128xi32, #tpu.memory_space<vmem>>
      %dma_wait3A_110 = tpu.memref_squeeze %dma_wait3A_109 : memref<1x128xi32, #tpu.memory_space<vmem>> -> memref<128xi32, #tpu.memory_space<vmem>>
      %dma_wait3A_111 = arith.constant 0 : i32
      %dma_wait3A_112 = arith.constant 0 : i32
      %dma_wait3A_113 = tpu.memref_slice %arg2[%dma_wait3A_111, %dma_wait3A_112] : memref<10000x128xf32, #tpu.memory_space<hbm>> -> memref<10000x128xf32, #tpu.memory_space<hbm>>
      tpu.wait_indirect_dma semaphore(%arg12 : memref<!tpu.dma_semaphore, #tpu.memory_space<semaphore_mem>>) src(%dma_wait3A_113 : memref<10000x128xf32, #tpu.memory_space<hbm>>) dst(%arg9 : memref<128x128xf32, #tpu.memory_space<vmem>>)
      "tpu.region"() ({
        %run_scoped3A = tpu.sem_alloc : memref<!tpu.dma_semaphore, #tpu.memory_space<semaphore_mem>>
        %dma_start3A_114 = arith.constant 0 : i32
        %dma_start3A_115 = tpu.memref_slice %arg7[%add3A_92, %dma_start3A_114] : memref<40x128xi32, #tpu.memory_space<vmem>> -> memref<1x128xi32, #tpu.memory_space<vmem>>
        %dma_start3A_116 = tpu.memref_squeeze %dma_start3A_115 : memref<1x128xi32, #tpu.memory_space<vmem>> -> memref<128xi32, #tpu.memory_space<vmem>>
        %dma_start3A_117 = arith.constant 0 : i32
        %dma_start3A_118 = arith.constant 0 : i32
        %dma_start3A_119 = tpu.memref_slice %arg10[%dma_start3A_117, %dma_start3A_118] : memref<10240x128xf32, #tpu.memory_space<vmem_shared>> -> memref<10240x128xf32, #tpu.memory_space<vmem_shared>>
        tpu.enqueue_indirect_dma source(%arg9 : memref<128x128xf32, #tpu.memory_space<vmem>>) target(%dma_start3A_119 : memref<10240x128xf32, #tpu.memory_space<vmem_shared>>) offsets(%dma_start3A_116 : memref<128xi32, #tpu.memory_space<vmem>>) semaphore(%run_scoped3A : memref<!tpu.dma_semaphore, #tpu.memory_space<semaphore_mem>>) {add = true}
        %dma_wait3A_120 = arith.constant 0 : i32
        %dma_wait3A_121 = tpu.memref_slice %arg7[%add3A_92, %dma_wait3A_120] : memref<40x128xi32, #tpu.memory_space<vmem>> -> memref<1x128xi32, #tpu.memory_space<vmem>>
        %dma_wait3A_122 = tpu.memref_squeeze %dma_wait3A_121 : memref<1x128xi32, #tpu.memory_space<vmem>> -> memref<128xi32, #tpu.memory_space<vmem>>
        %dma_wait3A_123 = arith.constant 0 : i32
        %dma_wait3A_124 = arith.constant 0 : i32
        %dma_wait3A_125 = tpu.memref_slice %arg10[%dma_wait3A_123, %dma_wait3A_124] : memref<10240x128xf32, #tpu.memory_space<vmem_shared>> -> memref<10240x128xf32, #tpu.memory_space<vmem_shared>>
        tpu.wait_indirect_dma semaphore(%run_scoped3A : memref<!tpu.dma_semaphore, #tpu.memory_space<semaphore_mem>>) src(%arg9 : memref<128x128xf32, #tpu.memory_space<vmem>>) dst(%dma_wait3A_125 : memref<10240x128xf32, #tpu.memory_space<vmem_shared>>)
        tpu.yield
      }) : () -> ()
    }
    %scan3A_71 = arith.constant 20 : i32
    "tpu.region"() ({
      %run_scoped3A = tpu.sem_alloc : memref<!tpu.dma_semaphore, #tpu.memory_space<semaphore_mem>>
      %dma_start3A_86 = arith.constant 40 : i32
      %dma_start3A_87 = arith.constant 0 : i32
      %dma_start3A_88 = tpu.memref_slice %arg3[%add3A, %dma_start3A_86, %dma_start3A_87] : memref<32x80x128xi32, #tpu.memory_space<hbm>> -> memref<1x40x128xi32, #tpu.memory_space<hbm>>
      %dma_start3A_89 = tpu.memref_squeeze %dma_start3A_88 : memref<1x40x128xi32, #tpu.memory_space<hbm>> -> memref<40x128xi32, #tpu.memory_space<hbm>>
      %dma_start3A_90 = arith.constant 40 : i32
      %dma_start3A_91 = arith.constant 0 : i32
      %dma_start3A_92 = tpu.memref_slice %arg3[%add3A, %dma_start3A_90, %dma_start3A_91] : memref<32x80x128xi32, #tpu.memory_space<hbm>> -> memref<1x40x128xi32, #tpu.memory_space<hbm>>
      %dma_start3A_93 = tpu.memref_squeeze %dma_start3A_92 : memref<1x40x128xi32, #tpu.memory_space<hbm>> -> memref<40x128xi32, #tpu.memory_space<hbm>>
      tpu.enqueue_dma source(%dma_start3A_93 : memref<40x128xi32, #tpu.memory_space<hbm>>) target(%arg6 : memref<40x128xi32, #tpu.memory_space<vmem>>) target_semaphore(%run_scoped3A : memref<!tpu.dma_semaphore, #tpu.memory_space<semaphore_mem>>)
      %dma_wait3A = arith.constant 40 : i32
      %dma_wait3A_94 = arith.constant 0 : i32
      %dma_wait3A_95 = tpu.memref_slice %arg3[%add3A, %dma_wait3A, %dma_wait3A_94] : memref<32x80x128xi32, #tpu.memory_space<hbm>> -> memref<1x40x128xi32, #tpu.memory_space<hbm>>
      %dma_wait3A_96 = tpu.memref_squeeze %dma_wait3A_95 : memref<1x40x128xi32, #tpu.memory_space<hbm>> -> memref<40x128xi32, #tpu.memory_space<hbm>>
      %dma_wait3A_97 = arith.constant 40 : i32
      %dma_wait3A_98 = arith.constant 0 : i32
      %dma_wait3A_99 = tpu.memref_slice %arg3[%add3A, %dma_wait3A_97, %dma_wait3A_98] : memref<32x80x128xi32, #tpu.memory_space<hbm>> -> memref<1x40x128xi32, #tpu.memory_space<hbm>>
      %dma_wait3A_100 = tpu.memref_squeeze %dma_wait3A_99 : memref<1x40x128xi32, #tpu.memory_space<hbm>> -> memref<40x128xi32, #tpu.memory_space<hbm>>
      tpu.wait_dma2 semaphore(%run_scoped3A : memref<!tpu.dma_semaphore, #tpu.memory_space<semaphore_mem>>) src(%dma_wait3A_100 : memref<40x128xi32, #tpu.memory_space<hbm>>) dst(%arg6 : memref<40x128xi32, #tpu.memory_space<vmem>>)
      tpu.yield
    }) : () -> ()
    "tpu.region"() ({
      %run_scoped3A = tpu.sem_alloc : memref<!tpu.dma_semaphore, #tpu.memory_space<semaphore_mem>>
      %dma_start3A_86 = arith.constant 40 : i32
      %dma_start3A_87 = arith.constant 0 : i32
      %dma_start3A_88 = tpu.memref_slice %arg4[%add3A, %dma_start3A_86, %dma_start3A_87] : memref<32x80x128xi32, #tpu.memory_space<hbm>> -> memref<1x40x128xi32, #tpu.memory_space<hbm>>
      %dma_start3A_89 = tpu.memref_squeeze %dma_start3A_88 : memref<1x40x128xi32, #tpu.memory_space<hbm>> -> memref<40x128xi32, #tpu.memory_space<hbm>>
      %dma_start3A_90 = arith.constant 40 : i32
      %dma_start3A_91 = arith.constant 0 : i32
      %dma_start3A_92 = tpu.memref_slice %arg4[%add3A, %dma_start3A_90, %dma_start3A_91] : memref<32x80x128xi32, #tpu.memory_space<hbm>> -> memref<1x40x128xi32, #tpu.memory_space<hbm>>
      %dma_start3A_93 = tpu.memref_squeeze %dma_start3A_92 : memref<1x40x128xi32, #tpu.memory_space<hbm>> -> memref<40x128xi32, #tpu.memory_space<hbm>>
      tpu.enqueue_dma source(%dma_start3A_93 : memref<40x128xi32, #tpu.memory_space<hbm>>) target(%arg7 : memref<40x128xi32, #tpu.memory_space<vmem>>) target_semaphore(%run_scoped3A : memref<!tpu.dma_semaphore, #tpu.memory_space<semaphore_mem>>)
      %dma_wait3A = arith.constant 40 : i32
      %dma_wait3A_94 = arith.constant 0 : i32
      %dma_wait3A_95 = tpu.memref_slice %arg4[%add3A, %dma_wait3A, %dma_wait3A_94] : memref<32x80x128xi32, #tpu.memory_space<hbm>> -> memref<1x40x128xi32, #tpu.memory_space<hbm>>
      %dma_wait3A_96 = tpu.memref_squeeze %dma_wait3A_95 : memref<1x40x128xi32, #tpu.memory_space<hbm>> -> memref<40x128xi32, #tpu.memory_space<hbm>>
      %dma_wait3A_97 = arith.constant 40 : i32
      %dma_wait3A_98 = arith.constant 0 : i32
      %dma_wait3A_99 = tpu.memref_slice %arg4[%add3A, %dma_wait3A_97, %dma_wait3A_98] : memref<32x80x128xi32, #tpu.memory_space<hbm>> -> memref<1x40x128xi32, #tpu.memory_space<hbm>>
      %dma_wait3A_100 = tpu.memref_squeeze %dma_wait3A_99 : memref<1x40x128xi32, #tpu.memory_space<hbm>> -> memref<40x128xi32, #tpu.memory_space<hbm>>
      tpu.wait_dma2 semaphore(%run_scoped3A : memref<!tpu.dma_semaphore, #tpu.memory_space<semaphore_mem>>) src(%dma_wait3A_100 : memref<40x128xi32, #tpu.memory_space<hbm>>) dst(%arg7 : memref<40x128xi32, #tpu.memory_space<vmem>>)
      tpu.yield
    }) : () -> ()
    %dma_start3A_72 = arith.constant 0 : i32
    %dma_start3A_73 = arith.constant 0 : i32
    %dma_start3A_74 = tpu.memref_slice %arg6[%dma_start3A_72, %dma_start3A_73] : memref<40x128xi32, #tpu.memory_space<vmem>> -> memref<1x128xi32, #tpu.memory_space<vmem>>
    %dma_start3A_75 = tpu.memref_squeeze %dma_start3A_74 : memref<1x128xi32, #tpu.memory_space<vmem>> -> memref<128xi32, #tpu.memory_space<vmem>>
    %dma_start3A_76 = arith.constant 0 : i32
    %dma_start3A_77 = arith.constant 0 : i32
    %dma_start3A_78 = tpu.memref_slice %arg2[%dma_start3A_76, %dma_start3A_77] : memref<10000x128xf32, #tpu.memory_space<hbm>> -> memref<10000x128xf32, #tpu.memory_space<hbm>>
    tpu.enqueue_indirect_dma source(%dma_start3A_78 : memref<10000x128xf32, #tpu.memory_space<hbm>>) target(%arg8 : memref<128x128xf32, #tpu.memory_space<vmem>>) offsets(%dma_start3A_75 : memref<128xi32, #tpu.memory_space<vmem>>) semaphore(%arg11 : memref<!tpu.dma_semaphore, #tpu.memory_space<semaphore_mem>>)
    %scan3A_79 = arith.constant 0 : i32
    %scan3A_80 = arith.constant 0 : i32
    %scan3A_81 = arith.constant 20 : i32
    %scan3A_82 = arith.addi %scan3A_80, %scan3A_81 : i32
    %scan3A_83 = arith.constant 1 : i32
    scf.for %scan3A_86 = %scan3A_80 to %scan3A_82 step %scan3A_83  : i32 {
      %mul3A_87 = arith.constant 2 : i32
      %mul3A_88 = arith.muli %mul3A_87, %scan3A_86 : i32
      %mul3A_89 = arith.constant 2 : i32
      %mul3A_90 = arith.muli %mul3A_89, %scan3A_86 : i32
      %add3A_91 = arith.constant 1 : i32
      %add3A_92 = arith.addi %mul3A_90, %add3A_91 : i32
      %dma_start3A_93 = arith.constant 0 : i32
      %dma_start3A_94 = tpu.memref_slice %arg6[%add3A_92, %dma_start3A_93] : memref<40x128xi32, #tpu.memory_space<vmem>> -> memref<1x128xi32, #tpu.memory_space<vmem>>
      %dma_start3A_95 = tpu.memref_squeeze %dma_start3A_94 : memref<1x128xi32, #tpu.memory_space<vmem>> -> memref<128xi32, #tpu.memory_space<vmem>>
      %dma_start3A_96 = arith.constant 0 : i32
      %dma_start3A_97 = arith.constant 0 : i32
      %dma_start3A_98 = tpu.memref_slice %arg2[%dma_start3A_96, %dma_start3A_97] : memref<10000x128xf32, #tpu.memory_space<hbm>> -> memref<10000x128xf32, #tpu.memory_space<hbm>>
      tpu.enqueue_indirect_dma source(%dma_start3A_98 : memref<10000x128xf32, #tpu.memory_space<hbm>>) target(%arg9 : memref<128x128xf32, #tpu.memory_space<vmem>>) offsets(%dma_start3A_95 : memref<128xi32, #tpu.memory_space<vmem>>) semaphore(%arg12 : memref<!tpu.dma_semaphore, #tpu.memory_space<semaphore_mem>>)
      %dma_wait3A = arith.constant 0 : i32
      %dma_wait3A_99 = tpu.memref_slice %arg6[%mul3A_88, %dma_wait3A] : memref<40x128xi32, #tpu.memory_space<vmem>> -> memref<1x128xi32, #tpu.memory_space<vmem>>
      %dma_wait3A_100 = tpu.memref_squeeze %dma_wait3A_99 : memref<1x128xi32, #tpu.memory_space<vmem>> -> memref<128xi32, #tpu.memory_space<vmem>>
      %dma_wait3A_101 = arith.constant 0 : i32
      %dma_wait3A_102 = arith.constant 0 : i32
      %dma_wait3A_103 = tpu.memref_slice %arg2[%dma_wait3A_101, %dma_wait3A_102] : memref<10000x128xf32, #tpu.memory_space<hbm>> -> memref<10000x128xf32, #tpu.memory_space<hbm>>
      tpu.wait_indirect_dma semaphore(%arg11 : memref<!tpu.dma_semaphore, #tpu.memory_space<semaphore_mem>>) src(%dma_wait3A_103 : memref<10000x128xf32, #tpu.memory_space<hbm>>) dst(%arg8 : memref<128x128xf32, #tpu.memory_space<vmem>>)
      "tpu.region"() ({
        %run_scoped3A = tpu.sem_alloc : memref<!tpu.dma_semaphore, #tpu.memory_space<semaphore_mem>>
        %dma_start3A_114 = arith.constant 0 : i32
        %dma_start3A_115 = tpu.memref_slice %arg7[%mul3A_88, %dma_start3A_114] : memref<40x128xi32, #tpu.memory_space<vmem>> -> memref<1x128xi32, #tpu.memory_space<vmem>>
        %dma_start3A_116 = tpu.memref_squeeze %dma_start3A_115 : memref<1x128xi32, #tpu.memory_space<vmem>> -> memref<128xi32, #tpu.memory_space<vmem>>
        %dma_start3A_117 = arith.constant 0 : i32
        %dma_start3A_118 = arith.constant 0 : i32
        %dma_start3A_119 = tpu.memref_slice %arg10[%dma_start3A_117, %dma_start3A_118] : memref<10240x128xf32, #tpu.memory_space<vmem_shared>> -> memref<10240x128xf32, #tpu.memory_space<vmem_shared>>
        tpu.enqueue_indirect_dma source(%arg8 : memref<128x128xf32, #tpu.memory_space<vmem>>) target(%dma_start3A_119 : memref<10240x128xf32, #tpu.memory_space<vmem_shared>>) offsets(%dma_start3A_116 : memref<128xi32, #tpu.memory_space<vmem>>) semaphore(%run_scoped3A : memref<!tpu.dma_semaphore, #tpu.memory_space<semaphore_mem>>) {add = true}
        %dma_wait3A_120 = arith.constant 0 : i32
        %dma_wait3A_121 = tpu.memref_slice %arg7[%mul3A_88, %dma_wait3A_120] : memref<40x128xi32, #tpu.memory_space<vmem>> -> memref<1x128xi32, #tpu.memory_space<vmem>>
        %dma_wait3A_122 = tpu.memref_squeeze %dma_wait3A_121 : memref<1x128xi32, #tpu.memory_space<vmem>> -> memref<128xi32, #tpu.memory_space<vmem>>
        %dma_wait3A_123 = arith.constant 0 : i32
        %dma_wait3A_124 = arith.constant 0 : i32
        %dma_wait3A_125 = tpu.memref_slice %arg10[%dma_wait3A_123, %dma_wait3A_124] : memref<10240x128xf32, #tpu.memory_space<vmem_shared>> -> memref<10240x128xf32, #tpu.memory_space<vmem_shared>>
        tpu.wait_indirect_dma semaphore(%run_scoped3A : memref<!tpu.dma_semaphore, #tpu.memory_space<semaphore_mem>>) src(%arg8 : memref<128x128xf32, #tpu.memory_space<vmem>>) dst(%dma_wait3A_125 : memref<10240x128xf32, #tpu.memory_space<vmem_shared>>)
        tpu.yield
      }) : () -> ()
      %add3A_104 = arith.constant 1 : i32
      %add3A_105 = arith.addi %add3A_92, %add3A_104 : i32
      %lt3A = arith.constant 40 : i32
      %lt3A_106 = arith.cmpi slt, %add3A_105, %lt3A : i32
      %convert_element_type3A = arith.extui %lt3A_106 : i1 to i32
      %cond3A = arith.constant 0 : i32
      %cond3A_107 = arith.cmpi ne, %convert_element_type3A, %cond3A : i32
      scf.if %cond3A_107 {
        %add3A_114 = arith.constant 1 : i32
        %add3A_115 = arith.addi %add3A_92, %add3A_114 : i32
        %dma_start3A_116 = arith.constant 0 : i32
        %dma_start3A_117 = tpu.memref_slice %arg6[%add3A_115, %dma_start3A_116] : memref<40x128xi32, #tpu.memory_space<vmem>> -> memref<1x128xi32, #tpu.memory_space<vmem>>
        %dma_start3A_118 = tpu.memref_squeeze %dma_start3A_117 : memref<1x128xi32, #tpu.memory_space<vmem>> -> memref<128xi32, #tpu.memory_space<vmem>>
        %dma_start3A_119 = arith.constant 0 : i32
        %dma_start3A_120 = arith.constant 0 : i32
        %dma_start3A_121 = tpu.memref_slice %arg2[%dma_start3A_119, %dma_start3A_120] : memref<10000x128xf32, #tpu.memory_space<hbm>> -> memref<10000x128xf32, #tpu.memory_space<hbm>>
        tpu.enqueue_indirect_dma source(%dma_start3A_121 : memref<10000x128xf32, #tpu.memory_space<hbm>>) target(%arg8 : memref<128x128xf32, #tpu.memory_space<vmem>>) offsets(%dma_start3A_118 : memref<128xi32, #tpu.memory_space<vmem>>) semaphore(%arg11 : memref<!tpu.dma_semaphore, #tpu.memory_space<semaphore_mem>>)
      } else {
      }
      %dma_wait3A_108 = arith.constant 0 : i32
      %dma_wait3A_109 = tpu.memref_slice %arg6[%add3A_92, %dma_wait3A_108] : memref<40x128xi32, #tpu.memory_space<vmem>> -> memref<1x128xi32, #tpu.memory_space<vmem>>
      %dma_wait3A_110 = tpu.memref_squeeze %dma_wait3A_109 : memref<1x128xi32, #tpu.memory_space<vmem>> -> memref<128xi32, #tpu.memory_space<vmem>>
      %dma_wait3A_111 = arith.constant 0 : i32
      %dma_wait3A_112 = arith.constant 0 : i32
      %dma_wait3A_113 = tpu.memref_slice %arg2[%dma_wait3A_111, %dma_wait3A_112] : memref<10000x128xf32, #tpu.memory_space<hbm>> -> memref<10000x128xf32, #tpu.memory_space<hbm>>
      tpu.wait_indirect_dma semaphore(%arg12 : memref<!tpu.dma_semaphore, #tpu.memory_space<semaphore_mem>>) src(%dma_wait3A_113 : memref<10000x128xf32, #tpu.memory_space<hbm>>) dst(%arg9 : memref<128x128xf32, #tpu.memory_space<vmem>>)
      "tpu.region"() ({
        %run_scoped3A = tpu.sem_alloc : memref<!tpu.dma_semaphore, #tpu.memory_space<semaphore_mem>>
        %dma_start3A_114 = arith.constant 0 : i32
        %dma_start3A_115 = tpu.memref_slice %arg7[%add3A_92, %dma_start3A_114] : memref<40x128xi32, #tpu.memory_space<vmem>> -> memref<1x128xi32, #tpu.memory_space<vmem>>
        %dma_start3A_116 = tpu.memref_squeeze %dma_start3A_115 : memref<1x128xi32, #tpu.memory_space<vmem>> -> memref<128xi32, #tpu.memory_space<vmem>>
        %dma_start3A_117 = arith.constant 0 : i32
        %dma_start3A_118 = arith.constant 0 : i32
        %dma_start3A_119 = tpu.memref_slice %arg10[%dma_start3A_117, %dma_start3A_118] : memref<10240x128xf32, #tpu.memory_space<vmem_shared>> -> memref<10240x128xf32, #tpu.memory_space<vmem_shared>>
        tpu.enqueue_indirect_dma source(%arg9 : memref<128x128xf32, #tpu.memory_space<vmem>>) target(%dma_start3A_119 : memref<10240x128xf32, #tpu.memory_space<vmem_shared>>) offsets(%dma_start3A_116 : memref<128xi32, #tpu.memory_space<vmem>>) semaphore(%run_scoped3A : memref<!tpu.dma_semaphore, #tpu.memory_space<semaphore_mem>>) {add = true}
        %dma_wait3A_120 = arith.constant 0 : i32
        %dma_wait3A_121 = tpu.memref_slice %arg7[%add3A_92, %dma_wait3A_120] : memref<40x128xi32, #tpu.memory_space<vmem>> -> memref<1x128xi32, #tpu.memory_space<vmem>>
        %dma_wait3A_122 = tpu.memref_squeeze %dma_wait3A_121 : memref<1x128xi32, #tpu.memory_space<vmem>> -> memref<128xi32, #tpu.memory_space<vmem>>
        %dma_wait3A_123 = arith.constant 0 : i32
        %dma_wait3A_124 = arith.constant 0 : i32
        %dma_wait3A_125 = tpu.memref_slice %arg10[%dma_wait3A_123, %dma_wait3A_124] : memref<10240x128xf32, #tpu.memory_space<vmem_shared>> -> memref<10240x128xf32, #tpu.memory_space<vmem_shared>>
        tpu.wait_indirect_dma semaphore(%run_scoped3A : memref<!tpu.dma_semaphore, #tpu.memory_space<semaphore_mem>>) src(%arg9 : memref<128x128xf32, #tpu.memory_space<vmem>>) dst(%dma_wait3A_125 : memref<10240x128xf32, #tpu.memory_space<vmem_shared>>)
        tpu.yield
      }) : () -> ()
    }
    %scan3A_84 = arith.constant 20 : i32
    %barrier3A_85 = arith.constant 0 : index
    tpu.barrier barrier_id(%barrier3A_85)
    "tpu.region"() ({
      %run_scoped3A = tpu.sem_alloc : memref<!tpu.dma_semaphore, #tpu.memory_space<semaphore_mem>>
      %dma_start3A_86 = arith.constant 0 : i32
      %dma_start3A_87 = tpu.memref_slice %arg5[%arg0, %mul3A_2, %dma_start3A_86] : memref<2x10240x128xf32, #tpu.memory_space<hbm>> -> memref<1x640x128xf32, #tpu.memory_space<hbm>>
      %dma_start3A_88 = tpu.memref_squeeze %dma_start3A_87 : memref<1x640x128xf32, #tpu.memory_space<hbm>> -> memref<640x128xf32, #tpu.memory_space<hbm>>
      %dma_start3A_89 = arith.constant 0 : i32
      %dma_start3A_90 = tpu.memref_slice %arg10[%mul3A_2, %dma_start3A_89] : memref<10240x128xf32, #tpu.memory_space<vmem_shared>> -> memref<640x128xf32, #tpu.memory_space<vmem_shared>>
      tpu.enqueue_dma source(%dma_start3A_90 : memref<640x128xf32, #tpu.memory_space<vmem_shared>>) target(%dma_start3A_88 : memref<640x128xf32, #tpu.memory_space<hbm>>) target_semaphore(%run_scoped3A : memref<!tpu.dma_semaphore, #tpu.memory_space<semaphore_mem>>)
      %dma_wait3A = arith.constant 0 : i32
      %dma_wait3A_91 = tpu.memref_slice %arg5[%arg0, %mul3A_2, %dma_wait3A] : memref<2x10240x128xf32, #tpu.memory_space<hbm>> -> memref<1x640x128xf32, #tpu.memory_space<hbm>>
      %dma_wait3A_92 = tpu.memref_squeeze %dma_wait3A_91 : memref<1x640x128xf32, #tpu.memory_space<hbm>> -> memref<640x128xf32, #tpu.memory_space<hbm>>
      %dma_wait3A_93 = arith.constant 0 : i32
      %dma_wait3A_94 = tpu.memref_slice %arg10[%mul3A_2, %dma_wait3A_93] : memref<10240x128xf32, #tpu.memory_space<vmem_shared>> -> memref<640x128xf32, #tpu.memory_space<vmem_shared>>
      tpu.wait_dma2 semaphore(%run_scoped3A : memref<!tpu.dma_semaphore, #tpu.memory_space<semaphore_mem>>) src(%dma_wait3A_94 : memref<640x128xf32, #tpu.memory_space<vmem_shared>>) dst(%dma_wait3A_92 : memref<640x128xf32, #tpu.memory_space<hbm>>)
      tpu.yield
    }) : () -> ()
    return
  }
}

#map = affine_map<(d0, d1) -> (0, 0)>
#map1 = affine_map<(d0, d1) -> (0, 0, 0)>
module attributes {stable_mosaic.version = 14 : i64} {
  func.func @_sc_agg_body(%arg0: i32, %arg1: i32, %arg2: memref<10000x128xf32, #tpu.memory_space<hbm>>, %arg3: memref<32x80x128xi32, #tpu.memory_space<hbm>>, %arg4: memref<32x80x128xi32, #tpu.memory_space<hbm>>, %arg5: memref<2x10240x128xf32, #tpu.memory_space<hbm>>, %arg6: memref<40x128xi32, #tpu.memory_space<vmem>>, %arg7: memref<40x128xi32, #tpu.memory_space<vmem>>, %arg8: memref<128x128xf32, #tpu.memory_space<vmem>>, %arg9: memref<128x128xf32, #tpu.memory_space<vmem>>, %arg10: memref<10240x128xf32, #tpu.memory_space<vmem_shared>>, %arg11: memref<!tpu.dma_semaphore, #tpu.memory_space<semaphore_mem>>, %arg12: memref<!tpu.dma_semaphore, #tpu.memory_space<semaphore_mem>>) attributes {dimension_semantics = [#tpu.dimension_semantics<core_parallel>, #tpu.dimension_semantics<subcore_parallel>], iteration_bounds = array<i64: 2, 16>, scalar_prefetch = 0 : i64, scratch_operands = 7 : i64, tpu.core_type = #tpu.core_type<sc_vector_subcore>, window_params = [{transform_indices = #map}, {transform_indices = #map1}, {transform_indices = #map1}, {transform_indices = #map1}]} {
    %mul3A = arith.constant 2 : i32
    %mul3A_0 = arith.muli %arg1, %mul3A : i32
    %add3A = arith.addi %mul3A_0, %arg0 : i32
    %mul3A_1 = arith.constant 640 : i32
    %mul3A_2 = arith.muli %arg1, %mul3A_1 : i32
    %scan3A = arith.constant 0 : i32
    %scan3A_3 = arith.constant 0 : i32
    %scan3A_4 = arith.constant 128 : i32
    %scan3A_5 = arith.addi %scan3A_3, %scan3A_4 : i32
    %scan3A_6 = arith.constant 1 : i32
    scf.for %scan3A_86 = %scan3A_3 to %scan3A_5 step %scan3A_6  : i32 {
      %broadcast_in_dim3A = arith.constant 0.000000e+00 : f32
      %broadcast_in_dim3A_87 = vector.broadcast %broadcast_in_dim3A : f32 to vector<16xf32>
      %swap3A = arith.index_cast %scan3A_86 : i32 to index
      %swap3A_88 = arith.constant 0 : index
      %swap3A_89 = tpu.vector_load %arg8[%swap3A, %swap3A_88] {strides = array<i32>} : memref<128x128xf32, #tpu.memory_space<vmem>>, vector<1x16xf32>,
      %swap3A_90 = vector.shape_cast %swap3A_89 : vector<1x16xf32> to vector<16xf32>
      %swap3A_91 = vector.shape_cast %broadcast_in_dim3A_87 : vector<16xf32> to vector<1x16xf32>
      tpu.vector_store %arg8[%swap3A, %swap3A_88], %swap3A_91 {strides = array<i32>} : memref<128x128xf32, #tpu.memory_space<vmem>>, vector<1x16xf32>,
    }
    %scan3A_7 = arith.constant 128 : i32
    %scan3A_8 = arith.constant 0 : i32
    %scan3A_9 = arith.constant 0 : i32
    %scan3A_10 = arith.constant 128 : i32
    %scan3A_11 = arith.addi %scan3A_9, %scan3A_10 : i32
    %scan3A_12 = arith.constant 1 : i32
    scf.for %scan3A_86 = %scan3A_9 to %scan3A_11 step %scan3A_12  : i32 {
      %broadcast_in_dim3A = arith.constant 0.000000e+00 : f32
      %broadcast_in_dim3A_87 = vector.broadcast %broadcast_in_dim3A : f32 to vector<16xf32>
      %swap3A = arith.index_cast %scan3A_86 : i32 to index
      %swap3A_88 = arith.constant 16 : index
      %swap3A_89 = tpu.vector_load %arg8[%swap3A, %swap3A_88] {strides = array<i32>} : memref<128x128xf32, #tpu.memory_space<vmem>>, vector<1x16xf32>,
      %swap3A_90 = vector.shape_cast %swap3A_89 : vector<1x16xf32> to vector<16xf32>
      %swap3A_91 = vector.shape_cast %broadcast_in_dim3A_87 : vector<16xf32> to vector<1x16xf32>
      tpu.vector_store %arg8[%swap3A, %swap3A_88], %swap3A_91 {strides = array<i32>} : memref<128x128xf32, #tpu.memory_space<vmem>>, vector<1x16xf32>,
    }
    %scan3A_13 = arith.constant 128 : i32
    %scan3A_14 = arith.constant 0 : i32
    %scan3A_15 = arith.constant 0 : i32
    %scan3A_16 = arith.constant 128 : i32
    %scan3A_17 = arith.addi %scan3A_15, %scan3A_16 : i32
    %scan3A_18 = arith.constant 1 : i32
    scf.for %scan3A_86 = %scan3A_15 to %scan3A_17 step %scan3A_18  : i32 {
      %broadcast_in_dim3A = arith.constant 0.000000e+00 : f32
      %broadcast_in_dim3A_87 = vector.broadcast %broadcast_in_dim3A : f32 to vector<16xf32>
      %swap3A = arith.index_cast %scan3A_86 : i32 to index
      %swap3A_88 = arith.constant 32 : index
      %swap3A_89 = tpu.vector_load %arg8[%swap3A, %swap3A_88] {strides = array<i32>} : memref<128x128xf32, #tpu.memory_space<vmem>>, vector<1x16xf32>,
      %swap3A_90 = vector.shape_cast %swap3A_89 : vector<1x16xf32> to vector<16xf32>
      %swap3A_91 = vector.shape_cast %broadcast_in_dim3A_87 : vector<16xf32> to vector<1x16xf32>
      tpu.vector_store %arg8[%swap3A, %swap3A_88], %swap3A_91 {strides = array<i32>} : memref<128x128xf32, #tpu.memory_space<vmem>>, vector<1x16xf32>,
    }
    %scan3A_19 = arith.constant 128 : i32
    %scan3A_20 = arith.constant 0 : i32
    %scan3A_21 = arith.constant 0 : i32
    %scan3A_22 = arith.constant 128 : i32
    %scan3A_23 = arith.addi %scan3A_21, %scan3A_22 : i32
    %scan3A_24 = arith.constant 1 : i32
    scf.for %scan3A_86 = %scan3A_21 to %scan3A_23 step %scan3A_24  : i32 {
      %broadcast_in_dim3A = arith.constant 0.000000e+00 : f32
      %broadcast_in_dim3A_87 = vector.broadcast %broadcast_in_dim3A : f32 to vector<16xf32>
      %swap3A = arith.index_cast %scan3A_86 : i32 to index
      %swap3A_88 = arith.constant 48 : index
      %swap3A_89 = tpu.vector_load %arg8[%swap3A, %swap3A_88] {strides = array<i32>} : memref<128x128xf32, #tpu.memory_space<vmem>>, vector<1x16xf32>,
      %swap3A_90 = vector.shape_cast %swap3A_89 : vector<1x16xf32> to vector<16xf32>
      %swap3A_91 = vector.shape_cast %broadcast_in_dim3A_87 : vector<16xf32> to vector<1x16xf32>
      tpu.vector_store %arg8[%swap3A, %swap3A_88], %swap3A_91 {strides = array<i32>} : memref<128x128xf32, #tpu.memory_space<vmem>>, vector<1x16xf32>,
    }
    %scan3A_25 = arith.constant 128 : i32
    %scan3A_26 = arith.constant 0 : i32
    %scan3A_27 = arith.constant 0 : i32
    %scan3A_28 = arith.constant 128 : i32
    %scan3A_29 = arith.addi %scan3A_27, %scan3A_28 : i32
    %scan3A_30 = arith.constant 1 : i32
    scf.for %scan3A_86 = %scan3A_27 to %scan3A_29 step %scan3A_30  : i32 {
      %broadcast_in_dim3A = arith.constant 0.000000e+00 : f32
      %broadcast_in_dim3A_87 = vector.broadcast %broadcast_in_dim3A : f32 to vector<16xf32>
      %swap3A = arith.index_cast %scan3A_86 : i32 to index
      %swap3A_88 = arith.constant 64 : index
      %swap3A_89 = tpu.vector_load %arg8[%swap3A, %swap3A_88] {strides = array<i32>} : memref<128x128xf32, #tpu.memory_space<vmem>>, vector<1x16xf32>,
      %swap3A_90 = vector.shape_cast %swap3A_89 : vector<1x16xf32> to vector<16xf32>
      %swap3A_91 = vector.shape_cast %broadcast_in_dim3A_87 : vector<16xf32> to vector<1x16xf32>
      tpu.vector_store %arg8[%swap3A, %swap3A_88], %swap3A_91 {strides = array<i32>} : memref<128x128xf32, #tpu.memory_space<vmem>>, vector<1x16xf32>,
    }
    %scan3A_31 = arith.constant 128 : i32
    %scan3A_32 = arith.constant 0 : i32
    %scan3A_33 = arith.constant 0 : i32
    %scan3A_34 = arith.constant 128 : i32
    %scan3A_35 = arith.addi %scan3A_33, %scan3A_34 : i32
    %scan3A_36 = arith.constant 1 : i32
    scf.for %scan3A_86 = %scan3A_33 to %scan3A_35 step %scan3A_36  : i32 {
      %broadcast_in_dim3A = arith.constant 0.000000e+00 : f32
      %broadcast_in_dim3A_87 = vector.broadcast %broadcast_in_dim3A : f32 to vector<16xf32>
      %swap3A = arith.index_cast %scan3A_86 : i32 to index
      %swap3A_88 = arith.constant 80 : index
      %swap3A_89 = tpu.vector_load %arg8[%swap3A, %swap3A_88] {strides = array<i32>} : memref<128x128xf32, #tpu.memory_space<vmem>>, vector<1x16xf32>,
      %swap3A_90 = vector.shape_cast %swap3A_89 : vector<1x16xf32> to vector<16xf32>
      %swap3A_91 = vector.shape_cast %broadcast_in_dim3A_87 : vector<16xf32> to vector<1x16xf32>
      tpu.vector_store %arg8[%swap3A, %swap3A_88], %swap3A_91 {strides = array<i32>} : memref<128x128xf32, #tpu.memory_space<vmem>>, vector<1x16xf32>,
    }
    %scan3A_37 = arith.constant 128 : i32
    %scan3A_38 = arith.constant 0 : i32
    %scan3A_39 = arith.constant 0 : i32
    %scan3A_40 = arith.constant 128 : i32
    %scan3A_41 = arith.addi %scan3A_39, %scan3A_40 : i32
    %scan3A_42 = arith.constant 1 : i32
    scf.for %scan3A_86 = %scan3A_39 to %scan3A_41 step %scan3A_42  : i32 {
      %broadcast_in_dim3A = arith.constant 0.000000e+00 : f32
      %broadcast_in_dim3A_87 = vector.broadcast %broadcast_in_dim3A : f32 to vector<16xf32>
      %swap3A = arith.index_cast %scan3A_86 : i32 to index
      %swap3A_88 = arith.constant 96 : index
      %swap3A_89 = tpu.vector_load %arg8[%swap3A, %swap3A_88] {strides = array<i32>} : memref<128x128xf32, #tpu.memory_space<vmem>>, vector<1x16xf32>,
      %swap3A_90 = vector.shape_cast %swap3A_89 : vector<1x16xf32> to vector<16xf32>
      %swap3A_91 = vector.shape_cast %broadcast_in_dim3A_87 : vector<16xf32> to vector<1x16xf32>
      tpu.vector_store %arg8[%swap3A, %swap3A_88], %swap3A_91 {strides = array<i32>} : memref<128x128xf32, #tpu.memory_space<vmem>>, vector<1x16xf32>,
    }
    %scan3A_43 = arith.constant 128 : i32
    %scan3A_44 = arith.constant 0 : i32
    %scan3A_45 = arith.constant 0 : i32
    %scan3A_46 = arith.constant 128 : i32
    %scan3A_47 = arith.addi %scan3A_45, %scan3A_46 : i32
    %scan3A_48 = arith.constant 1 : i32
    scf.for %scan3A_86 = %scan3A_45 to %scan3A_47 step %scan3A_48  : i32 {
      %broadcast_in_dim3A = arith.constant 0.000000e+00 : f32
      %broadcast_in_dim3A_87 = vector.broadcast %broadcast_in_dim3A : f32 to vector<16xf32>
      %swap3A = arith.index_cast %scan3A_86 : i32 to index
      %swap3A_88 = arith.constant 112 : index
      %swap3A_89 = tpu.vector_load %arg8[%swap3A, %swap3A_88] {strides = array<i32>} : memref<128x128xf32, #tpu.memory_space<vmem>>, vector<1x16xf32>,
      %swap3A_90 = vector.shape_cast %swap3A_89 : vector<1x16xf32> to vector<16xf32>
      %swap3A_91 = vector.shape_cast %broadcast_in_dim3A_87 : vector<16xf32> to vector<1x16xf32>
      tpu.vector_store %arg8[%swap3A, %swap3A_88], %swap3A_91 {strides = array<i32>} : memref<128x128xf32, #tpu.memory_space<vmem>>, vector<1x16xf32>,
    }
    %scan3A_49 = arith.constant 128 : i32
    %add3A_50 = arith.constant 0 : i32
    %add3A_51 = arith.addi %mul3A_2, %add3A_50 : i32
    "tpu.region"() ({
      %run_scoped3A = tpu.sem_alloc : memref<!tpu.dma_semaphore, #tpu.memory_space<semaphore_mem>>
      %dma_start3A_86 = arith.constant 0 : i32
      %dma_start3A_87 = tpu.memref_slice %arg10[%add3A_51, %dma_start3A_86] : memref<10240x128xf32, #tpu.memory_space<vmem_shared>> -> memref<128x128xf32, #tpu.memory_space<vmem_shared>>
      %dma_start3A_88 = arith.constant 0 : i32
      %dma_start3A_89 = tpu.memref_slice %arg10[%add3A_51, %dma_start3A_88] : memref<10240x128xf32, #tpu.memory_space<vmem_shared>> -> memref<128x128xf32, #tpu.memory_space<vmem_shared>>
      tpu.enqueue_dma source(%arg8 : memref<128x128xf32, #tpu.memory_space<vmem>>) target(%dma_start3A_89 : memref<128x128xf32, #tpu.memory_space<vmem_shared>>) target_semaphore(%run_scoped3A : memref<!tpu.dma_semaphore, #tpu.memory_space<semaphore_mem>>)
      %dma_wait3A = arith.constant 0 : i32
      %dma_wait3A_90 = tpu.memref_slice %arg10[%add3A_51, %dma_wait3A] : memref<10240x128xf32, #tpu.memory_space<vmem_shared>> -> memref<128x128xf32, #tpu.memory_space<vmem_shared>>
      %dma_wait3A_91 = arith.constant 0 : i32
      %dma_wait3A_92 = tpu.memref_slice %arg10[%add3A_51, %dma_wait3A_91] : memref<10240x128xf32, #tpu.memory_space<vmem_shared>> -> memref<128x128xf32, #tpu.memory_space<vmem_shared>>
      tpu.wait_dma2 semaphore(%run_scoped3A : memref<!tpu.dma_semaphore, #tpu.memory_space<semaphore_mem>>) src(%arg8 : memref<128x128xf32, #tpu.memory_space<vmem>>) dst(%dma_wait3A_92 : memref<128x128xf32, #tpu.memory_space<vmem_shared>>)
      tpu.yield
    }) : () -> ()
    %add3A_52 = arith.constant 128 : i32
    %add3A_53 = arith.addi %mul3A_2, %add3A_52 : i32
    "tpu.region"() ({
      %run_scoped3A = tpu.sem_alloc : memref<!tpu.dma_semaphore, #tpu.memory_space<semaphore_mem>>
      %dma_start3A_86 = arith.constant 0 : i32
      %dma_start3A_87 = tpu.memref_slice %arg10[%add3A_53, %dma_start3A_86] : memref<10240x128xf32, #tpu.memory_space<vmem_shared>> -> memref<128x128xf32, #tpu.memory_space<vmem_shared>>
      %dma_start3A_88 = arith.constant 0 : i32
      %dma_start3A_89 = tpu.memref_slice %arg10[%add3A_53, %dma_start3A_88] : memref<10240x128xf32, #tpu.memory_space<vmem_shared>> -> memref<128x128xf32, #tpu.memory_space<vmem_shared>>
      tpu.enqueue_dma source(%arg8 : memref<128x128xf32, #tpu.memory_space<vmem>>) target(%dma_start3A_89 : memref<128x128xf32, #tpu.memory_space<vmem_shared>>) target_semaphore(%run_scoped3A : memref<!tpu.dma_semaphore, #tpu.memory_space<semaphore_mem>>)
      %dma_wait3A = arith.constant 0 : i32
      %dma_wait3A_90 = tpu.memref_slice %arg10[%add3A_53, %dma_wait3A] : memref<10240x128xf32, #tpu.memory_space<vmem_shared>> -> memref<128x128xf32, #tpu.memory_space<vmem_shared>>
      %dma_wait3A_91 = arith.constant 0 : i32
      %dma_wait3A_92 = tpu.memref_slice %arg10[%add3A_53, %dma_wait3A_91] : memref<10240x128xf32, #tpu.memory_space<vmem_shared>> -> memref<128x128xf32, #tpu.memory_space<vmem_shared>>
      tpu.wait_dma2 semaphore(%run_scoped3A : memref<!tpu.dma_semaphore, #tpu.memory_space<semaphore_mem>>) src(%arg8 : memref<128x128xf32, #tpu.memory_space<vmem>>) dst(%dma_wait3A_92 : memref<128x128xf32, #tpu.memory_space<vmem_shared>>)
      tpu.yield
    }) : () -> ()
    %add3A_54 = arith.constant 256 : i32
    %add3A_55 = arith.addi %mul3A_2, %add3A_54 : i32
    "tpu.region"() ({
      %run_scoped3A = tpu.sem_alloc : memref<!tpu.dma_semaphore, #tpu.memory_space<semaphore_mem>>
      %dma_start3A_86 = arith.constant 0 : i32
      %dma_start3A_87 = tpu.memref_slice %arg10[%add3A_55, %dma_start3A_86] : memref<10240x128xf32, #tpu.memory_space<vmem_shared>> -> memref<128x128xf32, #tpu.memory_space<vmem_shared>>
      %dma_start3A_88 = arith.constant 0 : i32
      %dma_start3A_89 = tpu.memref_slice %arg10[%add3A_55, %dma_start3A_88] : memref<10240x128xf32, #tpu.memory_space<vmem_shared>> -> memref<128x128xf32, #tpu.memory_space<vmem_shared>>
      tpu.enqueue_dma source(%arg8 : memref<128x128xf32, #tpu.memory_space<vmem>>) target(%dma_start3A_89 : memref<128x128xf32, #tpu.memory_space<vmem_shared>>) target_semaphore(%run_scoped3A : memref<!tpu.dma_semaphore, #tpu.memory_space<semaphore_mem>>)
      %dma_wait3A = arith.constant 0 : i32
      %dma_wait3A_90 = tpu.memref_slice %arg10[%add3A_55, %dma_wait3A] : memref<10240x128xf32, #tpu.memory_space<vmem_shared>> -> memref<128x128xf32, #tpu.memory_space<vmem_shared>>
      %dma_wait3A_91 = arith.constant 0 : i32
      %dma_wait3A_92 = tpu.memref_slice %arg10[%add3A_55, %dma_wait3A_91] : memref<10240x128xf32, #tpu.memory_space<vmem_shared>> -> memref<128x128xf32, #tpu.memory_space<vmem_shared>>
      tpu.wait_dma2 semaphore(%run_scoped3A : memref<!tpu.dma_semaphore, #tpu.memory_space<semaphore_mem>>) src(%arg8 : memref<128x128xf32, #tpu.memory_space<vmem>>) dst(%dma_wait3A_92 : memref<128x128xf32, #tpu.memory_space<vmem_shared>>)
      tpu.yield
    }) : () -> ()
    %add3A_56 = arith.constant 384 : i32
    %add3A_57 = arith.addi %mul3A_2, %add3A_56 : i32
    "tpu.region"() ({
      %run_scoped3A = tpu.sem_alloc : memref<!tpu.dma_semaphore, #tpu.memory_space<semaphore_mem>>
      %dma_start3A_86 = arith.constant 0 : i32
      %dma_start3A_87 = tpu.memref_slice %arg10[%add3A_57, %dma_start3A_86] : memref<10240x128xf32, #tpu.memory_space<vmem_shared>> -> memref<128x128xf32, #tpu.memory_space<vmem_shared>>
      %dma_start3A_88 = arith.constant 0 : i32
      %dma_start3A_89 = tpu.memref_slice %arg10[%add3A_57, %dma_start3A_88] : memref<10240x128xf32, #tpu.memory_space<vmem_shared>> -> memref<128x128xf32, #tpu.memory_space<vmem_shared>>
      tpu.enqueue_dma source(%arg8 : memref<128x128xf32, #tpu.memory_space<vmem>>) target(%dma_start3A_89 : memref<128x128xf32, #tpu.memory_space<vmem_shared>>) target_semaphore(%run_scoped3A : memref<!tpu.dma_semaphore, #tpu.memory_space<semaphore_mem>>)
      %dma_wait3A = arith.constant 0 : i32
      %dma_wait3A_90 = tpu.memref_slice %arg10[%add3A_57, %dma_wait3A] : memref<10240x128xf32, #tpu.memory_space<vmem_shared>> -> memref<128x128xf32, #tpu.memory_space<vmem_shared>>
      %dma_wait3A_91 = arith.constant 0 : i32
      %dma_wait3A_92 = tpu.memref_slice %arg10[%add3A_57, %dma_wait3A_91] : memref<10240x128xf32, #tpu.memory_space<vmem_shared>> -> memref<128x128xf32, #tpu.memory_space<vmem_shared>>
      tpu.wait_dma2 semaphore(%run_scoped3A : memref<!tpu.dma_semaphore, #tpu.memory_space<semaphore_mem>>) src(%arg8 : memref<128x128xf32, #tpu.memory_space<vmem>>) dst(%dma_wait3A_92 : memref<128x128xf32, #tpu.memory_space<vmem_shared>>)
      tpu.yield
    }) : () -> ()
    %add3A_58 = arith.constant 512 : i32
    %add3A_59 = arith.addi %mul3A_2, %add3A_58 : i32
    "tpu.region"() ({
      %run_scoped3A = tpu.sem_alloc : memref<!tpu.dma_semaphore, #tpu.memory_space<semaphore_mem>>
      %dma_start3A_86 = arith.constant 0 : i32
      %dma_start3A_87 = tpu.memref_slice %arg10[%add3A_59, %dma_start3A_86] : memref<10240x128xf32, #tpu.memory_space<vmem_shared>> -> memref<128x128xf32, #tpu.memory_space<vmem_shared>>
      %dma_start3A_88 = arith.constant 0 : i32
      %dma_start3A_89 = tpu.memref_slice %arg10[%add3A_59, %dma_start3A_88] : memref<10240x128xf32, #tpu.memory_space<vmem_shared>> -> memref<128x128xf32, #tpu.memory_space<vmem_shared>>
      tpu.enqueue_dma source(%arg8 : memref<128x128xf32, #tpu.memory_space<vmem>>) target(%dma_start3A_89 : memref<128x128xf32, #tpu.memory_space<vmem_shared>>) target_semaphore(%run_scoped3A : memref<!tpu.dma_semaphore, #tpu.memory_space<semaphore_mem>>)
      %dma_wait3A = arith.constant 0 : i32
      %dma_wait3A_90 = tpu.memref_slice %arg10[%add3A_59, %dma_wait3A] : memref<10240x128xf32, #tpu.memory_space<vmem_shared>> -> memref<128x128xf32, #tpu.memory_space<vmem_shared>>
      %dma_wait3A_91 = arith.constant 0 : i32
      %dma_wait3A_92 = tpu.memref_slice %arg10[%add3A_59, %dma_wait3A_91] : memref<10240x128xf32, #tpu.memory_space<vmem_shared>> -> memref<128x128xf32, #tpu.memory_space<vmem_shared>>
      tpu.wait_dma2 semaphore(%run_scoped3A : memref<!tpu.dma_semaphore, #tpu.memory_space<semaphore_mem>>) src(%arg8 : memref<128x128xf32, #tpu.memory_space<vmem>>) dst(%dma_wait3A_92 : memref<128x128xf32, #tpu.memory_space<vmem_shared>>)
      tpu.yield
    }) : () -> ()
    %barrier3A = arith.constant 0 : index
    tpu.barrier barrier_id(%barrier3A)
    "tpu.region"() ({
      %run_scoped3A = tpu.sem_alloc : memref<!tpu.dma_semaphore, #tpu.memory_space<semaphore_mem>>
      %dma_start3A_86 = arith.constant 0 : i32
      %dma_start3A_87 = arith.constant 0 : i32
      %dma_start3A_88 = tpu.memref_slice %arg3[%add3A, %dma_start3A_86, %dma_start3A_87] : memref<32x80x128xi32, #tpu.memory_space<hbm>> -> memref<1x40x128xi32, #tpu.memory_space<hbm>>
      %dma_start3A_89 = tpu.memref_squeeze %dma_start3A_88 : memref<1x40x128xi32, #tpu.memory_space<hbm>> -> memref<40x128xi32, #tpu.memory_space<hbm>>
      %dma_start3A_90 = arith.constant 0 : i32
      %dma_start3A_91 = arith.constant 0 : i32
      %dma_start3A_92 = tpu.memref_slice %arg3[%add3A, %dma_start3A_90, %dma_start3A_91] : memref<32x80x128xi32, #tpu.memory_space<hbm>> -> memref<1x40x128xi32, #tpu.memory_space<hbm>>
      %dma_start3A_93 = tpu.memref_squeeze %dma_start3A_92 : memref<1x40x128xi32, #tpu.memory_space<hbm>> -> memref<40x128xi32, #tpu.memory_space<hbm>>
      tpu.enqueue_dma source(%dma_start3A_93 : memref<40x128xi32, #tpu.memory_space<hbm>>) target(%arg6 : memref<40x128xi32, #tpu.memory_space<vmem>>) target_semaphore(%run_scoped3A : memref<!tpu.dma_semaphore, #tpu.memory_space<semaphore_mem>>)
      %dma_wait3A = arith.constant 0 : i32
      %dma_wait3A_94 = arith.constant 0 : i32
      %dma_wait3A_95 = tpu.memref_slice %arg3[%add3A, %dma_wait3A, %dma_wait3A_94] : memref<32x80x128xi32, #tpu.memory_space<hbm>> -> memref<1x40x128xi32, #tpu.memory_space<hbm>>
      %dma_wait3A_96 = tpu.memref_squeeze %dma_wait3A_95 : memref<1x40x128xi32, #tpu.memory_space<hbm>> -> memref<40x128xi32, #tpu.memory_space<hbm>>
      %dma_wait3A_97 = arith.constant 0 : i32
      %dma_wait3A_98 = arith.constant 0 : i32
      %dma_wait3A_99 = tpu.memref_slice %arg3[%add3A, %dma_wait3A_97, %dma_wait3A_98] : memref<32x80x128xi32, #tpu.memory_space<hbm>> -> memref<1x40x128xi32, #tpu.memory_space<hbm>>
      %dma_wait3A_100 = tpu.memref_squeeze %dma_wait3A_99 : memref<1x40x128xi32, #tpu.memory_space<hbm>> -> memref<40x128xi32, #tpu.memory_space<hbm>>
      tpu.wait_dma2 semaphore(%run_scoped3A : memref<!tpu.dma_semaphore, #tpu.memory_space<semaphore_mem>>) src(%dma_wait3A_100 : memref<40x128xi32, #tpu.memory_space<hbm>>) dst(%arg6 : memref<40x128xi32, #tpu.memory_space<vmem>>)
      tpu.yield
    }) : () -> ()
    "tpu.region"() ({
      %run_scoped3A = tpu.sem_alloc : memref<!tpu.dma_semaphore, #tpu.memory_space<semaphore_mem>>
      %dma_start3A_86 = arith.constant 0 : i32
      %dma_start3A_87 = arith.constant 0 : i32
      %dma_start3A_88 = tpu.memref_slice %arg4[%add3A, %dma_start3A_86, %dma_start3A_87] : memref<32x80x128xi32, #tpu.memory_space<hbm>> -> memref<1x40x128xi32, #tpu.memory_space<hbm>>
      %dma_start3A_89 = tpu.memref_squeeze %dma_start3A_88 : memref<1x40x128xi32, #tpu.memory_space<hbm>> -> memref<40x128xi32, #tpu.memory_space<hbm>>
      %dma_start3A_90 = arith.constant 0 : i32
      %dma_start3A_91 = arith.constant 0 : i32
      %dma_start3A_92 = tpu.memref_slice %arg4[%add3A, %dma_start3A_90, %dma_start3A_91] : memref<32x80x128xi32, #tpu.memory_space<hbm>> -> memref<1x40x128xi32, #tpu.memory_space<hbm>>
      %dma_start3A_93 = tpu.memref_squeeze %dma_start3A_92 : memref<1x40x128xi32, #tpu.memory_space<hbm>> -> memref<40x128xi32, #tpu.memory_space<hbm>>
      tpu.enqueue_dma source(%dma_start3A_93 : memref<40x128xi32, #tpu.memory_space<hbm>>) target(%arg7 : memref<40x128xi32, #tpu.memory_space<vmem>>) target_semaphore(%run_scoped3A : memref<!tpu.dma_semaphore, #tpu.memory_space<semaphore_mem>>)
      %dma_wait3A = arith.constant 0 : i32
      %dma_wait3A_94 = arith.constant 0 : i32
      %dma_wait3A_95 = tpu.memref_slice %arg4[%add3A, %dma_wait3A, %dma_wait3A_94] : memref<32x80x128xi32, #tpu.memory_space<hbm>> -> memref<1x40x128xi32, #tpu.memory_space<hbm>>
      %dma_wait3A_96 = tpu.memref_squeeze %dma_wait3A_95 : memref<1x40x128xi32, #tpu.memory_space<hbm>> -> memref<40x128xi32, #tpu.memory_space<hbm>>
      %dma_wait3A_97 = arith.constant 0 : i32
      %dma_wait3A_98 = arith.constant 0 : i32
      %dma_wait3A_99 = tpu.memref_slice %arg4[%add3A, %dma_wait3A_97, %dma_wait3A_98] : memref<32x80x128xi32, #tpu.memory_space<hbm>> -> memref<1x40x128xi32, #tpu.memory_space<hbm>>
      %dma_wait3A_100 = tpu.memref_squeeze %dma_wait3A_99 : memref<1x40x128xi32, #tpu.memory_space<hbm>> -> memref<40x128xi32, #tpu.memory_space<hbm>>
      tpu.wait_dma2 semaphore(%run_scoped3A : memref<!tpu.dma_semaphore, #tpu.memory_space<semaphore_mem>>) src(%dma_wait3A_100 : memref<40x128xi32, #tpu.memory_space<hbm>>) dst(%arg7 : memref<40x128xi32, #tpu.memory_space<vmem>>)
      tpu.yield
    }) : () -> ()
    %dma_start3A = arith.constant 0 : i32
    %dma_start3A_60 = arith.constant 0 : i32
    %dma_start3A_61 = tpu.memref_slice %arg6[%dma_start3A, %dma_start3A_60] : memref<40x128xi32, #tpu.memory_space<vmem>> -> memref<1x128xi32, #tpu.memory_space<vmem>>
    %dma_start3A_62 = tpu.memref_squeeze %dma_start3A_61 : memref<1x128xi32, #tpu.memory_space<vmem>> -> memref<128xi32, #tpu.memory_space<vmem>>
    %dma_start3A_63 = arith.constant 0 : i32
    %dma_start3A_64 = arith.constant 0 : i32
    %dma_start3A_65 = tpu.memref_slice %arg2[%dma_start3A_63, %dma_start3A_64] : memref<10000x128xf32, #tpu.memory_space<hbm>> -> memref<10000x128xf32, #tpu.memory_space<hbm>>
    tpu.enqueue_indirect_dma source(%dma_start3A_65 : memref<10000x128xf32, #tpu.memory_space<hbm>>) target(%arg8 : memref<128x128xf32, #tpu.memory_space<vmem>>) offsets(%dma_start3A_62 : memref<128xi32, #tpu.memory_space<vmem>>) semaphore(%arg11 : memref<!tpu.dma_semaphore, #tpu.memory_space<semaphore_mem>>)
    %scan3A_66 = arith.constant 0 : i32
    %scan3A_67 = arith.constant 0 : i32
    %scan3A_68 = arith.constant 20 : i32
    %scan3A_69 = arith.addi %scan3A_67, %scan3A_68 : i32
    %scan3A_70 = arith.constant 1 : i32
    scf.for %scan3A_86 = %scan3A_67 to %scan3A_69 step %scan3A_70  : i32 {
      %mul3A_87 = arith.constant 2 : i32
      %mul3A_88 = arith.muli %mul3A_87, %scan3A_86 : i32
      %mul3A_89 = arith.constant 2 : i32
      %mul3A_90 = arith.muli %mul3A_89, %scan3A_86 : i32
      %add3A_91 = arith.constant 1 : i32
      %add3A_92 = arith.addi %mul3A_90, %add3A_91 : i32
      %dma_start3A_93 = arith.constant 0 : i32
      %dma_start3A_94 = tpu.memref_slice %arg6[%add3A_92, %dma_start3A_93] : memref<40x128xi32, #tpu.memory_space<vmem>> -> memref<1x128xi32, #tpu.memory_space<vmem>>
      %dma_start3A_95 = tpu.memref_squeeze %dma_start3A_94 : memref<1x128xi32, #tpu.memory_space<vmem>> -> memref<128xi32, #tpu.memory_space<vmem>>
      %dma_start3A_96 = arith.constant 0 : i32
      %dma_start3A_97 = arith.constant 0 : i32
      %dma_start3A_98 = tpu.memref_slice %arg2[%dma_start3A_96, %dma_start3A_97] : memref<10000x128xf32, #tpu.memory_space<hbm>> -> memref<10000x128xf32, #tpu.memory_space<hbm>>
      tpu.enqueue_indirect_dma source(%dma_start3A_98 : memref<10000x128xf32, #tpu.memory_space<hbm>>) target(%arg9 : memref<128x128xf32, #tpu.memory_space<vmem>>) offsets(%dma_start3A_95 : memref<128xi32, #tpu.memory_space<vmem>>) semaphore(%arg12 : memref<!tpu.dma_semaphore, #tpu.memory_space<semaphore_mem>>)
      %dma_wait3A = arith.constant 0 : i32
      %dma_wait3A_99 = tpu.memref_slice %arg6[%mul3A_88, %dma_wait3A] : memref<40x128xi32, #tpu.memory_space<vmem>> -> memref<1x128xi32, #tpu.memory_space<vmem>>
      %dma_wait3A_100 = tpu.memref_squeeze %dma_wait3A_99 : memref<1x128xi32, #tpu.memory_space<vmem>> -> memref<128xi32, #tpu.memory_space<vmem>>
      %dma_wait3A_101 = arith.constant 0 : i32
      %dma_wait3A_102 = arith.constant 0 : i32
      %dma_wait3A_103 = tpu.memref_slice %arg2[%dma_wait3A_101, %dma_wait3A_102] : memref<10000x128xf32, #tpu.memory_space<hbm>> -> memref<10000x128xf32, #tpu.memory_space<hbm>>
      tpu.wait_indirect_dma semaphore(%arg11 : memref<!tpu.dma_semaphore, #tpu.memory_space<semaphore_mem>>) src(%dma_wait3A_103 : memref<10000x128xf32, #tpu.memory_space<hbm>>) dst(%arg8 : memref<128x128xf32, #tpu.memory_space<vmem>>)
      "tpu.region"() ({
        %run_scoped3A = tpu.sem_alloc : memref<!tpu.dma_semaphore, #tpu.memory_space<semaphore_mem>>
        %dma_start3A_114 = arith.constant 0 : i32
        %dma_start3A_115 = tpu.memref_slice %arg7[%mul3A_88, %dma_start3A_114] : memref<40x128xi32, #tpu.memory_space<vmem>> -> memref<1x128xi32, #tpu.memory_space<vmem>>
        %dma_start3A_116 = tpu.memref_squeeze %dma_start3A_115 : memref<1x128xi32, #tpu.memory_space<vmem>> -> memref<128xi32, #tpu.memory_space<vmem>>
        %dma_start3A_117 = arith.constant 0 : i32
        %dma_start3A_118 = arith.constant 0 : i32
        %dma_start3A_119 = tpu.memref_slice %arg10[%dma_start3A_117, %dma_start3A_118] : memref<10240x128xf32, #tpu.memory_space<vmem_shared>> -> memref<10240x128xf32, #tpu.memory_space<vmem_shared>>
        tpu.enqueue_indirect_dma source(%arg8 : memref<128x128xf32, #tpu.memory_space<vmem>>) target(%dma_start3A_119 : memref<10240x128xf32, #tpu.memory_space<vmem_shared>>) offsets(%dma_start3A_116 : memref<128xi32, #tpu.memory_space<vmem>>) semaphore(%run_scoped3A : memref<!tpu.dma_semaphore, #tpu.memory_space<semaphore_mem>>) {add = true}
        %dma_wait3A_120 = arith.constant 0 : i32
        %dma_wait3A_121 = tpu.memref_slice %arg7[%mul3A_88, %dma_wait3A_120] : memref<40x128xi32, #tpu.memory_space<vmem>> -> memref<1x128xi32, #tpu.memory_space<vmem>>
        %dma_wait3A_122 = tpu.memref_squeeze %dma_wait3A_121 : memref<1x128xi32, #tpu.memory_space<vmem>> -> memref<128xi32, #tpu.memory_space<vmem>>
        %dma_wait3A_123 = arith.constant 0 : i32
        %dma_wait3A_124 = arith.constant 0 : i32
        %dma_wait3A_125 = tpu.memref_slice %arg10[%dma_wait3A_123, %dma_wait3A_124] : memref<10240x128xf32, #tpu.memory_space<vmem_shared>> -> memref<10240x128xf32, #tpu.memory_space<vmem_shared>>
        tpu.wait_indirect_dma semaphore(%run_scoped3A : memref<!tpu.dma_semaphore, #tpu.memory_space<semaphore_mem>>) src(%arg8 : memref<128x128xf32, #tpu.memory_space<vmem>>) dst(%dma_wait3A_125 : memref<10240x128xf32, #tpu.memory_space<vmem_shared>>)
        tpu.yield
      }) : () -> ()
      %add3A_104 = arith.constant 1 : i32
      %add3A_105 = arith.addi %add3A_92, %add3A_104 : i32
      %lt3A = arith.constant 40 : i32
      %lt3A_106 = arith.cmpi slt, %add3A_105, %lt3A : i32
      %convert_element_type3A = arith.extui %lt3A_106 : i1 to i32
      %cond3A = arith.constant 0 : i32
      %cond3A_107 = arith.cmpi ne, %convert_element_type3A, %cond3A : i32
      scf.if %cond3A_107 {
        %add3A_114 = arith.constant 1 : i32
        %add3A_115 = arith.addi %add3A_92, %add3A_114 : i32
        %dma_start3A_116 = arith.constant 0 : i32
        %dma_start3A_117 = tpu.memref_slice %arg6[%add3A_115, %dma_start3A_116] : memref<40x128xi32, #tpu.memory_space<vmem>> -> memref<1x128xi32, #tpu.memory_space<vmem>>
        %dma_start3A_118 = tpu.memref_squeeze %dma_start3A_117 : memref<1x128xi32, #tpu.memory_space<vmem>> -> memref<128xi32, #tpu.memory_space<vmem>>
        %dma_start3A_119 = arith.constant 0 : i32
        %dma_start3A_120 = arith.constant 0 : i32
        %dma_start3A_121 = tpu.memref_slice %arg2[%dma_start3A_119, %dma_start3A_120] : memref<10000x128xf32, #tpu.memory_space<hbm>> -> memref<10000x128xf32, #tpu.memory_space<hbm>>
        tpu.enqueue_indirect_dma source(%dma_start3A_121 : memref<10000x128xf32, #tpu.memory_space<hbm>>) target(%arg8 : memref<128x128xf32, #tpu.memory_space<vmem>>) offsets(%dma_start3A_118 : memref<128xi32, #tpu.memory_space<vmem>>) semaphore(%arg11 : memref<!tpu.dma_semaphore, #tpu.memory_space<semaphore_mem>>)
      } else {
      }
      %dma_wait3A_108 = arith.constant 0 : i32
      %dma_wait3A_109 = tpu.memref_slice %arg6[%add3A_92, %dma_wait3A_108] : memref<40x128xi32, #tpu.memory_space<vmem>> -> memref<1x128xi32, #tpu.memory_space<vmem>>
      %dma_wait3A_110 = tpu.memref_squeeze %dma_wait3A_109 : memref<1x128xi32, #tpu.memory_space<vmem>> -> memref<128xi32, #tpu.memory_space<vmem>>
      %dma_wait3A_111 = arith.constant 0 : i32
      %dma_wait3A_112 = arith.constant 0 : i32
      %dma_wait3A_113 = tpu.memref_slice %arg2[%dma_wait3A_111, %dma_wait3A_112] : memref<10000x128xf32, #tpu.memory_space<hbm>> -> memref<10000x128xf32, #tpu.memory_space<hbm>>
      tpu.wait_indirect_dma semaphore(%arg12 : memref<!tpu.dma_semaphore, #tpu.memory_space<semaphore_mem>>) src(%dma_wait3A_113 : memref<10000x128xf32, #tpu.memory_space<hbm>>) dst(%arg9 : memref<128x128xf32, #tpu.memory_space<vmem>>)
      "tpu.region"() ({
        %run_scoped3A = tpu.sem_alloc : memref<!tpu.dma_semaphore, #tpu.memory_space<semaphore_mem>>
        %dma_start3A_114 = arith.constant 0 : i32
        %dma_start3A_115 = tpu.memref_slice %arg7[%add3A_92, %dma_start3A_114] : memref<40x128xi32, #tpu.memory_space<vmem>> -> memref<1x128xi32, #tpu.memory_space<vmem>>
        %dma_start3A_116 = tpu.memref_squeeze %dma_start3A_115 : memref<1x128xi32, #tpu.memory_space<vmem>> -> memref<128xi32, #tpu.memory_space<vmem>>
        %dma_start3A_117 = arith.constant 0 : i32
        %dma_start3A_118 = arith.constant 0 : i32
        %dma_start3A_119 = tpu.memref_slice %arg10[%dma_start3A_117, %dma_start3A_118] : memref<10240x128xf32, #tpu.memory_space<vmem_shared>> -> memref<10240x128xf32, #tpu.memory_space<vmem_shared>>
        tpu.enqueue_indirect_dma source(%arg9 : memref<128x128xf32, #tpu.memory_space<vmem>>) target(%dma_start3A_119 : memref<10240x128xf32, #tpu.memory_space<vmem_shared>>) offsets(%dma_start3A_116 : memref<128xi32, #tpu.memory_space<vmem>>) semaphore(%run_scoped3A : memref<!tpu.dma_semaphore, #tpu.memory_space<semaphore_mem>>) {add = true}
        %dma_wait3A_120 = arith.constant 0 : i32
        %dma_wait3A_121 = tpu.memref_slice %arg7[%add3A_92, %dma_wait3A_120] : memref<40x128xi32, #tpu.memory_space<vmem>> -> memref<1x128xi32, #tpu.memory_space<vmem>>
        %dma_wait3A_122 = tpu.memref_squeeze %dma_wait3A_121 : memref<1x128xi32, #tpu.memory_space<vmem>> -> memref<128xi32, #tpu.memory_space<vmem>>
        %dma_wait3A_123 = arith.constant 0 : i32
        %dma_wait3A_124 = arith.constant 0 : i32
        %dma_wait3A_125 = tpu.memref_slice %arg10[%dma_wait3A_123, %dma_wait3A_124] : memref<10240x128xf32, #tpu.memory_space<vmem_shared>> -> memref<10240x128xf32, #tpu.memory_space<vmem_shared>>
        tpu.wait_indirect_dma semaphore(%run_scoped3A : memref<!tpu.dma_semaphore, #tpu.memory_space<semaphore_mem>>) src(%arg9 : memref<128x128xf32, #tpu.memory_space<vmem>>) dst(%dma_wait3A_125 : memref<10240x128xf32, #tpu.memory_space<vmem_shared>>)
        tpu.yield
      }) : () -> ()
    }
    %scan3A_71 = arith.constant 20 : i32
    "tpu.region"() ({
      %run_scoped3A = tpu.sem_alloc : memref<!tpu.dma_semaphore, #tpu.memory_space<semaphore_mem>>
      %dma_start3A_86 = arith.constant 40 : i32
      %dma_start3A_87 = arith.constant 0 : i32
      %dma_start3A_88 = tpu.memref_slice %arg3[%add3A, %dma_start3A_86, %dma_start3A_87] : memref<32x80x128xi32, #tpu.memory_space<hbm>> -> memref<1x40x128xi32, #tpu.memory_space<hbm>>
      %dma_start3A_89 = tpu.memref_squeeze %dma_start3A_88 : memref<1x40x128xi32, #tpu.memory_space<hbm>> -> memref<40x128xi32, #tpu.memory_space<hbm>>
      %dma_start3A_90 = arith.constant 40 : i32
      %dma_start3A_91 = arith.constant 0 : i32
      %dma_start3A_92 = tpu.memref_slice %arg3[%add3A, %dma_start3A_90, %dma_start3A_91] : memref<32x80x128xi32, #tpu.memory_space<hbm>> -> memref<1x40x128xi32, #tpu.memory_space<hbm>>
      %dma_start3A_93 = tpu.memref_squeeze %dma_start3A_92 : memref<1x40x128xi32, #tpu.memory_space<hbm>> -> memref<40x128xi32, #tpu.memory_space<hbm>>
      tpu.enqueue_dma source(%dma_start3A_93 : memref<40x128xi32, #tpu.memory_space<hbm>>) target(%arg6 : memref<40x128xi32, #tpu.memory_space<vmem>>) target_semaphore(%run_scoped3A : memref<!tpu.dma_semaphore, #tpu.memory_space<semaphore_mem>>)
      %dma_wait3A = arith.constant 40 : i32
      %dma_wait3A_94 = arith.constant 0 : i32
      %dma_wait3A_95 = tpu.memref_slice %arg3[%add3A, %dma_wait3A, %dma_wait3A_94] : memref<32x80x128xi32, #tpu.memory_space<hbm>> -> memref<1x40x128xi32, #tpu.memory_space<hbm>>
      %dma_wait3A_96 = tpu.memref_squeeze %dma_wait3A_95 : memref<1x40x128xi32, #tpu.memory_space<hbm>> -> memref<40x128xi32, #tpu.memory_space<hbm>>
      %dma_wait3A_97 = arith.constant 40 : i32
      %dma_wait3A_98 = arith.constant 0 : i32
      %dma_wait3A_99 = tpu.memref_slice %arg3[%add3A, %dma_wait3A_97, %dma_wait3A_98] : memref<32x80x128xi32, #tpu.memory_space<hbm>> -> memref<1x40x128xi32, #tpu.memory_space<hbm>>
      %dma_wait3A_100 = tpu.memref_squeeze %dma_wait3A_99 : memref<1x40x128xi32, #tpu.memory_space<hbm>> -> memref<40x128xi32, #tpu.memory_space<hbm>>
      tpu.wait_dma2 semaphore(%run_scoped3A : memref<!tpu.dma_semaphore, #tpu.memory_space<semaphore_mem>>) src(%dma_wait3A_100 : memref<40x128xi32, #tpu.memory_space<hbm>>) dst(%arg6 : memref<40x128xi32, #tpu.memory_space<vmem>>)
      tpu.yield
    }) : () -> ()
    "tpu.region"() ({
      %run_scoped3A = tpu.sem_alloc : memref<!tpu.dma_semaphore, #tpu.memory_space<semaphore_mem>>
      %dma_start3A_86 = arith.constant 40 : i32
      %dma_start3A_87 = arith.constant 0 : i32
      %dma_start3A_88 = tpu.memref_slice %arg4[%add3A, %dma_start3A_86, %dma_start3A_87] : memref<32x80x128xi32, #tpu.memory_space<hbm>> -> memref<1x40x128xi32, #tpu.memory_space<hbm>>
      %dma_start3A_89 = tpu.memref_squeeze %dma_start3A_88 : memref<1x40x128xi32, #tpu.memory_space<hbm>> -> memref<40x128xi32, #tpu.memory_space<hbm>>
      %dma_start3A_90 = arith.constant 40 : i32
      %dma_start3A_91 = arith.constant 0 : i32
      %dma_start3A_92 = tpu.memref_slice %arg4[%add3A, %dma_start3A_90, %dma_start3A_91] : memref<32x80x128xi32, #tpu.memory_space<hbm>> -> memref<1x40x128xi32, #tpu.memory_space<hbm>>
      %dma_start3A_93 = tpu.memref_squeeze %dma_start3A_92 : memref<1x40x128xi32, #tpu.memory_space<hbm>> -> memref<40x128xi32, #tpu.memory_space<hbm>>
      tpu.enqueue_dma source(%dma_start3A_93 : memref<40x128xi32, #tpu.memory_space<hbm>>) target(%arg7 : memref<40x128xi32, #tpu.memory_space<vmem>>) target_semaphore(%run_scoped3A : memref<!tpu.dma_semaphore, #tpu.memory_space<semaphore_mem>>)
      %dma_wait3A = arith.constant 40 : i32
      %dma_wait3A_94 = arith.constant 0 : i32
      %dma_wait3A_95 = tpu.memref_slice %arg4[%add3A, %dma_wait3A, %dma_wait3A_94] : memref<32x80x128xi32, #tpu.memory_space<hbm>> -> memref<1x40x128xi32, #tpu.memory_space<hbm>>
      %dma_wait3A_96 = tpu.memref_squeeze %dma_wait3A_95 : memref<1x40x128xi32, #tpu.memory_space<hbm>> -> memref<40x128xi32, #tpu.memory_space<hbm>>
      %dma_wait3A_97 = arith.constant 40 : i32
      %dma_wait3A_98 = arith.constant 0 : i32
      %dma_wait3A_99 = tpu.memref_slice %arg4[%add3A, %dma_wait3A_97, %dma_wait3A_98] : memref<32x80x128xi32, #tpu.memory_space<hbm>> -> memref<1x40x128xi32, #tpu.memory_space<hbm>>
      %dma_wait3A_100 = tpu.memref_squeeze %dma_wait3A_99 : memref<1x40x128xi32, #tpu.memory_space<hbm>> -> memref<40x128xi32, #tpu.memory_space<hbm>>
      tpu.wait_dma2 semaphore(%run_scoped3A : memref<!tpu.dma_semaphore, #tpu.memory_space<semaphore_mem>>) src(%dma_wait3A_100 : memref<40x128xi32, #tpu.memory_space<hbm>>) dst(%arg7 : memref<40x128xi32, #tpu.memory_space<vmem>>)
      tpu.yield
    }) : () -> ()
    %dma_start3A_72 = arith.constant 0 : i32
    %dma_start3A_73 = arith.constant 0 : i32
    %dma_start3A_74 = tpu.memref_slice %arg6[%dma_start3A_72, %dma_start3A_73] : memref<40x128xi32, #tpu.memory_space<vmem>> -> memref<1x128xi32, #tpu.memory_space<vmem>>
    %dma_start3A_75 = tpu.memref_squeeze %dma_start3A_74 : memref<1x128xi32, #tpu.memory_space<vmem>> -> memref<128xi32, #tpu.memory_space<vmem>>
    %dma_start3A_76 = arith.constant 0 : i32
    %dma_start3A_77 = arith.constant 0 : i32
    %dma_start3A_78 = tpu.memref_slice %arg2[%dma_start3A_76, %dma_start3A_77] : memref<10000x128xf32, #tpu.memory_space<hbm>> -> memref<10000x128xf32, #tpu.memory_space<hbm>>
    tpu.enqueue_indirect_dma source(%dma_start3A_78 : memref<10000x128xf32, #tpu.memory_space<hbm>>) target(%arg8 : memref<128x128xf32, #tpu.memory_space<vmem>>) offsets(%dma_start3A_75 : memref<128xi32, #tpu.memory_space<vmem>>) semaphore(%arg11 : memref<!tpu.dma_semaphore, #tpu.memory_space<semaphore_mem>>)
    %scan3A_79 = arith.constant 0 : i32
    %scan3A_80 = arith.constant 0 : i32
    %scan3A_81 = arith.constant 20 : i32
    %scan3A_82 = arith.addi %scan3A_80, %scan3A_81 : i32
    %scan3A_83 = arith.constant 1 : i32
    scf.for %scan3A_86 = %scan3A_80 to %scan3A_82 step %scan3A_83  : i32 {
      %mul3A_87 = arith.constant 2 : i32
      %mul3A_88 = arith.muli %mul3A_87, %scan3A_86 : i32
      %mul3A_89 = arith.constant 2 : i32
      %mul3A_90 = arith.muli %mul3A_89, %scan3A_86 : i32
      %add3A_91 = arith.constant 1 : i32
      %add3A_92 = arith.addi %mul3A_90, %add3A_91 : i32
      %dma_start3A_93 = arith.constant 0 : i32
      %dma_start3A_94 = tpu.memref_slice %arg6[%add3A_92, %dma_start3A_93] : memref<40x128xi32, #tpu.memory_space<vmem>> -> memref<1x128xi32, #tpu.memory_space<vmem>>
      %dma_start3A_95 = tpu.memref_squeeze %dma_start3A_94 : memref<1x128xi32, #tpu.memory_space<vmem>> -> memref<128xi32, #tpu.memory_space<vmem>>
      %dma_start3A_96 = arith.constant 0 : i32
      %dma_start3A_97 = arith.constant 0 : i32
      %dma_start3A_98 = tpu.memref_slice %arg2[%dma_start3A_96, %dma_start3A_97] : memref<10000x128xf32, #tpu.memory_space<hbm>> -> memref<10000x128xf32, #tpu.memory_space<hbm>>
      tpu.enqueue_indirect_dma source(%dma_start3A_98 : memref<10000x128xf32, #tpu.memory_space<hbm>>) target(%arg9 : memref<128x128xf32, #tpu.memory_space<vmem>>) offsets(%dma_start3A_95 : memref<128xi32, #tpu.memory_space<vmem>>) semaphore(%arg12 : memref<!tpu.dma_semaphore, #tpu.memory_space<semaphore_mem>>)
      %dma_wait3A = arith.constant 0 : i32
      %dma_wait3A_99 = tpu.memref_slice %arg6[%mul3A_88, %dma_wait3A] : memref<40x128xi32, #tpu.memory_space<vmem>> -> memref<1x128xi32, #tpu.memory_space<vmem>>
      %dma_wait3A_100 = tpu.memref_squeeze %dma_wait3A_99 : memref<1x128xi32, #tpu.memory_space<vmem>> -> memref<128xi32, #tpu.memory_space<vmem>>
      %dma_wait3A_101 = arith.constant 0 : i32
      %dma_wait3A_102 = arith.constant 0 : i32
      %dma_wait3A_103 = tpu.memref_slice %arg2[%dma_wait3A_101, %dma_wait3A_102] : memref<10000x128xf32, #tpu.memory_space<hbm>> -> memref<10000x128xf32, #tpu.memory_space<hbm>>
      tpu.wait_indirect_dma semaphore(%arg11 : memref<!tpu.dma_semaphore, #tpu.memory_space<semaphore_mem>>) src(%dma_wait3A_103 : memref<10000x128xf32, #tpu.memory_space<hbm>>) dst(%arg8 : memref<128x128xf32, #tpu.memory_space<vmem>>)
      "tpu.region"() ({
        %run_scoped3A = tpu.sem_alloc : memref<!tpu.dma_semaphore, #tpu.memory_space<semaphore_mem>>
        %dma_start3A_114 = arith.constant 0 : i32
        %dma_start3A_115 = tpu.memref_slice %arg7[%mul3A_88, %dma_start3A_114] : memref<40x128xi32, #tpu.memory_space<vmem>> -> memref<1x128xi32, #tpu.memory_space<vmem>>
        %dma_start3A_116 = tpu.memref_squeeze %dma_start3A_115 : memref<1x128xi32, #tpu.memory_space<vmem>> -> memref<128xi32, #tpu.memory_space<vmem>>
        %dma_start3A_117 = arith.constant 0 : i32
        %dma_start3A_118 = arith.constant 0 : i32
        %dma_start3A_119 = tpu.memref_slice %arg10[%dma_start3A_117, %dma_start3A_118] : memref<10240x128xf32, #tpu.memory_space<vmem_shared>> -> memref<10240x128xf32, #tpu.memory_space<vmem_shared>>
        tpu.enqueue_indirect_dma source(%arg8 : memref<128x128xf32, #tpu.memory_space<vmem>>) target(%dma_start3A_119 : memref<10240x128xf32, #tpu.memory_space<vmem_shared>>) offsets(%dma_start3A_116 : memref<128xi32, #tpu.memory_space<vmem>>) semaphore(%run_scoped3A : memref<!tpu.dma_semaphore, #tpu.memory_space<semaphore_mem>>) {add = true}
        %dma_wait3A_120 = arith.constant 0 : i32
        %dma_wait3A_121 = tpu.memref_slice %arg7[%mul3A_88, %dma_wait3A_120] : memref<40x128xi32, #tpu.memory_space<vmem>> -> memref<1x128xi32, #tpu.memory_space<vmem>>
        %dma_wait3A_122 = tpu.memref_squeeze %dma_wait3A_121 : memref<1x128xi32, #tpu.memory_space<vmem>> -> memref<128xi32, #tpu.memory_space<vmem>>
        %dma_wait3A_123 = arith.constant 0 : i32
        %dma_wait3A_124 = arith.constant 0 : i32
        %dma_wait3A_125 = tpu.memref_slice %arg10[%dma_wait3A_123, %dma_wait3A_124] : memref<10240x128xf32, #tpu.memory_space<vmem_shared>> -> memref<10240x128xf32, #tpu.memory_space<vmem_shared>>
        tpu.wait_indirect_dma semaphore(%run_scoped3A : memref<!tpu.dma_semaphore, #tpu.memory_space<semaphore_mem>>) src(%arg8 : memref<128x128xf32, #tpu.memory_space<vmem>>) dst(%dma_wait3A_125 : memref<10240x128xf32, #tpu.memory_space<vmem_shared>>)
        tpu.yield
      }) : () -> ()
      %add3A_104 = arith.constant 1 : i32
      %add3A_105 = arith.addi %add3A_92, %add3A_104 : i32
      %lt3A = arith.constant 40 : i32
      %lt3A_106 = arith.cmpi slt, %add3A_105, %lt3A : i32
      %convert_element_type3A = arith.extui %lt3A_106 : i1 to i32
      %cond3A = arith.constant 0 : i32
      %cond3A_107 = arith.cmpi ne, %convert_element_type3A, %cond3A : i32
      scf.if %cond3A_107 {
        %add3A_114 = arith.constant 1 : i32
        %add3A_115 = arith.addi %add3A_92, %add3A_114 : i32
        %dma_start3A_116 = arith.constant 0 : i32
        %dma_start3A_117 = tpu.memref_slice %arg6[%add3A_115, %dma_start3A_116] : memref<40x128xi32, #tpu.memory_space<vmem>> -> memref<1x128xi32, #tpu.memory_space<vmem>>
        %dma_start3A_118 = tpu.memref_squeeze %dma_start3A_117 : memref<1x128xi32, #tpu.memory_space<vmem>> -> memref<128xi32, #tpu.memory_space<vmem>>
        %dma_start3A_119 = arith.constant 0 : i32
        %dma_start3A_120 = arith.constant 0 : i32
        %dma_start3A_121 = tpu.memref_slice %arg2[%dma_start3A_119, %dma_start3A_120] : memref<10000x128xf32, #tpu.memory_space<hbm>> -> memref<10000x128xf32, #tpu.memory_space<hbm>>
        tpu.enqueue_indirect_dma source(%dma_start3A_121 : memref<10000x128xf32, #tpu.memory_space<hbm>>) target(%arg8 : memref<128x128xf32, #tpu.memory_space<vmem>>) offsets(%dma_start3A_118 : memref<128xi32, #tpu.memory_space<vmem>>) semaphore(%arg11 : memref<!tpu.dma_semaphore, #tpu.memory_space<semaphore_mem>>)
      } else {
      }
      %dma_wait3A_108 = arith.constant 0 : i32
      %dma_wait3A_109 = tpu.memref_slice %arg6[%add3A_92, %dma_wait3A_108] : memref<40x128xi32, #tpu.memory_space<vmem>> -> memref<1x128xi32, #tpu.memory_space<vmem>>
      %dma_wait3A_110 = tpu.memref_squeeze %dma_wait3A_109 : memref<1x128xi32, #tpu.memory_space<vmem>> -> memref<128xi32, #tpu.memory_space<vmem>>
      %dma_wait3A_111 = arith.constant 0 : i32
      %dma_wait3A_112 = arith.constant 0 : i32
      %dma_wait3A_113 = tpu.memref_slice %arg2[%dma_wait3A_111, %dma_wait3A_112] : memref<10000x128xf32, #tpu.memory_space<hbm>> -> memref<10000x128xf32, #tpu.memory_space<hbm>>
      tpu.wait_indirect_dma semaphore(%arg12 : memref<!tpu.dma_semaphore, #tpu.memory_space<semaphore_mem>>) src(%dma_wait3A_113 : memref<10000x128xf32, #tpu.memory_space<hbm>>) dst(%arg9 : memref<128x128xf32, #tpu.memory_space<vmem>>)
      "tpu.region"() ({
        %run_scoped3A = tpu.sem_alloc : memref<!tpu.dma_semaphore, #tpu.memory_space<semaphore_mem>>
        %dma_start3A_114 = arith.constant 0 : i32
        %dma_start3A_115 = tpu.memref_slice %arg7[%add3A_92, %dma_start3A_114] : memref<40x128xi32, #tpu.memory_space<vmem>> -> memref<1x128xi32, #tpu.memory_space<vmem>>
        %dma_start3A_116 = tpu.memref_squeeze %dma_start3A_115 : memref<1x128xi32, #tpu.memory_space<vmem>> -> memref<128xi32, #tpu.memory_space<vmem>>
        %dma_start3A_117 = arith.constant 0 : i32
        %dma_start3A_118 = arith.constant 0 : i32
        %dma_start3A_119 = tpu.memref_slice %arg10[%dma_start3A_117, %dma_start3A_118] : memref<10240x128xf32, #tpu.memory_space<vmem_shared>> -> memref<10240x128xf32, #tpu.memory_space<vmem_shared>>
        tpu.enqueue_indirect_dma source(%arg9 : memref<128x128xf32, #tpu.memory_space<vmem>>) target(%dma_start3A_119 : memref<10240x128xf32, #tpu.memory_space<vmem_shared>>) offsets(%dma_start3A_116 : memref<128xi32, #tpu.memory_space<vmem>>) semaphore(%run_scoped3A : memref<!tpu.dma_semaphore, #tpu.memory_space<semaphore_mem>>) {add = true}
        %dma_wait3A_120 = arith.constant 0 : i32
        %dma_wait3A_121 = tpu.memref_slice %arg7[%add3A_92, %dma_wait3A_120] : memref<40x128xi32, #tpu.memory_space<vmem>> -> memref<1x128xi32, #tpu.memory_space<vmem>>
        %dma_wait3A_122 = tpu.memref_squeeze %dma_wait3A_121 : memref<1x128xi32, #tpu.memory_space<vmem>> -> memref<128xi32, #tpu.memory_space<vmem>>
        %dma_wait3A_123 = arith.constant 0 : i32
        %dma_wait3A_124 = arith.constant 0 : i32
        %dma_wait3A_125 = tpu.memref_slice %arg10[%dma_wait3A_123, %dma_wait3A_124] : memref<10240x128xf32, #tpu.memory_space<vmem_shared>> -> memref<10240x128xf32, #tpu.memory_space<vmem_shared>>
        tpu.wait_indirect_dma semaphore(%run_scoped3A : memref<!tpu.dma_semaphore, #tpu.memory_space<semaphore_mem>>) src(%arg9 : memref<128x128xf32, #tpu.memory_space<vmem>>) dst(%dma_wait3A_125 : memref<10240x128xf32, #tpu.memory_space<vmem_shared>>)
        tpu.yield
      }) : () -> ()
    }
    %scan3A_84 = arith.constant 20 : i32
    %barrier3A_85 = arith.constant 0 : index
    tpu.barrier barrier_id(%barrier3A_85)
    "tpu.region"() ({
      %run_scoped3A = tpu.sem_alloc : memref<!tpu.dma_semaphore, #tpu.memory_space<semaphore_mem>>
      %dma_start3A_86 = arith.constant 0 : i32
      %dma_start3A_87 = tpu.memref_slice %arg5[%arg0, %mul3A_2, %dma_start3A_86] : memref<2x10240x128xf32, #tpu.memory_space<hbm>> -> memref<1x640x128xf32, #tpu.memory_space<hbm>>
      %dma_start3A_88 = tpu.memref_squeeze %dma_start3A_87 : memref<1x640x128xf32, #tpu.memory_space<hbm>> -> memref<640x128xf32, #tpu.memory_space<hbm>>
      %dma_start3A_89 = arith.constant 0 : i32
      %dma_start3A_90 = tpu.memref_slice %arg10[%mul3A_2, %dma_start3A_89] : memref<10240x128xf32, #tpu.memory_space<vmem_shared>> -> memref<640x128xf32, #tpu.memory_space<vmem_shared>>
      tpu.enqueue_dma source(%dma_start3A_90 : memref<640x128xf32, #tpu.memory_space<vmem_shared>>) target(%dma_start3A_88 : memref<640x128xf32, #tpu.memory_space<hbm>>) target_semaphore(%run_scoped3A : memref<!tpu.dma_semaphore, #tpu.memory_space<semaphore_mem>>)
      %dma_wait3A = arith.constant 0 : i32
      %dma_wait3A_91 = tpu.memref_slice %arg5[%arg0, %mul3A_2, %dma_wait3A] : memref<2x10240x128xf32, #tpu.memory_space<hbm>> -> memref<1x640x128xf32, #tpu.memory_space<hbm>>
      %dma_wait3A_92 = tpu.memref_squeeze %dma_wait3A_91 : memref<1x640x128xf32, #tpu.memory_space<hbm>> -> memref<640x128xf32, #tpu.memory_space<hbm>>
      %dma_wait3A_93 = arith.constant 0 : i32
      %dma_wait3A_94 = tpu.memref_slice %arg10[%mul3A_2, %dma_wait3A_93] : memref<10240x128xf32, #tpu.memory_space<vmem_shared>> -> memref<640x128xf32, #tpu.memory_space<vmem_shared>>
      tpu.wait_dma2 semaphore(%run_scoped3A : memref<!tpu.dma_semaphore, #tpu.memory_space<semaphore_mem>>) src(%dma_wait3A_94 : memref<640x128xf32, #tpu.memory_space<vmem_shared>>) dst(%dma_wait3A_92 : memref<640x128xf32, #tpu.memory_space<hbm>>)
      tpu.yield
    }) : () -> ()
    return
  }
}

module attributes {stable_mosaic.version = 14 : i64} {
  func.func @_tc_layer_body(%arg0: memref<10000x128xf32, #tpu.memory_space<vmem>>, %arg1: memref<2x10240x128xf32, #tpu.memory_space<vmem>>, %arg2: memref<128x128xf32, #tpu.memory_space<vmem>>, %arg3: memref<1x128xf32, #tpu.memory_space<vmem>>, %arg4: memref<128x128xf32, #tpu.memory_space<vmem>>, %arg5: memref<1x128xf32, #tpu.memory_space<vmem>>, %arg6: memref<1x128xf32, #tpu.memory_space<vmem>>, %arg7: memref<1x128xf32, #tpu.memory_space<vmem>>, %arg8: memref<10000x128xf32, #tpu.memory_space<vmem>>) attributes {dimension_semantics = [], scalar_prefetch = 0 : i64, scratch_operands = 0 : i64, tpu.core_type = #tpu.core_type<tc>} {
    %get3A = arith.constant 0 : index
    %get3A_0 = arith.constant 0 : index
    %get3A_1 = vector.load %arg0[%get3A, %get3A_0] : memref<10000x128xf32, #tpu.memory_space<vmem>>, vector<10000x128xf32>
    %get3A_2 = arith.constant 0 : index
    %get3A_3 = arith.constant 0 : index
    %get3A_4 = arith.constant 0 : index
    %get3A_5 = vector.load %arg1[%get3A_2, %get3A_3, %get3A_4] : memref<2x10240x128xf32, #tpu.memory_space<vmem>>, vector<1x10000x128xf32>
    %get3A_6 = vector.shape_cast %get3A_5 : vector<1x10000x128xf32> to vector<10000x128xf32>
    %add3A = arith.addf %get3A_1, %get3A_6 : vector<10000x128xf32>
    %get3A_7 = arith.constant 1 : index
    %get3A_8 = arith.constant 0 : index
    %get3A_9 = arith.constant 0 : index
    %get3A_10 = vector.load %arg1[%get3A_7, %get3A_8, %get3A_9] : memref<2x10240x128xf32, #tpu.memory_space<vmem>>, vector<1x10000x128xf32>
    %get3A_11 = vector.shape_cast %get3A_10 : vector<1x10000x128xf32> to vector<10000x128xf32>
    %add3A_12 = arith.addf %add3A, %get3A_11 : vector<10000x128xf32>
    %get3A_13 = arith.constant 0 : index
    %get3A_14 = arith.constant 0 : index
    %get3A_15 = vector.load %arg2[%get3A_13, %get3A_14] : memref<128x128xf32, #tpu.memory_space<vmem>>, vector<128x128xf32>
    %dot_general3A = arith.constant dense<0.000000e+00> : vector<10000x128xf32>
    %dot_general3A_16 = tpu.matmul %add3A_12, %get3A_15, %dot_general3A {dimension_numbers = #tpu.dot_dimension_numbers<[1], [0], [0], [1], [0, 0, 1, 1], [], []>, precision = #tpu.contract_precision<fp32>, transpose_lhs_hint = false} : vector<10000x128xf32>, vector<128x128xf32>, vector<10000x128xf32> -> vector<10000x128xf32>
    %get3A_17 = arith.constant 0 : index
    %get3A_18 = arith.constant 0 : index
    %get3A_19 = vector.load %arg3[%get3A_17, %get3A_18] : memref<1x128xf32, #tpu.memory_space<vmem>>, vector<1x128xf32>
    %add3A_20 = vector.broadcast %get3A_19 : vector<1x128xf32> to vector<10000x128xf32>
    %add3A_21 = arith.addf %dot_general3A_16, %add3A_20 : vector<10000x128xf32>
    %max3A = arith.constant 0.000000e+00 : f32
    %max3A_22 = vector.broadcast %max3A : f32 to vector<10000x128xf32>
    %max3A_23 = arith.maximumf %add3A_21, %max3A_22 : vector<10000x128xf32>
    %get3A_24 = arith.constant 0 : index
    %get3A_25 = arith.constant 0 : index
    %get3A_26 = vector.load %arg4[%get3A_24, %get3A_25] : memref<128x128xf32, #tpu.memory_space<vmem>>, vector<128x128xf32>
    %dot_general3A_27 = arith.constant dense<0.000000e+00> : vector<10000x128xf32>
    %dot_general3A_28 = tpu.matmul %max3A_23, %get3A_26, %dot_general3A_27 {dimension_numbers = #tpu.dot_dimension_numbers<[1], [0], [0], [1], [0, 0, 1, 1], [], []>, precision = #tpu.contract_precision<fp32>, transpose_lhs_hint = false} : vector<10000x128xf32>, vector<128x128xf32>, vector<10000x128xf32> -> vector<10000x128xf32>
    %get3A_29 = arith.constant 0 : index
    %get3A_30 = arith.constant 0 : index
    %get3A_31 = vector.load %arg5[%get3A_29, %get3A_30] : memref<1x128xf32, #tpu.memory_space<vmem>>, vector<1x128xf32>
    %add3A_32 = vector.broadcast %get3A_31 : vector<1x128xf32> to vector<10000x128xf32>
    %add3A_33 = arith.addf %dot_general3A_28, %add3A_32 : vector<10000x128xf32>
    %reduce_sum3A = arith.constant dense<0.000000e+00> : vector<128xf32>
    %reduce_sum3A_34 = vector.multi_reduction <add>, %add3A_33, %reduce_sum3A [0] : vector<10000x128xf32> to vector<128xf32>
    %broadcast_in_dim3A = vector.shape_cast %reduce_sum3A_34 : vector<128xf32> to vector<1x128xf32>
    %div3A = arith.constant 1.000000e+04 : f32
    %div3A_35 = vector.broadcast %div3A : f32 to vector<1x128xf32>
    %div3A_36 = arith.divf %broadcast_in_dim3A, %div3A_35 : vector<1x128xf32>
    %sub3A = vector.broadcast %div3A_36 : vector<1x128xf32> to vector<10000x128xf32>
    %sub3A_37 = arith.subf %add3A_33, %sub3A : vector<10000x128xf32>
    %mul3A = arith.mulf %sub3A_37, %sub3A_37 : vector<10000x128xf32>
    %reduce_sum3A_38 = arith.constant dense<0.000000e+00> : vector<128xf32>
    %reduce_sum3A_39 = vector.multi_reduction <add>, %mul3A, %reduce_sum3A_38 [0] : vector<10000x128xf32> to vector<128xf32>
    %broadcast_in_dim3A_40 = vector.shape_cast %reduce_sum3A_39 : vector<128xf32> to vector<1x128xf32>
    %div3A_41 = arith.constant 1.000000e+04 : f32
    %div3A_42 = vector.broadcast %div3A_41 : f32 to vector<1x128xf32>
    %div3A_43 = arith.divf %broadcast_in_dim3A_40, %div3A_42 : vector<1x128xf32>
    %add3A_44 = arith.constant 9.99999974E-6 : f32
    %add3A_45 = vector.broadcast %add3A_44 : f32 to vector<1x128xf32>
    %add3A_46 = arith.addf %div3A_43, %add3A_45 : vector<1x128xf32>
    %rsqrt3A = math.rsqrt %add3A_46 : vector<1x128xf32>
    %mul3A_47 = vector.broadcast %rsqrt3A : vector<1x128xf32> to vector<10000x128xf32>
    %mul3A_48 = arith.mulf %sub3A_37, %mul3A_47 : vector<10000x128xf32>
    %get3A_49 = arith.constant 0 : index
    %get3A_50 = arith.constant 0 : index
    %get3A_51 = vector.load %arg6[%get3A_49, %get3A_50] : memref<1x128xf32, #tpu.memory_space<vmem>>, vector<1x128xf32>
    %mul3A_52 = vector.broadcast %get3A_51 : vector<1x128xf32> to vector<10000x128xf32>
    %mul3A_53 = arith.mulf %mul3A_48, %mul3A_52 : vector<10000x128xf32>
    %get3A_54 = arith.constant 0 : index
    %get3A_55 = arith.constant 0 : index
    %get3A_56 = vector.load %arg7[%get3A_54, %get3A_55] : memref<1x128xf32, #tpu.memory_space<vmem>>, vector<1x128xf32>
    %add3A_57 = vector.broadcast %get3A_56 : vector<1x128xf32> to vector<10000x128xf32>
    %add3A_58 = arith.addf %mul3A_53, %add3A_57 : vector<10000x128xf32>
    %max3A_59 = arith.constant 0.000000e+00 : f32
    %max3A_60 = vector.broadcast %max3A_59 : f32 to vector<10000x128xf32>
    %max3A_61 = arith.maximumf %add3A_58, %max3A_60 : vector<10000x128xf32>
    %swap3A = arith.constant 0 : index
    %swap3A_62 = arith.constant 0 : index
    %swap3A_63 = vector.load %arg8[%swap3A, %swap3A_62] : memref<10000x128xf32, #tpu.memory_space<vmem>>, vector<10000x128xf32>
    tpu.vector_store %arg8[%swap3A, %swap3A_62], %max3A_61 {strides = array<i32>} : memref<10000x128xf32, #tpu.memory_space<vmem>>, vector<10000x128xf32>,
    return
  }
}

module attributes {stable_mosaic.version = 14 : i64} {
  func.func @_tc_final_body(%arg0: memref<10000x128xf32, #tpu.memory_space<vmem>>, %arg1: memref<2x10240x128xf32, #tpu.memory_space<vmem>>, %arg2: memref<128x128xf32, #tpu.memory_space<vmem>>, %arg3: memref<1x128xf32, #tpu.memory_space<vmem>>, %arg4: memref<128x128xf32, #tpu.memory_space<vmem>>, %arg5: memref<1x128xf32, #tpu.memory_space<vmem>>, %arg6: memref<1x128xf32, #tpu.memory_space<vmem>>, %arg7: memref<1x128xf32, #tpu.memory_space<vmem>>, %arg8: memref<1x10000xi32, #tpu.memory_space<vmem>>, %arg9: memref<128x128xf32, #tpu.memory_space<vmem>>, %arg10: memref<1x128xf32, #tpu.memory_space<vmem>>, %arg11: memref<64x128xf32, #tpu.memory_space<vmem>>) attributes {dimension_semantics = [], scalar_prefetch = 0 : i64, scratch_operands = 0 : i64, tpu.core_type = #tpu.core_type<tc>} {
    %get3A = arith.constant 0 : index
    %get3A_0 = arith.constant 0 : index
    %get3A_1 = vector.load %arg0[%get3A, %get3A_0] : memref<10000x128xf32, #tpu.memory_space<vmem>>, vector<10000x128xf32>
    %get3A_2 = arith.constant 0 : index
    %get3A_3 = arith.constant 0 : index
    %get3A_4 = arith.constant 0 : index
    %get3A_5 = vector.load %arg1[%get3A_2, %get3A_3, %get3A_4] : memref<2x10240x128xf32, #tpu.memory_space<vmem>>, vector<1x10000x128xf32>
    %get3A_6 = vector.shape_cast %get3A_5 : vector<1x10000x128xf32> to vector<10000x128xf32>
    %add3A = arith.addf %get3A_1, %get3A_6 : vector<10000x128xf32>
    %get3A_7 = arith.constant 1 : index
    %get3A_8 = arith.constant 0 : index
    %get3A_9 = arith.constant 0 : index
    %get3A_10 = vector.load %arg1[%get3A_7, %get3A_8, %get3A_9] : memref<2x10240x128xf32, #tpu.memory_space<vmem>>, vector<1x10000x128xf32>
    %get3A_11 = vector.shape_cast %get3A_10 : vector<1x10000x128xf32> to vector<10000x128xf32>
    %add3A_12 = arith.addf %add3A, %get3A_11 : vector<10000x128xf32>
    %get3A_13 = arith.constant 0 : index
    %get3A_14 = arith.constant 0 : index
    %get3A_15 = vector.load %arg2[%get3A_13, %get3A_14] : memref<128x128xf32, #tpu.memory_space<vmem>>, vector<128x128xf32>
    %dot_general3A = arith.constant dense<0.000000e+00> : vector<10000x128xf32>
    %dot_general3A_16 = tpu.matmul %add3A_12, %get3A_15, %dot_general3A {dimension_numbers = #tpu.dot_dimension_numbers<[1], [0], [0], [1], [0, 0, 1, 1], [], []>, precision = #tpu.contract_precision<fp32>, transpose_lhs_hint = false} : vector<10000x128xf32>, vector<128x128xf32>, vector<10000x128xf32> -> vector<10000x128xf32>
    %get3A_17 = arith.constant 0 : index
    %get3A_18 = arith.constant 0 : index
    %get3A_19 = vector.load %arg3[%get3A_17, %get3A_18] : memref<1x128xf32, #tpu.memory_space<vmem>>, vector<1x128xf32>
    %add3A_20 = vector.broadcast %get3A_19 : vector<1x128xf32> to vector<10000x128xf32>
    %add3A_21 = arith.addf %dot_general3A_16, %add3A_20 : vector<10000x128xf32>
    %max3A = arith.constant 0.000000e+00 : f32
    %max3A_22 = vector.broadcast %max3A : f32 to vector<10000x128xf32>
    %max3A_23 = arith.maximumf %add3A_21, %max3A_22 : vector<10000x128xf32>
    %get3A_24 = arith.constant 0 : index
    %get3A_25 = arith.constant 0 : index
    %get3A_26 = vector.load %arg4[%get3A_24, %get3A_25] : memref<128x128xf32, #tpu.memory_space<vmem>>, vector<128x128xf32>
    %dot_general3A_27 = arith.constant dense<0.000000e+00> : vector<10000x128xf32>
    %dot_general3A_28 = tpu.matmul %max3A_23, %get3A_26, %dot_general3A_27 {dimension_numbers = #tpu.dot_dimension_numbers<[1], [0], [0], [1], [0, 0, 1, 1], [], []>, precision = #tpu.contract_precision<fp32>, transpose_lhs_hint = false} : vector<10000x128xf32>, vector<128x128xf32>, vector<10000x128xf32> -> vector<10000x128xf32>
    %get3A_29 = arith.constant 0 : index
    %get3A_30 = arith.constant 0 : index
    %get3A_31 = vector.load %arg5[%get3A_29, %get3A_30] : memref<1x128xf32, #tpu.memory_space<vmem>>, vector<1x128xf32>
    %add3A_32 = vector.broadcast %get3A_31 : vector<1x128xf32> to vector<10000x128xf32>
    %add3A_33 = arith.addf %dot_general3A_28, %add3A_32 : vector<10000x128xf32>
    %reduce_sum3A = arith.constant dense<0.000000e+00> : vector<128xf32>
    %reduce_sum3A_34 = vector.multi_reduction <add>, %add3A_33, %reduce_sum3A [0] : vector<10000x128xf32> to vector<128xf32>
    %broadcast_in_dim3A = vector.shape_cast %reduce_sum3A_34 : vector<128xf32> to vector<1x128xf32>
    %div3A = arith.constant 1.000000e+04 : f32
    %div3A_35 = vector.broadcast %div3A : f32 to vector<1x128xf32>
    %div3A_36 = arith.divf %broadcast_in_dim3A, %div3A_35 : vector<1x128xf32>
    %sub3A = vector.broadcast %div3A_36 : vector<1x128xf32> to vector<10000x128xf32>
    %sub3A_37 = arith.subf %add3A_33, %sub3A : vector<10000x128xf32>
    %mul3A = arith.mulf %sub3A_37, %sub3A_37 : vector<10000x128xf32>
    %reduce_sum3A_38 = arith.constant dense<0.000000e+00> : vector<128xf32>
    %reduce_sum3A_39 = vector.multi_reduction <add>, %mul3A, %reduce_sum3A_38 [0] : vector<10000x128xf32> to vector<128xf32>
    %broadcast_in_dim3A_40 = vector.shape_cast %reduce_sum3A_39 : vector<128xf32> to vector<1x128xf32>
    %div3A_41 = arith.constant 1.000000e+04 : f32
    %div3A_42 = vector.broadcast %div3A_41 : f32 to vector<1x128xf32>
    %div3A_43 = arith.divf %broadcast_in_dim3A_40, %div3A_42 : vector<1x128xf32>
    %add3A_44 = arith.constant 9.99999974E-6 : f32
    %add3A_45 = vector.broadcast %add3A_44 : f32 to vector<1x128xf32>
    %add3A_46 = arith.addf %div3A_43, %add3A_45 : vector<1x128xf32>
    %rsqrt3A = math.rsqrt %add3A_46 : vector<1x128xf32>
    %mul3A_47 = vector.broadcast %rsqrt3A : vector<1x128xf32> to vector<10000x128xf32>
    %mul3A_48 = arith.mulf %sub3A_37, %mul3A_47 : vector<10000x128xf32>
    %get3A_49 = arith.constant 0 : index
    %get3A_50 = arith.constant 0 : index
    %get3A_51 = vector.load %arg6[%get3A_49, %get3A_50] : memref<1x128xf32, #tpu.memory_space<vmem>>, vector<1x128xf32>
    %mul3A_52 = vector.broadcast %get3A_51 : vector<1x128xf32> to vector<10000x128xf32>
    %mul3A_53 = arith.mulf %mul3A_48, %mul3A_52 : vector<10000x128xf32>
    %get3A_54 = arith.constant 0 : index
    %get3A_55 = arith.constant 0 : index
    %get3A_56 = vector.load %arg7[%get3A_54, %get3A_55] : memref<1x128xf32, #tpu.memory_space<vmem>>, vector<1x128xf32>
    %add3A_57 = vector.broadcast %get3A_56 : vector<1x128xf32> to vector<10000x128xf32>
    %add3A_58 = arith.addf %mul3A_53, %add3A_57 : vector<10000x128xf32>
    %max3A_59 = arith.constant 0.000000e+00 : f32
    %max3A_60 = vector.broadcast %max3A_59 : f32 to vector<10000x128xf32>
    %max3A_61 = arith.maximumf %add3A_58, %max3A_60 : vector<10000x128xf32>
    %get3A_62 = arith.constant 0 : index
    %get3A_63 = arith.constant 0 : index
    %get3A_64 = vector.load %arg8[%get3A_62, %get3A_63] : memref<1x10000xi32, #tpu.memory_space<vmem>>, vector<1x10000xi32>
    %iota3A = tpu.iota {dimensions = array<i32: 0>} : vector<64x10000xi32>
    %eq3A = vector.broadcast %get3A_64 : vector<1x10000xi32> to vector<64x10000xi32>
    %eq3A_65 = arith.cmpi eq, %iota3A, %eq3A : vector<64x10000xi32>
    %jit3A = arith.constant 1.000000e+00 : f32
    %jit3A_66 = arith.constant 0.000000e+00 : f32
    %broadcast_in_dim3A_67 = vector.broadcast %jit3A : f32 to vector<64x10000xf32>
    %broadcast_in_dim3A_68 = vector.broadcast %jit3A_66 : f32 to vector<64x10000xf32>
    %select_n3A = arith.select %eq3A_65, %broadcast_in_dim3A_67, %broadcast_in_dim3A_68 : vector<64x10000xi1>, vector<64x10000xf32>
    %reduce_sum3A_69 = arith.constant dense<0.000000e+00> : vector<64xf32>
    %reduce_sum3A_70 = vector.multi_reduction <add>, %select_n3A, %reduce_sum3A_69 [1] : vector<64x10000xf32> to vector<64xf32>
    %broadcast_in_dim3A_71 = vector.shape_cast %reduce_sum3A_70 : vector<64xf32> to vector<64x1xf32>
    %dot_general3A_72 = arith.constant dense<0.000000e+00> : vector<64x128xf32>
    %dot_general3A_73 = tpu.matmul %select_n3A, %max3A_61, %dot_general3A_72 {dimension_numbers = #tpu.dot_dimension_numbers<[1], [0], [0], [1], [0, 0, 1, 1], [], []>, precision = #tpu.contract_precision<fp32>, transpose_lhs_hint = false} : vector<64x10000xf32>, vector<10000x128xf32>, vector<64x128xf32> -> vector<64x128xf32>
    %max3A_74 = arith.constant 1.000000e+00 : f32
    %max3A_75 = vector.broadcast %max3A_74 : f32 to vector<64x1xf32>
    %max3A_76 = arith.maximumf %broadcast_in_dim3A_71, %max3A_75 : vector<64x1xf32>
    %div3A_77 = vector.broadcast %max3A_76 : vector<64x1xf32> to vector<64x128xf32>
    %div3A_78 = arith.divf %dot_general3A_73, %div3A_77 : vector<64x128xf32>
    %get3A_79 = arith.constant 0 : index
    %get3A_80 = arith.constant 0 : index
    %get3A_81 = vector.load %arg9[%get3A_79, %get3A_80] : memref<128x128xf32, #tpu.memory_space<vmem>>, vector<128x128xf32>
    %dot_general3A_82 = arith.constant dense<0.000000e+00> : vector<64x128xf32>
    %dot_general3A_83 = tpu.matmul %div3A_78, %get3A_81, %dot_general3A_82 {dimension_numbers = #tpu.dot_dimension_numbers<[1], [0], [0], [1], [0, 0, 1, 1], [], []>, precision = #tpu.contract_precision<fp32>, transpose_lhs_hint = false} : vector<64x128xf32>, vector<128x128xf32>, vector<64x128xf32> -> vector<64x128xf32>
    %get3A_84 = arith.constant 0 : index
    %get3A_85 = arith.constant 0 : index
    %get3A_86 = vector.load %arg10[%get3A_84, %get3A_85] : memref<1x128xf32, #tpu.memory_space<vmem>>, vector<1x128xf32>
    %add3A_87 = vector.broadcast %get3A_86 : vector<1x128xf32> to vector<64x128xf32>
    %add3A_88 = arith.addf %dot_general3A_83, %add3A_87 : vector<64x128xf32>
    %swap3A = arith.constant 0 : index
    %swap3A_89 = arith.constant 0 : index
    %swap3A_90 = vector.load %arg11[%swap3A, %swap3A_89] : memref<64x128xf32, #tpu.memory_space<vmem>>, vector<64x128xf32>
    tpu.vector_store %arg11[%swap3A, %swap3A_89], %add3A_88 {strides = array<i32>} : memref<64x128xf32, #tpu.memory_space<vmem>>, vector<64x128xf32>,
    return
  }
}

</mosaic_0001>

<sc_bundles>
// kernel: kernel.11.cloned.1.call-start
scs
__scs_entry_jumppad:
0x0: {  	(pc) =	sbr.rel $0x88, $3  }
0x1: {  	(tag) =	ssettag $0x0;
	lr =	simm.s32 $0x1  }
0x2: {  	[smem:$0x3F8A] =	sst lr;
	_ =	strace $0xD0000000  }
0x3: {  	_ = 	snop  }
0x4: {  	_ = 	snop  }
0x5: {  	_ = 	snop  }
0x6: {  	_ = 	snop  }
0x7: {  	_ = 	snop  }
__scs_overlays_trampoline_lowered:
0x8: {  	[smem:$0x3F99] =	sst s0  }
0x9: {  	[smem:$0x3F9A] =	sst s1  }
0xa: {  	[smem:$0x3F9B] =	sst s2  }
0xb: {  	[smem:$0x3F9C] =	sst s3  }
0xc: {  	[smem:$0x3F9D] =	sst s4  }
0xd: {  	[smem:$0x3F9E] =	sst s5  }
0xe: {  	[smem:$0x3F9F] =	sst s6  }
0xf: {  	[smem:$0x3FA0] =	sst s7  }
0x10: {  	[smem:$0x3FA1] =	sst s8  }
0x11: {  	[smem:$0x3FA2] =	sst s9;
	s0 =	simm.s32 @!p0 $0x0  }
0x12: {  	s1 =	sld [smem:$0x3F88];
	s0 =	simm.s32 @p0 $0x1  }
0x13: {  	[smem:$0x3FA3] =	sst s0;
	s0 =	simm.s32 @!p1 $0x0  }
0x14: {  	s2 =	sld [smem:$0x3F87];
	s0 =	simm.s32 @p1 $0x1  }
0x15: {  	[smem:$0x3FA4] =	sst s0;
	s0 =	simm.s32 @!p2 $0x0  }
0x16: {  	s3 =	sld [smem:$0x3FDB];
	s0 =	simm.s32 @p2 $0x1  }
0x17: {  	s4 =	simm.s32 $0x1BF5;
	[smem:$0x3FA6] =	sst s0  }
0x18: {  	s0 =	sld [smem:$0x3F89];
	_ =	swait.ge [sflag:s4], $0x0  }
0x19: {  	s7 =	sld [smem:$0x3F8A]  }
0x1a: {  	s8 =	sadd.s32 $0xFFFFE003, lr  }
0x1b: {  	s9 =	sadd.s32 $0xFFFFFEF7, lr;
	s5 =	simm.s32 $0xFFFFFFFF;
	p2 =	slt.u32 s8, $0xFFFFF086  }
0x1c: {  	p1 =	slt.u32 s9, $0xF7A;
	s5 =	simm.s32 @!p2 $0x0  }
0x1d: {  	s5 =	simm.s32 @p1 $0x1;
	p0 =	seq.s32 s7, s2  }
0x1e: {  	s7 =	smul.u32 @!p0 $0xF7A, s2;
	p2 =	seq.s32 @!p0 s5, $0x0  }
0x1f: {  	s9 =	smul.u32 $0xF7A, s1;
	s8 =	simm.s32 @!p0 $0x1BF5;
	p2 =	por !p2, p0  }
0x20: {  	[sflag:s8] =	ssyncset.s32 @!p0 $0xFFFFF086;
	s6 =	sadd.s32 @!p0 s3, s7;
	s7 =	simm.s32 @!p0 $0x108  }
0x21: {  	s3 =	sadd.s32 s3, s9;
	s6 =	sadd.s32 @!p0 $0x88, s6;
	s7 =	simm.s32 @p2 $0x1082  }
0x22: {  	[simem:s7], [sflag:s8] =	dma.local @!p0 [hbm:s6], $0xF7A  }
0x23: {  	s9 =	sor.u32 $0xD0000000, s2;
	s6 =	simm.s32 $0x108;
	_ =	swait.ge @!p0 [sflag:s8], $0x0  }
0x24: {  	s3 =	sadd.s32 $0x88, s3;
	s6 =	simm.s32 @!p1 $0x1082;
	[sflag:s4] =	ssyncset.s32 $0xFFFFF086  }
0x25: {  	[simem:s6], [sflag:s4] =	dma.local [hbm:s3], $0xF7A  }
0x26: {  	[smem:$0x3F8A] =	sst s1;
	(tag) =	ssettag s2;
	_ =	strace s9  }
0x27: {  	s1 =	sld [smem:$0x3F9A]  }
0x28: {  	s2 =	sld [smem:$0x3F9B]  }
0x29: {  	s4 =	sld [smem:$0x3F9D]  }
0x2a: {  	p0 =	seq.s32 s5, $0x0;
	s5 =	sld [smem:$0x3F9E]  }
0x2b: {  	s6 =	sld [smem:$0x3F9F]  }
0x2c: {  	s7 =	sld [smem:$0x3FA0]  }
0x2d: {  	s3 =	simm.s32 $0x108;
	s8 =	sld [smem:$0x3FA1]  }
0x2e: {  	s3 =	simm.s32 @!p0 $0x1082;
	s9 =	sld [smem:$0x3FA2]  }
0x2f: {  	lr =	sadd.s32 s0, s3;
	s0 =	sld [smem:$0x3F99]  }
0x30: {  	s3 =	sld [smem:$0x3F9C]  }
0x31: {  	[smem:$0x3FA5] =	sst s10  }
0x32: {  	s10 =	sld [smem:$0x3FA3];
	_ =	sdelay $0x3  }
0x33: {  	p0 =	seq.s32 s10, $0x1;
	s10 =	sld [smem:$0x3FA5];
	_ =	sdelay $0x3  }
0x34: {  	[smem:$0x3FA5] =	sst s10  }
0x35: {  	s10 =	sld [smem:$0x3FA4];
	_ =	sdelay $0x3  }
0x36: {  	p1 =	seq.s32 s10, $0x1;
	s10 =	sld [smem:$0x3FA5];
	_ =	sdelay $0x3  }
0x37: {  	[smem:$0x3FA5] =	sst s10  }
0x38: {  	s10 =	sld [smem:$0x3FA6]  }
0x39: {  	_ = 	snop;
	(pc) =	sbr.ind lr, $3  }
0x3a: {  	_ = 	snop  }
0x3b: {  	_ = 	snop  }
0x3c: {  	p2 =	seq.s32 s10, $0x1;
	s10 =	sld [smem:$0x3FA5]  }
0x3d: {  	_ =	shalt  }
0x3e: {  	_ =	shalt  }
0x3f: {  	_ =	shalt  }
0x40: {  	_ =	shalt  }
0x41: {  	_ =	shalt  }
0x42: {  	_ =	shalt  }
0x43: {  	_ =	shalt  }
0x44: {  	_ =	shalt  }
0x45: {  	_ =	shalt  }
0x46: {  	_ =	shalt  }
0x47: {  	_ =	shalt  }
0x48: {  	_ =	shalt  }
0x49: {  	_ =	shalt  }
0x4a: {  	_ =	shalt  }
0x4b: {  	_ =	shalt  }
0x4c: {  	_ =	shalt  }
0x4d: {  	_ =	shalt  }
0x4e: {  	_ =	shalt  }
0x4f: {  	_ =	shalt  }
0x50: {  	_ =	shalt  }
0x51: {  	_ =	shalt  }
0x52: {  	_ =	shalt  }
0x53: {  	_ =	shalt  }
0x54: {  	_ =	shalt  }
0x55: {  	_ =	shalt  }
0x56: {  	_ =	shalt  }
0x57: {  	_ =	shalt  }
0x58: {  	_ =	shalt  }
0x59: {  	_ =	shalt  }
0x5a: {  	_ =	shalt  }
0x5b: {  	_ =	shalt  }
0x5c: {  	_ =	shalt  }
0x5d: {  	_ =	shalt  }
0x5e: {  	_ =	shalt  }
0x5f: {  	_ =	shalt  }
0x60: {  	_ =	shalt  }
0x61: {  	_ =	shalt  }
0x62: {  	_ =	shalt  }
0x63: {  	_ =	shalt  }
0x64: {  	_ =	shalt  }
0x65: {  	_ =	shalt  }
0x66: {  	_ =	shalt  }
0x67: {  	_ =	shalt  }
0x68: {  	_ =	shalt  }
0x69: {  	_ =	shalt  }
0x6a: {  	_ =	shalt  }
0x6b: {  	_ =	shalt  }
0x6c: {  	_ =	shalt  }
0x6d: {  	_ =	shalt  }
0x6e: {  	_ =	shalt  }
0x6f: {  	_ =	shalt  }
0x70: {  	_ =	shalt  }
0x71: {  	_ =	shalt  }
0x72: {  	_ =	shalt  }
0x73: {  	_ =	shalt  }
0x74: {  	_ =	shalt  }
0x75: {  	_ =	shalt  }
0x76: {  	_ =	shalt  }
0x77: {  	_ =	shalt  }
0x78: {  	_ =	shalt  }
0x79: {  	_ =	shalt  }
0x7a: {  	_ =	shalt  }
0x7b: {  	_ =	shalt  }
0x7c: {  	_ =	shalt  }
0x7d: {  	_ =	shalt  }
0x7e: {  	_ =	shalt  }
0x7f: {  	_ =	shalt  }
0x80: {  	_ =	shalt  }
0x81: {  	_ =	shalt  }
0x82: {  	_ =	shalt  }
0x83: {  	_ =	shalt  }
0x84: {  	_ =	shalt  }
0x85: {  	_ =	shalt  }
0x86: {  	_ =	shalt  }
0x87: {  	_ =	shalt  }
.Lfunc_end0:
.L_simem_size_0:
called_computation.1_lowered:
.L_overlay_start_0:
0x88: {  	s2 =	sld [smem:$0x3FD9]  }
0x89: {  	s3 =	sld [smem:$0x3FFE];
	_ =	sdelay $0x1  }
0x8a: {  	s1 =	srdreg.scid  }
0x8b: {  	s0 =	sand.u32 $0x1, s1  }
0x8c: {  	s16 =	sshll.u32 s0, $0xA;
	s2 =	sadd.s32 s3, s2  }
0x8d: {  	s2 =	sadd.s32 s2, s16  }
0x8e: {  	[smem:$0x3FB1] =	sst s2  }
0x8f: {  	_ = 	snop  }
0x90: {  	(tm) =	ssettm $0x1  }
0x91: {  	s17 =	sld [smem:$0x3FFB];
	_ =	sdelay $0x3  }
0x92: {  	_ =	strace s17  }
0x93: {  	s2 =	sld [smem:$0x3FFC];
	_ =	sdelay $0x3  }
0x94: {  	_ =	strace s2  }
0x95: {  	s2 =	sld [smem:$0x3FFD];
	_ =	sdelay $0x3  }
0x96: {  	_ =	strace s2  }
0x97: {  	_ =	strace $0x8FFFFFFF  }
0x98: {  	s18 =	sld [smem:$0x3FDB];
	_ =	sdelay $0x1  }
0x99: {  	s19 =	simm.s32 $_scs_section_size  }
0x9a: {  	s4 =	simm.s32 $_size__tile_overlayer_lowered;
	s5 =	simm.s32 $_tile_overlayer_lowered  }
0x9b: {  	s22 =	simm.s32 $0x1BFF;
	s21 =	sshll.u32 s5, $0x1;
	s2 =	sadd.s32 s19, s18  }
0x9c: {  	s6 =	simm.s32 $0x0;
	s20 =	sshll.u32 s4, $0x1;
	s4 =	sadd.s32 s21, s2  }
0x9d: {  	[timem:s6], [sflag:s22] =	dma.local [hbm:s4], s20  }
0x9e: {  	_ =	swait.ge [sflag:s22], s20  }
0x9f: {  	s3 =	ssub.s32 $0x0, s20;
	[sflag:s22] =	ssyncset.done $0x0  }
0xa0: {  	[sflag:s22] =	ssyncadd.s32 s3;
	_ =	sdelay $0x1  }
0xa1: {  	s23 =	simm.s32 $0x1B8B  }
0xa2: {  	_ =	swait.ge [sflag:s23], $0x1  }
0xa3: {  	[sflag:s23] =	ssyncset.done $0x0  }
0xa4: {  	s25 =	simm.s32 $0x1B8E;
	s24 =	sld [smem:$0x3FFE];
	[sflag:s23] =	ssyncadd.s32 $0xFFFFFFFF  }
0xa5: {  	s26 =	simm.s32 $execute0_lowered;
	[smem:$0x3FD2] =	sst s25  }
0xa6: {  	s4 =	sshll.u32 s26, $0x1;
	_ =	strace $0x80000049;
	[dreg:$0x1] =	wrdreg $0xFFFFFFFF  }
0xa7: {  	s28 =	simm.s32 $_size_execute0_lowered;
	s2 =	sadd.s32 s2, s4;
	[dreg:$0x0] =	wrdreg $0x0  }
0xa8: {  	s4 =	sshll.u32 s28, $0x1;
	[dreg:$0x2] =	wrdreg s2  }
0xa9: {  	[dreg:$0x3] =	wrdreg s4  }
0xaa: {  	[dreg:$0x4] =	wrdreg $0xC0  }
0xab: {  	_ =	task [dreg:s6], $0x5FFFF  }
0xac: {  	[dreg:$0x1] =	wrdreg $0xFFFFFFFF  }
0xad: {  	[dreg:$0x0] =	wrdreg $0x60  }
0xae: {  	[dreg:$0x2] =	wrdreg s24  }
0xaf: {  	[dreg:$0x3] =	wrdreg $0xA8000  }
0xb0: {  	[dreg:$0x4] =	wrdreg $0x9  }
0xb1: {  	_ =	task.clear_ibuf [dreg:s6], $0x5FFFF;
	_ =	strace $0x90000049  }
0xb2: {  	s29 =	simm.s32 $0x9;
	_ =	strace $0x8000004B  }
0xb3: {  	_ =	swait.ge [sflag:s29], $0x1  }
0xb4: {  	[sflag:s29] =	ssyncadd.s32 $0xFFFFFFFF  }
0xb5: {  	_ =	strace $0x9000004B  }
0xb6: {  	_ =	sfence  }
0xb7: {  	s30 =	sld [smem:$0x0];
	_ =	sdelay $0x2  }
0xb8: {  	s31 =	sshll.u32 s1, $0xD;
	s1 =	sshrl.u32 s1, $0x2  }
0xb9: {  	s3 =	sand.u32 $0x4000, s31;
	s1 =	sadd.s32 s1, s30  }
0xba: {  	s0 =	sor.u32 s3, s0;
	s1 =	sshll.u32 s1, $0x11  }
0xbb: {  	s0 =	sor.u32 s1, s0  }
0xbc: {  	s0 =	sadd.s32 $0x8F2B, s0  }
0xbd: {  	[sflag:s0] =	ssyncadd.remote.s32 $0x1  }
0xbe: {  	_ =	sfence.sel $0xFFFF  }
0xbf: {  	[dreg:$0x0] =	wrdreg $0xFFFFFFFF;
	(pc) =	sbr.abs _section_cstart, $3  }
0xc0: {  	[dreg:$0x1] =	wrdreg $0xFFFFFFFF  }
0xc1: {  	_ =	task.clear_ibuf [dreg:s6], $0x2FFFF;
	_ =	strace $0x9FFFFFFF  }
0xc2: {  	(tm) =	ssettm $0x7FFFFFFF  }
0xc3: {  	_ =	shalt  }
tec
execute0_lowered:
.L_overlay_start_1:
0x0: {  	(tag) =	ssettag $0x1  }
0x1: {  	s6 =	rddreg [dreg:$0x0]  }
0x2: {  	s1 =	rddreg [dreg:$0x1];
	s2 =	srdreg.scid  }
0x3: {  	s0 =	rddreg [dreg:$0x2];
	s3 =	simm.s32 $0x0;
	s17 =	simm.s32 $0x3  }
0x4: {  	s18 =	simm.s32 $0x1400;
	s19 =	simm.s32 $0x80;
	s20 =	simm.s32 $0x6800  }
0x5: {  	s21 =	simm.s32 $0x1;
	s22 =	simm.s32 $0x2;
	s23 =	simm.s32 $0x1380  }
0x6: {  	s24 =	simm.s32 $0x2700;
	s5 =	sand.u32 $0x1, s2;
	s2 =	stileid.u32  }
0x7: {  	s25 =	simm.s32 $0x2780;
	[smem:$0x7FF] =	sst s3;
	s7 =	smul.u32 $0x140000, s5  }
0x8: {  	s4 =	sadd.s32 $0x18400, s6;
	s12 =	sadd.s32 $0xE400, s6;
	s8 =	smul.u32 $0x14000, s2  }
0x9: {  	s13 =	sadd.s32 $0x4400, s6;
	s29 =	smul.u32 $0x50000, s2;
	s9 =	sshll.u32 s2, $0x1  }
0xa: {  	_ =	strace $0x8000004A;
	s10 =	ssub.s32 $0x2, s5;
	s9 =	sor.u32 s5, s9  }
0xb: {  	s31 =	sshrl.u32 s10, $0x1;
	s7 =	sadd.s32 s8, s7;
	s30 =	sshrl.u32 s29, $0x2  }
0xc: {  	s9 =	smul.u32 $0x2800, s9;
	s15 =	ssub.s32 s10, s31;
	s7 =	sshrl.u32 s7, $0x3  }
0xd: {  	s5 =	sadd.s32 s30, s1;
	s15 =	smax.u32 s15, $0x1;
	s14 =	sadd.s32 s7, s6  }
0xe: {  	s6 =	sadd.s32 $0x4000, s5;
	s7 =	sadd.s32 $0x8000, s5;
	s11 =	sshrl.u32 s9, $0x3  }
0xf: {  	s8 =	sadd.s32 $0xC000, s5;
	s9 =	sadd.s32 $0x10000, s5;
	s10 =	sadd.s32 s12, s11  }
0x10: {  	s16 =	sadd.s32 $0x280, s11;
	s11 =	sadd.s32 s13, s11;
	s14 =	sadd.s32 $0x3F600, s14  }
0x11: {  	v0 =	vimm.f32 $0.0e+00;
	s12 =	sadd.s32 s12, s16;
	s13 =	sadd.s32 s13, s16;
	s16 =	simm.s32 $0x2800  }
.LBB2_1:
0x12: {  	s26 =	simm.s32 $0x200;
	s28 =	simm.s32 $0x0  }
.LBB2_2:
0x13: {  	p0 =	sne.s32 s26, $0xFE00;
	[tilespmem:s28+$0x2800] =	vst v0;
	s28 =	smov.u32 s26;
	s26 =	sadd.s32 $0x200, s26  }
.Ltmp0:
0x14: {  	(pc) =	sbr.rel @p0 .LBB2_2-.Ltmp0, $2  }
0x15: {  	_ =	sdelay $0x2  }
0x16: {  	s28 =	sshra.s32 s28, $0x2  }
0x17: {  	[tilespmem:s28+$0x2800] =	vst v0;
	s26 =	simm.s32 $0x200;
	s28 =	simm.s32 $0x0  }
.LBB2_4:
0x18: {  	p0 =	sne.s32 s26, $0xFE00;
	[tilespmem:s28+$0x2810] =	vst v0;
	s28 =	smov.u32 s26;
	s26 =	sadd.s32 $0x200, s26  }
.Ltmp1:
0x19: {  	(pc) =	sbr.rel @p0 .LBB2_4-.Ltmp1, $2  }
0x1a: {  	_ =	sdelay $0x2  }
0x1b: {  	s28 =	sshra.s32 s28, $0x2  }
0x1c: {  	[tilespmem:s28+$0x2810] =	vst v0;
	s26 =	simm.s32 $0x200;
	s28 =	simm.s32 $0x0  }
.LBB2_6:
0x1d: {  	p0 =	sne.s32 s26, $0xFE00;
	[tilespmem:s28+$0x2820] =	vst v0;
	s28 =	smov.u32 s26;
	s26 =	sadd.s32 $0x200, s26  }
.Ltmp2:
0x1e: {  	(pc) =	sbr.rel @p0 .LBB2_6-.Ltmp2, $2  }
0x1f: {  	_ =	sdelay $0x2  }
0x20: {  	s28 =	sshra.s32 s28, $0x2  }
0x21: {  	[tilespmem:s28+$0x2820] =	vst v0;
	s26 =	simm.s32 $0x200;
	s28 =	simm.s32 $0x0  }
.LBB2_8:
0x22: {  	p0 =	sne.s32 s26, $0xFE00;
	[tilespmem:s28+$0x2830] =	vst v0;
	s28 =	smov.u32 s26;
	s26 =	sadd.s32 $0x200, s26  }
.Ltmp3:
0x23: {  	(pc) =	sbr.rel @p0 .LBB2_8-.Ltmp3, $2  }
0x24: {  	_ =	sdelay $0x2  }
0x25: {  	s28 =	sshra.s32 s28, $0x2  }
0x26: {  	[tilespmem:s28+$0x2830] =	vst v0;
	s26 =	simm.s32 $0x200;
	s28 =	simm.s32 $0x0  }
.LBB2_10:
0x27: {  	p0 =	sne.s32 s26, $0xFE00;
	[tilespmem:s28+$0x2840] =	vst v0;
	s28 =	smov.u32 s26;
	s26 =	sadd.s32 $0x200, s26  }
.Ltmp4:
0x28: {  	(pc) =	sbr.rel @p0 .LBB2_10-.Ltmp4, $2  }
0x29: {  	_ =	sdelay $0x2  }
0x2a: {  	s28 =	sshra.s32 s28, $0x2  }
0x2b: {  	[tilespmem:s28+$0x2840] =	vst v0;
	s26 =	simm.s32 $0x0;
	s28 =	simm.s32 $0x200;
	s29 =	simm.s32 $0x0  }
.LBB2_12:
0x2c: {  	p0 =	sne.s32 s28, $0xFE00;
	[tilespmem:s29+$0x2850] =	vst v0;
	s29 =	smov.u32 s28;
	s28 =	sadd.s32 $0x200, s28  }
.Ltmp5:
0x2d: {  	(pc) =	sbr.rel @p0 .LBB2_12-.Ltmp5, $2  }
0x2e: {  	_ =	sdelay $0x2  }
0x2f: {  	s29 =	sshra.s32 s29, $0x2  }
0x30: {  	[tilespmem:s29+$0x2850] =	vst v0  }
.LBB2_14:
0x31: {  	p0 =	sne.s32 s26, $0xFE00  }
.Ltmp6:
0x32: {  	_ = 	snop;
	(pc) =	sbr.rel @p0 .LBB2_14-.Ltmp6, $3  }
0x33: {  	_ =	sdelay $0x1  }
0x34: {  	s28 =	sshra.s32 s26, $0x2  }
0x35: {  	s26 =	sadd.s32 $0x200, s26;
	[tilespmem:s28+$0x2860] =	vst v0  }
0x36: {  	s26 =	simm.s32 $0x200;
	s28 =	simm.s32 $0x0  }
.LBB2_16:
0x37: {  	p0 =	sne.s32 s26, $0xFE00;
	[tilespmem:s28+$0x2870] =	vst v0;
	s28 =	smov.u32 s26;
	s26 =	sadd.s32 $0x200, s26  }
.Ltmp7:
0x38: {  	(pc) =	sbr.rel @p0 .LBB2_16-.Ltmp7, $2  }
0x39: {  	_ =	sdelay $0x2  }
0x3a: {  	s28 =	sshra.s32 s28, $0x2  }
0x3b: {  	[tilespmem:s28+$0x2870] =	vst v0  }
0x3c: {  	[spmem:s5] =	stream.linear.scatter [tilespmem:s16], [sflag:$0x3], $0x4000, $0x38;
	[tilespmem:$0x1E800] =	vst v63  }
0x3d: {  	_ =	swait.ge [sflag:s17], $0x4000  }
0x3e: {  	[sflag:s17] =	ssyncset.done $0x0  }
0x3f: {  	[sflag:s17] =	ssyncadd.s32 $0xFFFFC000  }
0x40: {  	[spmem:s6] =	stream.linear.scatter [tilespmem:s16], [sflag:$0x3], $0x4000, $0x38;
	[tilespmem:$0x1E800] =	vst v63  }
0x41: {  	_ =	swait.ge [sflag:s17], $0x4000  }
0x42: {  	[sflag:s17] =	ssyncset.done $0x0  }
0x43: {  	[sflag:s17] =	ssyncadd.s32 $0xFFFFC000  }
0x44: {  	[spmem:s7] =	stream.linear.scatter [tilespmem:s16], [sflag:$0x3], $0x4000, $0x38;
	[tilespmem:$0x1E800] =	vst v63  }
0x45: {  	_ =	swait.ge [sflag:s17], $0x4000  }
0x46: {  	[sflag:s17] =	ssyncset.done $0x0  }
0x47: {  	[sflag:s17] =	ssyncadd.s32 $0xFFFFC000  }
0x48: {  	[spmem:s8] =	stream.linear.scatter [tilespmem:s16], [sflag:$0x3], $0x4000, $0x38;
	[tilespmem:$0x1E800] =	vst v63  }
0x49: {  	_ =	swait.ge [sflag:s17], $0x4000  }
0x4a: {  	[sflag:s17] =	ssyncset.done $0x0  }
0x4b: {  	[sflag:s17] =	ssyncadd.s32 $0xFFFFC000  }
0x4c: {  	[spmem:s9] =	stream.linear.scatter [tilespmem:s16], [sflag:$0x3], $0x4000, $0x38;
	[tilespmem:$0x1E800] =	vst v63  }
0x4d: {  	_ =	swait.ge [sflag:s17], $0x4000  }
0x4e: {  	[sflag:s17] =	ssyncset.done $0x0  }
0x4f: {  	[sflag:s17] =	ssyncadd.s32 $0xFFFFC000  }
0x50: {  	s26 =	simm.s32 $0x0;
	[bflag:$0x0] =	sbarrier.arrive $0xFFFF  }
0x51: {  	[tilespmem:s26], [sflag:$0x3] =	stream.linear.gather [hbm4b:s10+s26], $0x1400, $0x38;
	[tilespmem:$0x1E800] =	vst v63  }
0x52: {  	_ =	swait.ge [sflag:s17], $0x1400  }
0x53: {  	[sflag:s17] =	ssyncset.done $0x0  }
0x54: {  	[sflag:s17] =	ssyncadd.s32 $0xFFFFEC00  }
0x55: {  	[tilespmem:s18], [sflag:$0x3] =	stream.linear.gather [hbm4b:s11+s26], $0x1400, $0x38;
	[tilespmem:$0x1E800] =	vst v63  }
0x56: {  	_ =	swait.ge [sflag:s17], $0x1400  }
0x57: {  	[sflag:s17] =	ssyncset.done $0x0  }
0x58: {  	[sflag:s17] =	ssyncadd.s32 $0xFFFFEC00  }
0x59: {  	[tilespmem:s16], [sflag:$0x1] =	stream.indirect.gather [hbm4b:s4+s19], $0x80, s26, s19, $0xb8;
	[tilespmem:$0x1E800] =	vst v63  }
0x5a: {  	s31 =	simm.s32 $0x80  }
0x5b: {  	[tilespmem:s20], [sflag:$0x2] =	stream.indirect.gather [hbm4b:s4+s19], $0x80, s31, s19, $0xb8;
	[tilespmem:$0x1E800] =	vst v63  }
0x5c: {  	_ =	swait.ge [sflag:s21], $0x4000  }
0x5d: {  	[sflag:s21] =	ssyncset.done $0x0  }
0x5e: {  	s29 =	simm.s32 $0x1400;
	[sflag:s21] =	ssyncadd.s32 $0xFFFFC000  }
0x5f: {  	[spmem:s1] =	stream.indirect.scatter.add.f32 [tilespmem:s16], [sflag:$0x3], $0x80, s29, s19, $0xb8;
	[tilespmem:$0x1E800] =	vst v63  }
0x60: {  	_ =	swait.ge [sflag:s17], $0x4000  }
0x61: {  	[sflag:s17] =	ssyncset.done $0x0  }
0x62: {  	s30 =	simm.s32 $0x100;
	[sflag:s17] =	ssyncadd.s32 $0xFFFFC000  }
0x63: {  	[tilespmem:s16], [sflag:$0x1] =	stream.indirect.gather [hbm4b:s4+s19], $0x80, s30, s19, $0xb8;
	[tilespmem:$0x1E800] =	vst v63  }
0x64: {  	_ =	swait.ge [sflag:s22], $0x4000  }
0x65: {  	[sflag:s22] =	ssyncset.done $0x0  }
0x66: {  	s31 =	simm.s32 $0x1480;
	[sflag:s22] =	ssyncadd.s32 $0xFFFFC000  }
0x67: {  	[spmem:s1] =	stream.indirect.scatter.add.f32 [tilespmem:s20], [sflag:$0x3], $0x80, s31, s19, $0xb8;
	[tilespmem:$0x1E800] =	vst v63  }
0x68: {  	_ =	swait.ge [sflag:s17], $0x4000  }
0x69: {  	s28 =	simm.s32 $0x800;
	s26 =	simm.s32 $0x100;
	[sflag:s17] =	ssyncset.done $0x0  }
.LBB2_18:
0x6a: {  	s29 =	sadd.s32 $0x80, s26  }
0x6b: {  	[sflag:s17] =	ssyncadd.s32 $0xFFFFC000;
	s30 =	smov.u32 s28;
	s31 =	sadd.s32 $0x400, s28  }
0x6c: {  	[tilespmem:s20], [sflag:$0x2] =	stream.indirect.gather [hbm4b:s4+s19], $0x80, s29, s19, $0xb8;
	[tilespmem:$0x1E800] =	vst v63  }
0x6d: {  	p0 =	sne.s32 s28, $0x4800;
	_ =	swait.ge [sflag:s21], $0x4000  }
0x6e: {  	[sflag:s21] =	ssyncset.done $0x0  }
0x6f: {  	s28 =	sadd.s32 $0x1400, s26;
	[sflag:s21] =	ssyncadd.s32 $0xFFFFC000  }
0x70: {  	[spmem:s1] =	stream.indirect.scatter.add.f32 [tilespmem:s16], [sflag:$0x3], $0x80, s28, s19, $0xb8;
	[tilespmem:$0x1E800] =	vst v63  }
0x71: {  	_ =	swait.ge [sflag:s17], $0x4000  }
0x72: {  	[sflag:s17] =	ssyncset.done $0x0  }
0x73: {  	s28 =	sadd.s32 $0x100, s26;
	[sflag:s17] =	ssyncadd.s32 $0xFFFFC000  }
0x74: {  	[tilespmem:s16], [sflag:$0x1] =	stream.indirect.gather [hbm4b:s4+s19], $0x80, s28, s19, $0xb8;
	[tilespmem:$0x1E800] =	vst v63  }
0x75: {  	_ =	swait.ge [sflag:s22], $0x4000  }
.Ltmp8:
0x76: {  	[sflag:s22] =	ssyncset.done $0x0;
	(pc) =	sbr.rel @p0 .LBB2_18-.Ltmp8, $4  }
0x77: {  	s26 =	sadd.s32 $0x1480, s26;
	[sflag:s22] =	ssyncadd.s32 $0xFFFFC000  }
0x78: {  	[spmem:s1] =	stream.indirect.scatter.add.f32 [tilespmem:s20], [sflag:$0x3], $0x80, s26, s19, $0xb8;
	[tilespmem:$0x1E800] =	vst v63  }
0x79: {  	_ =	swait.ge [sflag:s17], $0x4000  }
0x7a: {  	s28 =	smov.u32 s31;
	s26 =	sshra.s32 s30, $0x2;
	[sflag:s17] =	ssyncset.done $0x0  }
0x7b: {  	s28 =	sadd.s32 $0x80, s26;
	[sflag:s17] =	ssyncadd.s32 $0xFFFFC000  }
0x7c: {  	[tilespmem:s20], [sflag:$0x2] =	stream.indirect.gather [hbm4b:s4+s19], $0x80, s28, s19, $0xb8;
	[tilespmem:$0x1E800] =	vst v63  }
0x7d: {  	_ =	swait.ge [sflag:s21], $0x4000  }
0x7e: {  	[sflag:s21] =	ssyncset.done $0x0  }
0x7f: {  	s28 =	sadd.s32 $0x1400, s26;
	[sflag:s21] =	ssyncadd.s32 $0xFFFFC000  }
0x80: {  	[spmem:s1] =	stream.indirect.scatter.add.f32 [tilespmem:s16], [sflag:$0x3], $0x80, s28, s19, $0xb8;
	[tilespmem:$0x1E800] =	vst v63  }
0x81: {  	_ =	swait.ge [sflag:s17], $0x4000  }
0x82: {  	[sflag:s17] =	ssyncset.done $0x0  }
0x83: {  	s28 =	sadd.s32 $0x100, s26;
	[sflag:s17] =	ssyncadd.s32 $0xFFFFC000  }
0x84: {  	[tilespmem:s16], [sflag:$0x1] =	stream.indirect.gather [hbm4b:s4+s19], $0x80, s28, s19, $0xb8;
	[tilespmem:$0x1E800] =	vst v63  }
0x85: {  	_ =	swait.ge [sflag:s22], $0x4000  }
0x86: {  	[sflag:s22] =	ssyncset.done $0x0  }
0x87: {  	s29 =	sadd.s32 $0x1480, s26;
	[sflag:s22] =	ssyncadd.s32 $0xFFFFC000  }
0x88: {  	[spmem:s1] =	stream.indirect.scatter.add.f32 [tilespmem:s20], [sflag:$0x3], $0x80, s29, s19, $0xb8;
	[tilespmem:$0x1E800] =	vst v63  }
0x89: {  	_ =	swait.ge [sflag:s17], $0x4000  }
0x8a: {  	[sflag:s17] =	ssyncset.done $0x0  }
0x8b: {  	[sflag:s17] =	ssyncadd.s32 $0xFFFFC000  }
0x8c: {  	[tilespmem:s20], [sflag:$0x2] =	stream.indirect.gather [hbm4b:s4+s19], $0x80, s23, s19, $0xb8;
	[tilespmem:$0x1E800] =	vst v63  }
0x8d: {  	_ =	swait.ge [sflag:s21], $0x4000  }
0x8e: {  	[sflag:s21] =	ssyncset.done $0x0  }
0x8f: {  	[sflag:s21] =	ssyncadd.s32 $0xFFFFC000  }
0x90: {  	[spmem:s1] =	stream.indirect.scatter.add.f32 [tilespmem:s16], [sflag:$0x3], $0x80, s24, s19, $0xb8;
	[tilespmem:$0x1E800] =	vst v63  }
0x91: {  	_ =	swait.ge [sflag:s17], $0x4000  }
0x92: {  	[sflag:s17] =	ssyncset.done $0x0  }
0x93: {  	[sflag:s17] =	ssyncadd.s32 $0xFFFFC000  }
0x94: {  	_ =	swait.ge [sflag:s22], $0x4000  }
0x95: {  	[sflag:s22] =	ssyncset.done $0x0  }
0x96: {  	[sflag:s22] =	ssyncadd.s32 $0xFFFFC000  }
0x97: {  	[spmem:s1] =	stream.indirect.scatter.add.f32 [tilespmem:s20], [sflag:$0x3], $0x80, s25, s19, $0xb8;
	[tilespmem:$0x1E800] =	vst v63  }
0x98: {  	_ =	swait.ge [sflag:s17], $0x4000  }
0x99: {  	[sflag:s17] =	ssyncset.done $0x0  }
0x9a: {  	s30 =	simm.s32 $0x0;
	[sflag:s17] =	ssyncadd.s32 $0xFFFFC000  }
0x9b: {  	[tilespmem:s30], [sflag:$0x3] =	stream.linear.gather [hbm4b:s12+s30], $0x1400, $0x38;
	[tilespmem:$0x1E800] =	vst v63  }
0x9c: {  	_ =	swait.ge [sflag:s17], $0x1400  }
0x9d: {  	[sflag:s17] =	ssyncset.done $0x0  }
0x9e: {  	[sflag:s17] =	ssyncadd.s32 $0xFFFFEC00  }
0x9f: {  	[tilespmem:s18], [sflag:$0x3] =	stream.linear.gather [hbm4b:s13+s30], $0x1400, $0x38;
	[tilespmem:$0x1E800] =	vst v63  }
0xa0: {  	_ =	swait.ge [sflag:s17], $0x1400  }
0xa1: {  	[sflag:s17] =	ssyncset.done $0x0  }
0xa2: {  	[sflag:s17] =	ssyncadd.s32 $0xFFFFEC00  }
0xa3: {  	[tilespmem:s16], [sflag:$0x1] =	stream.indirect.gather [hbm4b:s4+s19], $0x80, s30, s19, $0xb8;
	[tilespmem:$0x1E800] =	vst v63  }
0xa4: {  	s31 =	simm.s32 $0x80  }
0xa5: {  	[tilespmem:s20], [sflag:$0x2] =	stream.indirect.gather [hbm4b:s4+s19], $0x80, s31, s19, $0xb8;
	[tilespmem:$0x1E800] =	vst v63  }
0xa6: {  	_ =	swait.ge [sflag:s21], $0x4000  }
0xa7: {  	[sflag:s21] =	ssyncset.done $0x0  }
0xa8: {  	s29 =	simm.s32 $0x1400;
	[sflag:s21] =	ssyncadd.s32 $0xFFFFC000  }
0xa9: {  	[spmem:s1] =	stream.indirect.scatter.add.f32 [tilespmem:s16], [sflag:$0x3], $0x80, s29, s19, $0xb8;
	[tilespmem:$0x1E800] =	vst v63  }
0xaa: {  	_ =	swait.ge [sflag:s17], $0x4000  }
0xab: {  	[sflag:s17] =	ssyncset.done $0x0  }
0xac: {  	s30 =	simm.s32 $0x100;
	[sflag:s17] =	ssyncadd.s32 $0xFFFFC000  }
0xad: {  	[tilespmem:s16], [sflag:$0x1] =	stream.indirect.gather [hbm4b:s4+s19], $0x80, s30, s19, $0xb8;
	[tilespmem:$0x1E800] =	vst v63  }
0xae: {  	_ =	swait.ge [sflag:s22], $0x4000  }
0xaf: {  	[sflag:s22] =	ssyncset.done $0x0  }
0xb0: {  	s31 =	simm.s32 $0x1480;
	[sflag:s22] =	ssyncadd.s32 $0xFFFFC000  }
0xb1: {  	[spmem:s1] =	stream.indirect.scatter.add.f32 [tilespmem:s20], [sflag:$0x3], $0x80, s31, s19, $0xb8;
	[tilespmem:$0x1E800] =	vst v63  }
0xb2: {  	_ =	swait.ge [sflag:s17], $0x4000  }
0xb3: {  	s26 =	simm.s32 $0x100;
	s28 =	simm.s32 $0x800;
	[sflag:s17] =	ssyncset.done $0x0  }
.LBB2_20:
0xb4: {  	s29 =	sadd.s32 $0x80, s26  }
0xb5: {  	[sflag:s17] =	ssyncadd.s32 $0xFFFFC000;
	s30 =	smov.u32 s28;
	s31 =	sadd.s32 $0x400, s28  }
0xb6: {  	[tilespmem:s20], [sflag:$0x2] =	stream.indirect.gather [hbm4b:s4+s19], $0x80, s29, s19, $0xb8;
	[tilespmem:$0x1E800] =	vst v63  }
0xb7: {  	p0 =	sne.s32 s28, $0x4800;
	_ =	swait.ge [sflag:s21], $0x4000  }
0xb8: {  	[sflag:s21] =	ssyncset.done $0x0  }
0xb9: {  	s28 =	sadd.s32 $0x1400, s26;
	[sflag:s21] =	ssyncadd.s32 $0xFFFFC000  }
0xba: {  	[spmem:s1] =	stream.indirect.scatter.add.f32 [tilespmem:s16], [sflag:$0x3], $0x80, s28, s19, $0xb8;
	[tilespmem:$0x1E800] =	vst v63  }
0xbb: {  	_ =	swait.ge [sflag:s17], $0x4000  }
0xbc: {  	[sflag:s17] =	ssyncset.done $0x0  }
0xbd: {  	s28 =	sadd.s32 $0x100, s26;
	[sflag:s17] =	ssyncadd.s32 $0xFFFFC000  }
0xbe: {  	[tilespmem:s16], [sflag:$0x1] =	stream.indirect.gather [hbm4b:s4+s19], $0x80, s28, s19, $0xb8;
	[tilespmem:$0x1E800] =	vst v63  }
0xbf: {  	_ =	swait.ge [sflag:s22], $0x4000  }
.Ltmp9:
0xc0: {  	[sflag:s22] =	ssyncset.done $0x0;
	(pc) =	sbr.rel @p0 .LBB2_20-.Ltmp9, $4  }
0xc1: {  	s26 =	sadd.s32 $0x1480, s26;
	[sflag:s22] =	ssyncadd.s32 $0xFFFFC000  }
0xc2: {  	[spmem:s1] =	stream.indirect.scatter.add.f32 [tilespmem:s20], [sflag:$0x3], $0x80, s26, s19, $0xb8;
	[tilespmem:$0x1E800] =	vst v63  }
0xc3: {  	_ =	swait.ge [sflag:s17], $0x4000  }
0xc4: {  	s28 =	smov.u32 s31;
	s26 =	sshra.s32 s30, $0x2;
	[sflag:s17] =	ssyncset.done $0x0  }
0xc5: {  	s28 =	sadd.s32 $0x80, s26;
	[sflag:s17] =	ssyncadd.s32 $0xFFFFC000  }
0xc6: {  	[tilespmem:s20], [sflag:$0x2] =	stream.indirect.gather [hbm4b:s4+s19], $0x80, s28, s19, $0xb8;
	[tilespmem:$0x1E800] =	vst v63  }
0xc7: {  	_ =	swait.ge [sflag:s21], $0x4000  }
0xc8: {  	[sflag:s21] =	ssyncset.done $0x0  }
0xc9: {  	s30 =	sadd.s32 $0x1400, s26;
	[sflag:s21] =	ssyncadd.s32 $0xFFFFC000  }
0xca: {  	[spmem:s1] =	stream.indirect.scatter.add.f32 [tilespmem:s16], [sflag:$0x3], $0x80, s30, s19, $0xb8;
	[tilespmem:$0x1E800] =	vst v63  }
0xcb: {  	_ =	swait.ge [sflag:s17], $0x4000  }
0xcc: {  	[sflag:s17] =	ssyncset.done $0x0  }
0xcd: {  	s31 =	sadd.s32 $0x100, s26;
	[sflag:s17] =	ssyncadd.s32 $0xFFFFC000  }
0xce: {  	[tilespmem:s16], [sflag:$0x1] =	stream.indirect.gather [hbm4b:s4+s19], $0x80, s31, s19, $0xb8;
	[tilespmem:$0x1E800] =	vst v63  }
0xcf: {  	_ =	swait.ge [sflag:s22], $0x4000  }
0xd0: {  	[sflag:s22] =	ssyncset.done $0x0  }
0xd1: {  	s29 =	sadd.s32 $0x1480, s26;
	[sflag:s22] =	ssyncadd.s32 $0xFFFFC000  }
0xd2: {  	[spmem:s1] =	stream.indirect.scatter.add.f32 [tilespmem:s20], [sflag:$0x3], $0x80, s29, s19, $0xb8;
	[tilespmem:$0x1E800] =	vst v63  }
0xd3: {  	_ =	swait.ge [sflag:s17], $0x4000  }
0xd4: {  	[sflag:s17] =	ssyncset.done $0x0  }
0xd5: {  	[sflag:s17] =	ssyncadd.s32 $0xFFFFC000  }
0xd6: {  	[tilespmem:s20], [sflag:$0x2] =	stream.indirect.gather [hbm4b:s4+s19], $0x80, s23, s19, $0xb8;
	[tilespmem:$0x1E800] =	vst v63  }
0xd7: {  	_ =	swait.ge [sflag:s21], $0x4000  }
0xd8: {  	[sflag:s21] =	ssyncset.done $0x0  }
0xd9: {  	[sflag:s21] =	ssyncadd.s32 $0xFFFFC000  }
0xda: {  	[spmem:s1] =	stream.indirect.scatter.add.f32 [tilespmem:s16], [sflag:$0x3], $0x80, s24, s19, $0xb8;
	[tilespmem:$0x1E800] =	vst v63  }
0xdb: {  	_ =	swait.ge [sflag:s17], $0x4000  }
0xdc: {  	[sflag:s17] =	ssyncset.done $0x0  }
0xdd: {  	[sflag:s17] =	ssyncadd.s32 $0xFFFFC000  }
0xde: {  	_ =	swait.ge [sflag:s22], $0x4000  }
0xdf: {  	[sflag:s22] =	ssyncset.done $0x0  }
0xe0: {  	[sflag:s22] =	ssyncadd.s32 $0xFFFFC000  }
0xe1: {  	[spmem:s1] =	stream.indirect.scatter.add.f32 [tilespmem:s20], [sflag:$0x3], $0x80, s25, s19, $0xb8;
	[tilespmem:$0x1E800] =	vst v63  }
0xe2: {  	_ =	swait.ge [sflag:s17], $0x4000  }
0xe3: {  	s3 =	sadd.s32 $0x1, s3;
	s30 =	sshll.u32 s2, $0x6;
	[sflag:s17] =	ssyncset.done $0x0  }
0xe4: {  	p0 =	sne.s32 s3, s15;
	s26 =	sor.u32 $0x1C03, s30;
	[sflag:s17] =	ssyncadd.s32 $0xFFFFC000  }
.Ltmp10:
0xe5: {  	s31 =	sshrl.u32 s5, $0x3;
	[bflag:$0x0] =	sbarrier.arrive $0xFFFF;
	(pc) =	sbr.rel @p0 .LBB2_1-.Ltmp10, $4  }
0xe6: {  	[hbm:s14], [sflag:s26] =	dma.local [spmem:s31], $0x2800  }
0xe7: {  	_ =	swait.ge [sflag:s17], $0x2800  }
0xe8: {  	[sflag:s17] =	ssyncset.done $0x0  }
0xe9: {  	[sflag:s17] =	ssyncadd.s32 $0xFFFFD800  }
0xea: {  	_ =	sfence.sel $0x180000  }
0xeb: {  	[bflag:$0x0] =	sbarrier.arrive $0xFFFF  }
0xec: {  	p0 =	sne.s32 s2, $0x0;
	_ =	strace $0x9000004A  }
0xed: {  	s0 =	sadd.s32 @!p0 $0x100000, s0;
	[bflag:$0x2] =	sbarrier.arrive $0xFFFF  }
0xee: {  	[sflag:s0] =	ssyncadd.tile.s32 @!p0 $0x1;
	_ =	shalt  }
.Lfunc_end2:
_tile_overlayer_lowered:
.L_overlay_start_2:
0xef: {  	(tag) =	ssettag $0x2  }
0xf0: {  	s0 =	rddreg [dreg:$0x0];
	s2 =	stileid.u32  }
0xf1: {  	s1 =	rddreg [dreg:$0x1];
	p0 =	sne.s32 s2, $0x0  }
0xf2: {  	s3 =	rddreg [dreg:$0x2];
	[bflag:$0x3] =	sbarrier.arrive $0xFFFF;
	s2 =	simm.s32 @!p0 $0x1C03  }
0xf3: {  	[timem:s3], [sflag:s2] =	dma.local @!p0 [hbm:s0], s1  }
0xf4: {  	s0 =	simm.s32 @!p0 $0x3  }
0xf5: {  	_ =	swait.ge @!p0 [sflag:s0], s1  }
0xf6: {  	s1 =	ssub.s32 @!p0 $0x0, s1;
	[sflag:s0] =	ssyncset.done @!p0 $0x0  }
0xf7: {  	[sflag:s0] =	ssyncadd.s32 @!p0 s1  }
0xf8: {  	[bflag:$0x3] =	sbarrier.arrive $0xFFFF  }
0xf9: {  	_ =	shalt  }

// kernel: kernel.14.cloned.1.call-start
scs
__scs_entry_jumppad:
0x0: {  	(pc) =	sbr.rel $0x88, $3  }
0x1: {  	(tag) =	ssettag $0x0;
	lr =	simm.s32 $0x1  }
0x2: {  	[smem:$0x3F8A] =	sst lr;
	_ =	strace $0xD0000000  }
0x3: {  	_ = 	snop  }
0x4: {  	_ = 	snop  }
0x5: {  	_ = 	snop  }
0x6: {  	_ = 	snop  }
0x7: {  	_ = 	snop  }
__scs_overlays_trampoline_lowered:
0x8: {  	[smem:$0x3F99] =	sst s0  }
0x9: {  	[smem:$0x3F9A] =	sst s1  }
0xa: {  	[smem:$0x3F9B] =	sst s2  }
0xb: {  	[smem:$0x3F9C] =	sst s3  }
0xc: {  	[smem:$0x3F9D] =	sst s4  }
0xd: {  	[smem:$0x3F9E] =	sst s5  }
0xe: {  	[smem:$0x3F9F] =	sst s6  }
0xf: {  	[smem:$0x3FA0] =	sst s7  }
0x10: {  	[smem:$0x3FA1] =	sst s8  }
0x11: {  	[smem:$0x3FA2] =	sst s9;
	s0 =	simm.s32 @!p0 $0x0  }
0x12: {  	s1 =	sld [smem:$0x3F88];
	s0 =	simm.s32 @p0 $0x1  }
0x13: {  	[smem:$0x3FA3] =	sst s0;
	s0 =	simm.s32 @!p1 $0x0  }
0x14: {  	s2 =	sld [smem:$0x3F87];
	s0 =	simm.s32 @p1 $0x1  }
0x15: {  	[smem:$0x3FA4] =	sst s0;
	s0 =	simm.s32 @!p2 $0x0  }
0x16: {  	s3 =	sld [smem:$0x3FDB];
	s0 =	simm.s32 @p2 $0x1  }
0x17: {  	s4 =	simm.s32 $0x1BF5;
	[smem:$0x3FA6] =	sst s0  }
0x18: {  	s0 =	sld [smem:$0x3F89];
	_ =	swait.ge [sflag:s4], $0x0  }
0x19: {  	s7 =	sld [smem:$0x3F8A]  }
0x1a: {  	s8 =	sadd.s32 $0xFFFFE003, lr  }
0x1b: {  	s9 =	sadd.s32 $0xFFFFFEF7, lr;
	s5 =	simm.s32 $0xFFFFFFFF;
	p2 =	slt.u32 s8, $0xFFFFF086  }
0x1c: {  	p1 =	slt.u32 s9, $0xF7A;
	s5 =	simm.s32 @!p2 $0x0  }
0x1d: {  	s5 =	simm.s32 @p1 $0x1;
	p0 =	seq.s32 s7, s2  }
0x1e: {  	s7 =	smul.u32 @!p0 $0xF7A, s2;
	p2 =	seq.s32 @!p0 s5, $0x0  }
0x1f: {  	s9 =	smul.u32 $0xF7A, s1;
	s8 =	simm.s32 @!p0 $0x1BF5;
	p2 =	por !p2, p0  }
0x20: {  	[sflag:s8] =	ssyncset.s32 @!p0 $0xFFFFF086;
	s6 =	sadd.s32 @!p0 s3, s7;
	s7 =	simm.s32 @!p0 $0x108  }
0x21: {  	s3 =	sadd.s32 s3, s9;
	s6 =	sadd.s32 @!p0 $0x88, s6;
	s7 =	simm.s32 @p2 $0x1082  }
0x22: {  	[simem:s7], [sflag:s8] =	dma.local @!p0 [hbm:s6], $0xF7A  }
0x23: {  	s9 =	sor.u32 $0xD0000000, s2;
	s6 =	simm.s32 $0x108;
	_ =	swait.ge @!p0 [sflag:s8], $0x0  }
0x24: {  	s3 =	sadd.s32 $0x88, s3;
	s6 =	simm.s32 @!p1 $0x1082;
	[sflag:s4] =	ssyncset.s32 $0xFFFFF086  }
0x25: {  	[simem:s6], [sflag:s4] =	dma.local [hbm:s3], $0xF7A  }
0x26: {  	[smem:$0x3F8A] =	sst s1;
	(tag) =	ssettag s2;
	_ =	strace s9  }
0x27: {  	s1 =	sld [smem:$0x3F9A]  }
0x28: {  	s2 =	sld [smem:$0x3F9B]  }
0x29: {  	s4 =	sld [smem:$0x3F9D]  }
0x2a: {  	p0 =	seq.s32 s5, $0x0;
	s5 =	sld [smem:$0x3F9E]  }
0x2b: {  	s6 =	sld [smem:$0x3F9F]  }
0x2c: {  	s7 =	sld [smem:$0x3FA0]  }
0x2d: {  	s3 =	simm.s32 $0x108;
	s8 =	sld [smem:$0x3FA1]  }
0x2e: {  	s3 =	simm.s32 @!p0 $0x1082;
	s9 =	sld [smem:$0x3FA2]  }
0x2f: {  	lr =	sadd.s32 s0, s3;
	s0 =	sld [smem:$0x3F99]  }
0x30: {  	s3 =	sld [smem:$0x3F9C]  }
0x31: {  	[smem:$0x3FA5] =	sst s10  }
0x32: {  	s10 =	sld [smem:$0x3FA3];
	_ =	sdelay $0x3  }
0x33: {  	p0 =	seq.s32 s10, $0x1;
	s10 =	sld [smem:$0x3FA5];
	_ =	sdelay $0x3  }
0x34: {  	[smem:$0x3FA5] =	sst s10  }
0x35: {  	s10 =	sld [smem:$0x3FA4];
	_ =	sdelay $0x3  }
0x36: {  	p1 =	seq.s32 s10, $0x1;
	s10 =	sld [smem:$0x3FA5];
	_ =	sdelay $0x3  }
0x37: {  	[smem:$0x3FA5] =	sst s10  }
0x38: {  	s10 =	sld [smem:$0x3FA6]  }
0x39: {  	_ = 	snop;
	(pc) =	sbr.ind lr, $3  }
0x3a: {  	_ = 	snop  }
0x3b: {  	_ = 	snop  }
0x3c: {  	p2 =	seq.s32 s10, $0x1;
	s10 =	sld [smem:$0x3FA5]  }
0x3d: {  	_ =	shalt  }
0x3e: {  	_ =	shalt  }
0x3f: {  	_ =	shalt  }
0x40: {  	_ =	shalt  }
0x41: {  	_ =	shalt  }
0x42: {  	_ =	shalt  }
0x43: {  	_ =	shalt  }
0x44: {  	_ =	shalt  }
0x45: {  	_ =	shalt  }
0x46: {  	_ =	shalt  }
0x47: {  	_ =	shalt  }
0x48: {  	_ =	shalt  }
0x49: {  	_ =	shalt  }
0x4a: {  	_ =	shalt  }
0x4b: {  	_ =	shalt  }
0x4c: {  	_ =	shalt  }
0x4d: {  	_ =	shalt  }
0x4e: {  	_ =	shalt  }
0x4f: {  	_ =	shalt  }
0x50: {  	_ =	shalt  }
0x51: {  	_ =	shalt  }
0x52: {  	_ =	shalt  }
0x53: {  	_ =	shalt  }
0x54: {  	_ =	shalt  }
0x55: {  	_ =	shalt  }
0x56: {  	_ =	shalt  }
0x57: {  	_ =	shalt  }
0x58: {  	_ =	shalt  }
0x59: {  	_ =	shalt  }
0x5a: {  	_ =	shalt  }
0x5b: {  	_ =	shalt  }
0x5c: {  	_ =	shalt  }
0x5d: {  	_ =	shalt  }
0x5e: {  	_ =	shalt  }
0x5f: {  	_ =	shalt  }
0x60: {  	_ =	shalt  }
0x61: {  	_ =	shalt  }
0x62: {  	_ =	shalt  }
0x63: {  	_ =	shalt  }
0x64: {  	_ =	shalt  }
0x65: {  	_ =	shalt  }
0x66: {  	_ =	shalt  }
0x67: {  	_ =	shalt  }
0x68: {  	_ =	shalt  }
0x69: {  	_ =	shalt  }
0x6a: {  	_ =	shalt  }
0x6b: {  	_ =	shalt  }
0x6c: {  	_ =	shalt  }
0x6d: {  	_ =	shalt  }
0x6e: {  	_ =	shalt  }
0x6f: {  	_ =	shalt  }
0x70: {  	_ =	shalt  }
0x71: {  	_ =	shalt  }
0x72: {  	_ =	shalt  }
0x73: {  	_ =	shalt  }
0x74: {  	_ =	shalt  }
0x75: {  	_ =	shalt  }
0x76: {  	_ =	shalt  }
0x77: {  	_ =	shalt  }
0x78: {  	_ =	shalt  }
0x79: {  	_ =	shalt  }
0x7a: {  	_ =	shalt  }
0x7b: {  	_ =	shalt  }
0x7c: {  	_ =	shalt  }
0x7d: {  	_ =	shalt  }
0x7e: {  	_ =	shalt  }
0x7f: {  	_ =	shalt  }
0x80: {  	_ =	shalt  }
0x81: {  	_ =	shalt  }
0x82: {  	_ =	shalt  }
0x83: {  	_ =	shalt  }
0x84: {  	_ =	shalt  }
0x85: {  	_ =	shalt  }
0x86: {  	_ =	shalt  }
0x87: {  	_ =	shalt  }
.Lfunc_end0:
.L_simem_size_0:
called_computation.2_lowered:
.L_overlay_start_0:
0x88: {  	s2 =	sld [smem:$0x3FD9]  }
0x89: {  	s3 =	sld [smem:$0x3FFE];
	_ =	sdelay $0x1  }
0x8a: {  	s1 =	srdreg.scid  }
0x8b: {  	s0 =	sand.u32 $0x1, s1  }
0x8c: {  	s16 =	sshll.u32 s0, $0xA;
	s2 =	sadd.s32 s3, s2  }
0x8d: {  	s2 =	sadd.s32 s2, s16  }
0x8e: {  	[smem:$0x3FB1] =	sst s2  }
0x8f: {  	_ = 	snop  }
0x90: {  	(tm) =	ssettm $0x1  }
0x91: {  	s17 =	sld [smem:$0x3FFB];
	_ =	sdelay $0x3  }
0x92: {  	_ =	strace s17  }
0x93: {  	s2 =	sld [smem:$0x3FFC];
	_ =	sdelay $0x3  }
0x94: {  	_ =	strace s2  }
0x95: {  	s2 =	sld [smem:$0x3FFD];
	_ =	sdelay $0x3  }
0x96: {  	_ =	strace s2  }
0x97: {  	_ =	strace $0x8FFFFFFF  }
0x98: {  	s18 =	sld [smem:$0x3FDB];
	_ =	sdelay $0x1  }
0x99: {  	s19 =	simm.s32 $_scs_section_size  }
0x9a: {  	s4 =	simm.s32 $_size__tile_overlayer_lowered;
	s5 =	simm.s32 $_tile_overlayer_lowered  }
0x9b: {  	s22 =	simm.s32 $0x1BFF;
	s21 =	sshll.u32 s5, $0x1;
	s2 =	sadd.s32 s19, s18  }
0x9c: {  	s6 =	simm.s32 $0x0;
	s20 =	sshll.u32 s4, $0x1;
	s4 =	sadd.s32 s21, s2  }
0x9d: {  	[timem:s6], [sflag:s22] =	dma.local [hbm:s4], s20  }
0x9e: {  	_ =	swait.ge [sflag:s22], s20  }
0x9f: {  	s3 =	ssub.s32 $0x0, s20;
	[sflag:s22] =	ssyncset.done $0x0  }
0xa0: {  	[sflag:s22] =	ssyncadd.s32 s3;
	_ =	sdelay $0x1  }
0xa1: {  	s23 =	simm.s32 $0x1B8B  }
0xa2: {  	_ =	swait.ge [sflag:s23], $0x1  }
0xa3: {  	[sflag:s23] =	ssyncset.done $0x0  }
0xa4: {  	s25 =	simm.s32 $0x1B8E;
	s24 =	sld [smem:$0x3FFE];
	[sflag:s23] =	ssyncadd.s32 $0xFFFFFFFF  }
0xa5: {  	s26 =	simm.s32 $execute0_lowered;
	[smem:$0x3FD2] =	sst s25  }
0xa6: {  	s4 =	sshll.u32 s26, $0x1;
	_ =	strace $0x8000004C;
	[dreg:$0x1] =	wrdreg $0xFFFFFFFF  }
0xa7: {  	s28 =	simm.s32 $_size_execute0_lowered;
	s2 =	sadd.s32 s2, s4;
	[dreg:$0x0] =	wrdreg $0x0  }
0xa8: {  	s4 =	sshll.u32 s28, $0x1;
	[dreg:$0x2] =	wrdreg s2  }
0xa9: {  	[dreg:$0x3] =	wrdreg s4  }
0xaa: {  	[dreg:$0x4] =	wrdreg $0xC0  }
0xab: {  	_ =	task [dreg:s6], $0x5FFFF  }
0xac: {  	[dreg:$0x1] =	wrdreg $0xFFFFFFFF  }
0xad: {  	[dreg:$0x0] =	wrdreg $0x60  }
0xae: {  	[dreg:$0x2] =	wrdreg s24  }
0xaf: {  	[dreg:$0x3] =	wrdreg $0xA8000  }
0xb0: {  	[dreg:$0x4] =	wrdreg $0x9  }
0xb1: {  	_ =	task.clear_ibuf [dreg:s6], $0x5FFFF;
	_ =	strace $0x9000004C  }
0xb2: {  	s29 =	simm.s32 $0x9;
	_ =	strace $0x8000004E  }
0xb3: {  	_ =	swait.ge [sflag:s29], $0x1  }
0xb4: {  	[sflag:s29] =	ssyncadd.s32 $0xFFFFFFFF  }
0xb5: {  	_ =	strace $0x9000004E  }
0xb6: {  	_ =	sfence  }
0xb7: {  	s30 =	sld [smem:$0x0];
	_ =	sdelay $0x2  }
0xb8: {  	s31 =	sshll.u32 s1, $0xD;
	s1 =	sshrl.u32 s1, $0x2  }
0xb9: {  	s3 =	sand.u32 $0x4000, s31;
	s1 =	sadd.s32 s1, s30  }
0xba: {  	s0 =	sor.u32 s3, s0;
	s1 =	sshll.u32 s1, $0x11  }
0xbb: {  	s0 =	sor.u32 s1, s0  }
0xbc: {  	s0 =	sadd.s32 $0x8F2B, s0  }
0xbd: {  	[sflag:s0] =	ssyncadd.remote.s32 $0x1  }
0xbe: {  	_ =	sfence.sel $0xFFFF  }
0xbf: {  	[dreg:$0x0] =	wrdreg $0xFFFFFFFF;
	(pc) =	sbr.abs _section_cstart, $3  }
0xc0: {  	[dreg:$0x1] =	wrdreg $0xFFFFFFFF  }
0xc1: {  	_ =	task.clear_ibuf [dreg:s6], $0x2FFFF;
	_ =	strace $0x9FFFFFFF  }
0xc2: {  	(tm) =	ssettm $0x7FFFFFFF  }
0xc3: {  	_ =	shalt  }
tec
execute0_lowered:
.L_overlay_start_1:
0x0: {  	(tag) =	ssettag $0x1  }
0x1: {  	s6 =	rddreg [dreg:$0x0]  }
0x2: {  	s1 =	rddreg [dreg:$0x1];
	s2 =	srdreg.scid  }
0x3: {  	s0 =	rddreg [dreg:$0x2];
	s3 =	simm.s32 $0x0;
	s17 =	simm.s32 $0x3  }
0x4: {  	s18 =	simm.s32 $0x1400;
	s19 =	simm.s32 $0x80;
	s20 =	simm.s32 $0x6800  }
0x5: {  	s21 =	simm.s32 $0x1;
	s22 =	simm.s32 $0x2;
	s23 =	simm.s32 $0x1380  }
0x6: {  	s24 =	simm.s32 $0x2700;
	s5 =	sand.u32 $0x1, s2;
	s2 =	stileid.u32  }
0x7: {  	s25 =	simm.s32 $0x2780;
	[smem:$0x7FF] =	sst s3;
	s7 =	smul.u32 $0x140000, s5  }
0x8: {  	s4 =	sadd.s32 $0x18400, s6;
	s12 =	sadd.s32 $0xE400, s6;
	s8 =	smul.u32 $0x14000, s2  }
0x9: {  	s13 =	sadd.s32 $0x4400, s6;
	s29 =	smul.u32 $0x50000, s2;
	s9 =	sshll.u32 s2, $0x1  }
0xa: {  	_ =	strace $0x8000004D;
	s10 =	ssub.s32 $0x2, s5;
	s9 =	sor.u32 s5, s9  }
0xb: {  	s31 =	sshrl.u32 s10, $0x1;
	s7 =	sadd.s32 s8, s7;
	s30 =	sshrl.u32 s29, $0x2  }
0xc: {  	s9 =	smul.u32 $0x2800, s9;
	s15 =	ssub.s32 s10, s31;
	s7 =	sshrl.u32 s7, $0x3  }
0xd: {  	s5 =	sadd.s32 s30, s1;
	s15 =	smax.u32 s15, $0x1;
	s14 =	sadd.s32 s7, s6  }
0xe: {  	s6 =	sadd.s32 $0x4000, s5;
	s7 =	sadd.s32 $0x8000, s5;
	s11 =	sshrl.u32 s9, $0x3  }
0xf: {  	s8 =	sadd.s32 $0xC000, s5;
	s9 =	sadd.s32 $0x10000, s5;
	s10 =	sadd.s32 s12, s11  }
0x10: {  	s16 =	sadd.s32 $0x280, s11;
	s11 =	sadd.s32 s13, s11;
	s14 =	sadd.s32 $0x3F600, s14  }
0x11: {  	v0 =	vimm.f32 $0.0e+00;
	s12 =	sadd.s32 s12, s16;
	s13 =	sadd.s32 s13, s16;
	s16 =	simm.s32 $0x2800  }
.LBB2_1:
0x12: {  	s26 =	simm.s32 $0x200;
	s28 =	simm.s32 $0x0  }
.LBB2_2:
0x13: {  	p0 =	sne.s32 s26, $0xFE00;
	[tilespmem:s28+$0x2800] =	vst v0;
	s28 =	smov.u32 s26;
	s26 =	sadd.s32 $0x200, s26  }
.Ltmp0:
0x14: {  	(pc) =	sbr.rel @p0 .LBB2_2-.Ltmp0, $2  }
0x15: {  	_ =	sdelay $0x2  }
0x16: {  	s28 =	sshra.s32 s28, $0x2  }
0x17: {  	[tilespmem:s28+$0x2800] =	vst v0;
	s26 =	simm.s32 $0x200;
	s28 =	simm.s32 $0x0  }
.LBB2_4:
0x18: {  	p0 =	sne.s32 s26, $0xFE00;
	[tilespmem:s28+$0x2810] =	vst v0;
	s28 =	smov.u32 s26;
	s26 =	sadd.s32 $0x200, s26  }
.Ltmp1:
0x19: {  	(pc) =	sbr.rel @p0 .LBB2_4-.Ltmp1, $2  }
0x1a: {  	_ =	sdelay $0x2  }
0x1b: {  	s28 =	sshra.s32 s28, $0x2  }
0x1c: {  	[tilespmem:s28+$0x2810] =	vst v0;
	s26 =	simm.s32 $0x200;
	s28 =	simm.s32 $0x0  }
.LBB2_6:
0x1d: {  	p0 =	sne.s32 s26, $0xFE00;
	[tilespmem:s28+$0x2820] =	vst v0;
	s28 =	smov.u32 s26;
	s26 =	sadd.s32 $0x200, s26  }
.Ltmp2:
0x1e: {  	(pc) =	sbr.rel @p0 .LBB2_6-.Ltmp2, $2  }
0x1f: {  	_ =	sdelay $0x2  }
0x20: {  	s28 =	sshra.s32 s28, $0x2  }
0x21: {  	[tilespmem:s28+$0x2820] =	vst v0;
	s26 =	simm.s32 $0x200;
	s28 =	simm.s32 $0x0  }
.LBB2_8:
0x22: {  	p0 =	sne.s32 s26, $0xFE00;
	[tilespmem:s28+$0x2830] =	vst v0;
	s28 =	smov.u32 s26;
	s26 =	sadd.s32 $0x200, s26  }
.Ltmp3:
0x23: {  	(pc) =	sbr.rel @p0 .LBB2_8-.Ltmp3, $2  }
0x24: {  	_ =	sdelay $0x2  }
0x25: {  	s28 =	sshra.s32 s28, $0x2  }
0x26: {  	[tilespmem:s28+$0x2830] =	vst v0;
	s26 =	simm.s32 $0x200;
	s28 =	simm.s32 $0x0  }
.LBB2_10:
0x27: {  	p0 =	sne.s32 s26, $0xFE00;
	[tilespmem:s28+$0x2840] =	vst v0;
	s28 =	smov.u32 s26;
	s26 =	sadd.s32 $0x200, s26  }
.Ltmp4:
0x28: {  	(pc) =	sbr.rel @p0 .LBB2_10-.Ltmp4, $2  }
0x29: {  	_ =	sdelay $0x2  }
0x2a: {  	s28 =	sshra.s32 s28, $0x2  }
0x2b: {  	[tilespmem:s28+$0x2840] =	vst v0;
	s26 =	simm.s32 $0x0;
	s28 =	simm.s32 $0x200;
	s29 =	simm.s32 $0x0  }
.LBB2_12:
0x2c: {  	p0 =	sne.s32 s28, $0xFE00;
	[tilespmem:s29+$0x2850] =	vst v0;
	s29 =	smov.u32 s28;
	s28 =	sadd.s32 $0x200, s28  }
.Ltmp5:
0x2d: {  	(pc) =	sbr.rel @p0 .LBB2_12-.Ltmp5, $2  }
0x2e: {  	_ =	sdelay $0x2  }
0x2f: {  	s29 =	sshra.s32 s29, $0x2  }
0x30: {  	[tilespmem:s29+$0x2850] =	vst v0  }
.LBB2_14:
0x31: {  	p0 =	sne.s32 s26, $0xFE00  }
.Ltmp6:
0x32: {  	_ = 	snop;
	(pc) =	sbr.rel @p0 .LBB2_14-.Ltmp6, $3  }
0x33: {  	_ =	sdelay $0x1  }
0x34: {  	s28 =	sshra.s32 s26, $0x2  }
0x35: {  	s26 =	sadd.s32 $0x200, s26;
	[tilespmem:s28+$0x2860] =	vst v0  }
0x36: {  	s26 =	simm.s32 $0x200;
	s28 =	simm.s32 $0x0  }
.LBB2_16:
0x37: {  	p0 =	sne.s32 s26, $0xFE00;
	[tilespmem:s28+$0x2870] =	vst v0;
	s28 =	smov.u32 s26;
	s26 =	sadd.s32 $0x200, s26  }
.Ltmp7:
0x38: {  	(pc) =	sbr.rel @p0 .LBB2_16-.Ltmp7, $2  }
0x39: {  	_ =	sdelay $0x2  }
0x3a: {  	s28 =	sshra.s32 s28, $0x2  }
0x3b: {  	[tilespmem:s28+$0x2870] =	vst v0  }
0x3c: {  	[spmem:s5] =	stream.linear.scatter [tilespmem:s16], [sflag:$0x3], $0x4000, $0x38;
	[tilespmem:$0x1E800] =	vst v63  }
0x3d: {  	_ =	swait.ge [sflag:s17], $0x4000  }
0x3e: {  	[sflag:s17] =	ssyncset.done $0x0  }
0x3f: {  	[sflag:s17] =	ssyncadd.s32 $0xFFFFC000  }
0x40: {  	[spmem:s6] =	stream.linear.scatter [tilespmem:s16], [sflag:$0x3], $0x4000, $0x38;
	[tilespmem:$0x1E800] =	vst v63  }
0x41: {  	_ =	swait.ge [sflag:s17], $0x4000  }
0x42: {  	[sflag:s17] =	ssyncset.done $0x0  }
0x43: {  	[sflag:s17] =	ssyncadd.s32 $0xFFFFC000  }
0x44: {  	[spmem:s7] =	stream.linear.scatter [tilespmem:s16], [sflag:$0x3], $0x4000, $0x38;
	[tilespmem:$0x1E800] =	vst v63  }
0x45: {  	_ =	swait.ge [sflag:s17], $0x4000  }
0x46: {  	[sflag:s17] =	ssyncset.done $0x0  }
0x47: {  	[sflag:s17] =	ssyncadd.s32 $0xFFFFC000  }
0x48: {  	[spmem:s8] =	stream.linear.scatter [tilespmem:s16], [sflag:$0x3], $0x4000, $0x38;
	[tilespmem:$0x1E800] =	vst v63  }
0x49: {  	_ =	swait.ge [sflag:s17], $0x4000  }
0x4a: {  	[sflag:s17] =	ssyncset.done $0x0  }
0x4b: {  	[sflag:s17] =	ssyncadd.s32 $0xFFFFC000  }
0x4c: {  	[spmem:s9] =	stream.linear.scatter [tilespmem:s16], [sflag:$0x3], $0x4000, $0x38;
	[tilespmem:$0x1E800] =	vst v63  }
0x4d: {  	_ =	swait.ge [sflag:s17], $0x4000  }
0x4e: {  	[sflag:s17] =	ssyncset.done $0x0  }
0x4f: {  	[sflag:s17] =	ssyncadd.s32 $0xFFFFC000  }
0x50: {  	s26 =	simm.s32 $0x0;
	[bflag:$0x0] =	sbarrier.arrive $0xFFFF  }
0x51: {  	[tilespmem:s26], [sflag:$0x3] =	stream.linear.gather [hbm4b:s10+s26], $0x1400, $0x38;
	[tilespmem:$0x1E800] =	vst v63  }
0x52: {  	_ =	swait.ge [sflag:s17], $0x1400  }
0x53: {  	[sflag:s17] =	ssyncset.done $0x0  }
0x54: {  	[sflag:s17] =	ssyncadd.s32 $0xFFFFEC00  }
0x55: {  	[tilespmem:s18], [sflag:$0x3] =	stream.linear.gather [hbm4b:s11+s26], $0x1400, $0x38;
	[tilespmem:$0x1E800] =	vst v63  }
0x56: {  	_ =	swait.ge [sflag:s17], $0x1400  }
0x57: {  	[sflag:s17] =	ssyncset.done $0x0  }
0x58: {  	[sflag:s17] =	ssyncadd.s32 $0xFFFFEC00  }
0x59: {  	[tilespmem:s16], [sflag:$0x1] =	stream.indirect.gather [hbm4b:s4+s19], $0x80, s26, s19, $0xb8;
	[tilespmem:$0x1E800] =	vst v63  }
0x5a: {  	s31 =	simm.s32 $0x80  }
0x5b: {  	[tilespmem:s20], [sflag:$0x2] =	stream.indirect.gather [hbm4b:s4+s19], $0x80, s31, s19, $0xb8;
	[tilespmem:$0x1E800] =	vst v63  }
0x5c: {  	_ =	swait.ge [sflag:s21], $0x4000  }
0x5d: {  	[sflag:s21] =	ssyncset.done $0x0  }
0x5e: {  	s29 =	simm.s32 $0x1400;
	[sflag:s21] =	ssyncadd.s32 $0xFFFFC000  }
0x5f: {  	[spmem:s1] =	stream.indirect.scatter.add.f32 [tilespmem:s16], [sflag:$0x3], $0x80, s29, s19, $0xb8;
	[tilespmem:$0x1E800] =	vst v63  }
0x60: {  	_ =	swait.ge [sflag:s17], $0x4000  }
0x61: {  	[sflag:s17] =	ssyncset.done $0x0  }
0x62: {  	s30 =	simm.s32 $0x100;
	[sflag:s17] =	ssyncadd.s32 $0xFFFFC000  }
0x63: {  	[tilespmem:s16], [sflag:$0x1] =	stream.indirect.gather [hbm4b:s4+s19], $0x80, s30, s19, $0xb8;
	[tilespmem:$0x1E800] =	vst v63  }
0x64: {  	_ =	swait.ge [sflag:s22], $0x4000  }
0x65: {  	[sflag:s22] =	ssyncset.done $0x0  }
0x66: {  	s31 =	simm.s32 $0x1480;
	[sflag:s22] =	ssyncadd.s32 $0xFFFFC000  }
0x67: {  	[spmem:s1] =	stream.indirect.scatter.add.f32 [tilespmem:s20], [sflag:$0x3], $0x80, s31, s19, $0xb8;
	[tilespmem:$0x1E800] =	vst v63  }
0x68: {  	_ =	swait.ge [sflag:s17], $0x4000  }
0x69: {  	s28 =	simm.s32 $0x800;
	s26 =	simm.s32 $0x100;
	[sflag:s17] =	ssyncset.done $0x0  }
.LBB2_18:
0x6a: {  	s29 =	sadd.s32 $0x80, s26  }
0x6b: {  	[sflag:s17] =	ssyncadd.s32 $0xFFFFC000;
	s30 =	smov.u32 s28;
	s31 =	sadd.s32 $0x400, s28  }
0x6c: {  	[tilespmem:s20], [sflag:$0x2] =	stream.indirect.gather [hbm4b:s4+s19], $0x80, s29, s19, $0xb8;
	[tilespmem:$0x1E800] =	vst v63  }
0x6d: {  	p0 =	sne.s32 s28, $0x4800;
	_ =	swait.ge [sflag:s21], $0x4000  }
0x6e: {  	[sflag:s21] =	ssyncset.done $0x0  }
0x6f: {  	s28 =	sadd.s32 $0x1400, s26;
	[sflag:s21] =	ssyncadd.s32 $0xFFFFC000  }
0x70: {  	[spmem:s1] =	stream.indirect.scatter.add.f32 [tilespmem:s16], [sflag:$0x3], $0x80, s28, s19, $0xb8;
	[tilespmem:$0x1E800] =	vst v63  }
0x71: {  	_ =	swait.ge [sflag:s17], $0x4000  }
0x72: {  	[sflag:s17] =	ssyncset.done $0x0  }
0x73: {  	s28 =	sadd.s32 $0x100, s26;
	[sflag:s17] =	ssyncadd.s32 $0xFFFFC000  }
0x74: {  	[tilespmem:s16], [sflag:$0x1] =	stream.indirect.gather [hbm4b:s4+s19], $0x80, s28, s19, $0xb8;
	[tilespmem:$0x1E800] =	vst v63  }
0x75: {  	_ =	swait.ge [sflag:s22], $0x4000  }
.Ltmp8:
0x76: {  	[sflag:s22] =	ssyncset.done $0x0;
	(pc) =	sbr.rel @p0 .LBB2_18-.Ltmp8, $4  }
0x77: {  	s26 =	sadd.s32 $0x1480, s26;
	[sflag:s22] =	ssyncadd.s32 $0xFFFFC000  }
0x78: {  	[spmem:s1] =	stream.indirect.scatter.add.f32 [tilespmem:s20], [sflag:$0x3], $0x80, s26, s19, $0xb8;
	[tilespmem:$0x1E800] =	vst v63  }
0x79: {  	_ =	swait.ge [sflag:s17], $0x4000  }
0x7a: {  	s28 =	smov.u32 s31;
	s26 =	sshra.s32 s30, $0x2;
	[sflag:s17] =	ssyncset.done $0x0  }
0x7b: {  	s28 =	sadd.s32 $0x80, s26;
	[sflag:s17] =	ssyncadd.s32 $0xFFFFC000  }
0x7c: {  	[tilespmem:s20], [sflag:$0x2] =	stream.indirect.gather [hbm4b:s4+s19], $0x80, s28, s19, $0xb8;
	[tilespmem:$0x1E800] =	vst v63  }
0x7d: {  	_ =	swait.ge [sflag:s21], $0x4000  }
0x7e: {  	[sflag:s21] =	ssyncset.done $0x0  }
0x7f: {  	s28 =	sadd.s32 $0x1400, s26;
	[sflag:s21] =	ssyncadd.s32 $0xFFFFC000  }
0x80: {  	[spmem:s1] =	stream.indirect.scatter.add.f32 [tilespmem:s16], [sflag:$0x3], $0x80, s28, s19, $0xb8;
	[tilespmem:$0x1E800] =	vst v63  }
0x81: {  	_ =	swait.ge [sflag:s17], $0x4000  }
0x82: {  	[sflag:s17] =	ssyncset.done $0x0  }
0x83: {  	s28 =	sadd.s32 $0x100, s26;
	[sflag:s17] =	ssyncadd.s32 $0xFFFFC000  }
0x84: {  	[tilespmem:s16], [sflag:$0x1] =	stream.indirect.gather [hbm4b:s4+s19], $0x80, s28, s19, $0xb8;
	[tilespmem:$0x1E800] =	vst v63  }
0x85: {  	_ =	swait.ge [sflag:s22], $0x4000  }
0x86: {  	[sflag:s22] =	ssyncset.done $0x0  }
0x87: {  	s29 =	sadd.s32 $0x1480, s26;
	[sflag:s22] =	ssyncadd.s32 $0xFFFFC000  }
0x88: {  	[spmem:s1] =	stream.indirect.scatter.add.f32 [tilespmem:s20], [sflag:$0x3], $0x80, s29, s19, $0xb8;
	[tilespmem:$0x1E800] =	vst v63  }
0x89: {  	_ =	swait.ge [sflag:s17], $0x4000  }
0x8a: {  	[sflag:s17] =	ssyncset.done $0x0  }
0x8b: {  	[sflag:s17] =	ssyncadd.s32 $0xFFFFC000  }
0x8c: {  	[tilespmem:s20], [sflag:$0x2] =	stream.indirect.gather [hbm4b:s4+s19], $0x80, s23, s19, $0xb8;
	[tilespmem:$0x1E800] =	vst v63  }
0x8d: {  	_ =	swait.ge [sflag:s21], $0x4000  }
0x8e: {  	[sflag:s21] =	ssyncset.done $0x0  }
0x8f: {  	[sflag:s21] =	ssyncadd.s32 $0xFFFFC000  }
0x90: {  	[spmem:s1] =	stream.indirect.scatter.add.f32 [tilespmem:s16], [sflag:$0x3], $0x80, s24, s19, $0xb8;
	[tilespmem:$0x1E800] =	vst v63  }
0x91: {  	_ =	swait.ge [sflag:s17], $0x4000  }
0x92: {  	[sflag:s17] =	ssyncset.done $0x0  }
0x93: {  	[sflag:s17] =	ssyncadd.s32 $0xFFFFC000  }
0x94: {  	_ =	swait.ge [sflag:s22], $0x4000  }
0x95: {  	[sflag:s22] =	ssyncset.done $0x0  }
0x96: {  	[sflag:s22] =	ssyncadd.s32 $0xFFFFC000  }
0x97: {  	[spmem:s1] =	stream.indirect.scatter.add.f32 [tilespmem:s20], [sflag:$0x3], $0x80, s25, s19, $0xb8;
	[tilespmem:$0x1E800] =	vst v63  }
0x98: {  	_ =	swait.ge [sflag:s17], $0x4000  }
0x99: {  	[sflag:s17] =	ssyncset.done $0x0  }
0x9a: {  	s30 =	simm.s32 $0x0;
	[sflag:s17] =	ssyncadd.s32 $0xFFFFC000  }
0x9b: {  	[tilespmem:s30], [sflag:$0x3] =	stream.linear.gather [hbm4b:s12+s30], $0x1400, $0x38;
	[tilespmem:$0x1E800] =	vst v63  }
0x9c: {  	_ =	swait.ge [sflag:s17], $0x1400  }
0x9d: {  	[sflag:s17] =	ssyncset.done $0x0  }
0x9e: {  	[sflag:s17] =	ssyncadd.s32 $0xFFFFEC00  }
0x9f: {  	[tilespmem:s18], [sflag:$0x3] =	stream.linear.gather [hbm4b:s13+s30], $0x1400, $0x38;
	[tilespmem:$0x1E800] =	vst v63  }
0xa0: {  	_ =	swait.ge [sflag:s17], $0x1400  }
0xa1: {  	[sflag:s17] =	ssyncset.done $0x0  }
0xa2: {  	[sflag:s17] =	ssyncadd.s32 $0xFFFFEC00  }
0xa3: {  	[tilespmem:s16], [sflag:$0x1] =	stream.indirect.gather [hbm4b:s4+s19], $0x80, s30, s19, $0xb8;
	[tilespmem:$0x1E800] =	vst v63  }
0xa4: {  	s31 =	simm.s32 $0x80  }
0xa5: {  	[tilespmem:s20], [sflag:$0x2] =	stream.indirect.gather [hbm4b:s4+s19], $0x80, s31, s19, $0xb8;
	[tilespmem:$0x1E800] =	vst v63  }
0xa6: {  	_ =	swait.ge [sflag:s21], $0x4000  }
0xa7: {  	[sflag:s21] =	ssyncset.done $0x0  }
0xa8: {  	s29 =	simm.s32 $0x1400;
	[sflag:s21] =	ssyncadd.s32 $0xFFFFC000  }
0xa9: {  	[spmem:s1] =	stream.indirect.scatter.add.f32 [tilespmem:s16], [sflag:$0x3], $0x80, s29, s19, $0xb8;
	[tilespmem:$0x1E800] =	vst v63  }
0xaa: {  	_ =	swait.ge [sflag:s17], $0x4000  }
0xab: {  	[sflag:s17] =	ssyncset.done $0x0  }
0xac: {  	s30 =	simm.s32 $0x100;
	[sflag:s17] =	ssyncadd.s32 $0xFFFFC000  }
0xad: {  	[tilespmem:s16], [sflag:$0x1] =	stream.indirect.gather [hbm4b:s4+s19], $0x80, s30, s19, $0xb8;
	[tilespmem:$0x1E800] =	vst v63  }
0xae: {  	_ =	swait.ge [sflag:s22], $0x4000  }
0xaf: {  	[sflag:s22] =	ssyncset.done $0x0  }
0xb0: {  	s31 =	simm.s32 $0x1480;
	[sflag:s22] =	ssyncadd.s32 $0xFFFFC000  }
0xb1: {  	[spmem:s1] =	stream.indirect.scatter.add.f32 [tilespmem:s20], [sflag:$0x3], $0x80, s31, s19, $0xb8;
	[tilespmem:$0x1E800] =	vst v63  }
0xb2: {  	_ =	swait.ge [sflag:s17], $0x4000  }
0xb3: {  	s26 =	simm.s32 $0x100;
	s28 =	simm.s32 $0x800;
	[sflag:s17] =	ssyncset.done $0x0  }
.LBB2_20:
0xb4: {  	s29 =	sadd.s32 $0x80, s26  }
0xb5: {  	[sflag:s17] =	ssyncadd.s32 $0xFFFFC000;
	s30 =	smov.u32 s28;
	s31 =	sadd.s32 $0x400, s28  }
0xb6: {  	[tilespmem:s20], [sflag:$0x2] =	stream.indirect.gather [hbm4b:s4+s19], $0x80, s29, s19, $0xb8;
	[tilespmem:$0x1E800] =	vst v63  }
0xb7: {  	p0 =	sne.s32 s28, $0x4800;
	_ =	swait.ge [sflag:s21], $0x4000  }
0xb8: {  	[sflag:s21] =	ssyncset.done $0x0  }
0xb9: {  	s28 =	sadd.s32 $0x1400, s26;
	[sflag:s21] =	ssyncadd.s32 $0xFFFFC000  }
0xba: {  	[spmem:s1] =	stream.indirect.scatter.add.f32 [tilespmem:s16], [sflag:$0x3], $0x80, s28, s19, $0xb8;
	[tilespmem:$0x1E800] =	vst v63  }
0xbb: {  	_ =	swait.ge [sflag:s17], $0x4000  }
0xbc: {  	[sflag:s17] =	ssyncset.done $0x0  }
0xbd: {  	s28 =	sadd.s32 $0x100, s26;
	[sflag:s17] =	ssyncadd.s32 $0xFFFFC000  }
0xbe: {  	[tilespmem:s16], [sflag:$0x1] =	stream.indirect.gather [hbm4b:s4+s19], $0x80, s28, s19, $0xb8;
	[tilespmem:$0x1E800] =	vst v63  }
0xbf: {  	_ =	swait.ge [sflag:s22], $0x4000  }
.Ltmp9:
0xc0: {  	[sflag:s22] =	ssyncset.done $0x0;
	(pc) =	sbr.rel @p0 .LBB2_20-.Ltmp9, $4  }
0xc1: {  	s26 =	sadd.s32 $0x1480, s26;
	[sflag:s22] =	ssyncadd.s32 $0xFFFFC000  }
0xc2: {  	[spmem:s1] =	stream.indirect.scatter.add.f32 [tilespmem:s20], [sflag:$0x3], $0x80, s26, s19, $0xb8;
	[tilespmem:$0x1E800] =	vst v63  }
0xc3: {  	_ =	swait.ge [sflag:s17], $0x4000  }
0xc4: {  	s28 =	smov.u32 s31;
	s26 =	sshra.s32 s30, $0x2;
	[sflag:s17] =	ssyncset.done $0x0  }
0xc5: {  	s28 =	sadd.s32 $0x80, s26;
	[sflag:s17] =	ssyncadd.s32 $0xFFFFC000  }
0xc6: {  	[tilespmem:s20], [sflag:$0x2] =	stream.indirect.gather [hbm4b:s4+s19], $0x80, s28, s19, $0xb8;
	[tilespmem:$0x1E800] =	vst v63  }
0xc7: {  	_ =	swait.ge [sflag:s21], $0x4000  }
0xc8: {  	[sflag:s21] =	ssyncset.done $0x0  }
0xc9: {  	s30 =	sadd.s32 $0x1400, s26;
	[sflag:s21] =	ssyncadd.s32 $0xFFFFC000  }
0xca: {  	[spmem:s1] =	stream.indirect.scatter.add.f32 [tilespmem:s16], [sflag:$0x3], $0x80, s30, s19, $0xb8;
	[tilespmem:$0x1E800] =	vst v63  }
0xcb: {  	_ =	swait.ge [sflag:s17], $0x4000  }
0xcc: {  	[sflag:s17] =	ssyncset.done $0x0  }
0xcd: {  	s31 =	sadd.s32 $0x100, s26;
	[sflag:s17] =	ssyncadd.s32 $0xFFFFC000  }
0xce: {  	[tilespmem:s16], [sflag:$0x1] =	stream.indirect.gather [hbm4b:s4+s19], $0x80, s31, s19, $0xb8;
	[tilespmem:$0x1E800] =	vst v63  }
0xcf: {  	_ =	swait.ge [sflag:s22], $0x4000  }
0xd0: {  	[sflag:s22] =	ssyncset.done $0x0  }
0xd1: {  	s29 =	sadd.s32 $0x1480, s26;
	[sflag:s22] =	ssyncadd.s32 $0xFFFFC000  }
0xd2: {  	[spmem:s1] =	stream.indirect.scatter.add.f32 [tilespmem:s20], [sflag:$0x3], $0x80, s29, s19, $0xb8;
	[tilespmem:$0x1E800] =	vst v63  }
0xd3: {  	_ =	swait.ge [sflag:s17], $0x4000  }
0xd4: {  	[sflag:s17] =	ssyncset.done $0x0  }
0xd5: {  	[sflag:s17] =	ssyncadd.s32 $0xFFFFC000  }
0xd6: {  	[tilespmem:s20], [sflag:$0x2] =	stream.indirect.gather [hbm4b:s4+s19], $0x80, s23, s19, $0xb8;
	[tilespmem:$0x1E800] =	vst v63  }
0xd7: {  	_ =	swait.ge [sflag:s21], $0x4000  }
0xd8: {  	[sflag:s21] =	ssyncset.done $0x0  }
0xd9: {  	[sflag:s21] =	ssyncadd.s32 $0xFFFFC000  }
0xda: {  	[spmem:s1] =	stream.indirect.scatter.add.f32 [tilespmem:s16], [sflag:$0x3], $0x80, s24, s19, $0xb8;
	[tilespmem:$0x1E800] =	vst v63  }
0xdb: {  	_ =	swait.ge [sflag:s17], $0x4000  }
0xdc: {  	[sflag:s17] =	ssyncset.done $0x0  }
0xdd: {  	[sflag:s17] =	ssyncadd.s32 $0xFFFFC000  }
0xde: {  	_ =	swait.ge [sflag:s22], $0x4000  }
0xdf: {  	[sflag:s22] =	ssyncset.done $0x0  }
0xe0: {  	[sflag:s22] =	ssyncadd.s32 $0xFFFFC000  }
0xe1: {  	[spmem:s1] =	stream.indirect.scatter.add.f32 [tilespmem:s20], [sflag:$0x3], $0x80, s25, s19, $0xb8;
	[tilespmem:$0x1E800] =	vst v63  }
0xe2: {  	_ =	swait.ge [sflag:s17], $0x4000  }
0xe3: {  	s3 =	sadd.s32 $0x1, s3;
	s30 =	sshll.u32 s2, $0x6;
	[sflag:s17] =	ssyncset.done $0x0  }
0xe4: {  	p0 =	sne.s32 s3, s15;
	s26 =	sor.u32 $0x1C03, s30;
	[sflag:s17] =	ssyncadd.s32 $0xFFFFC000  }
.Ltmp10:
0xe5: {  	s31 =	sshrl.u32 s5, $0x3;
	[bflag:$0x0] =	sbarrier.arrive $0xFFFF;
	(pc) =	sbr.rel @p0 .LBB2_1-.Ltmp10, $4  }
0xe6: {  	[hbm:s14], [sflag:s26] =	dma.local [spmem:s31], $0x2800  }
0xe7: {  	_ =	swait.ge [sflag:s17], $0x2800  }
0xe8: {  	[sflag:s17] =	ssyncset.done $0x0  }
0xe9: {  	[sflag:s17] =	ssyncadd.s32 $0xFFFFD800  }
0xea: {  	_ =	sfence.sel $0x180000  }
0xeb: {  	[bflag:$0x0] =	sbarrier.arrive $0xFFFF  }
0xec: {  	p0 =	sne.s32 s2, $0x0;
	_ =	strace $0x9000004D  }
0xed: {  	s0 =	sadd.s32 @!p0 $0x100000, s0;
	[bflag:$0x2] =	sbarrier.arrive $0xFFFF  }
0xee: {  	[sflag:s0] =	ssyncadd.tile.s32 @!p0 $0x1;
	_ =	shalt  }
.Lfunc_end2:
_tile_overlayer_lowered:
.L_overlay_start_2:
0xef: {  	(tag) =	ssettag $0x2  }
0xf0: {  	s0 =	rddreg [dreg:$0x0];
	s2 =	stileid.u32  }
0xf1: {  	s1 =	rddreg [dreg:$0x1];
	p0 =	sne.s32 s2, $0x0  }
0xf2: {  	s3 =	rddreg [dreg:$0x2];
	[bflag:$0x3] =	sbarrier.arrive $0xFFFF;
	s2 =	simm.s32 @!p0 $0x1C03  }
0xf3: {  	[timem:s3], [sflag:s2] =	dma.local @!p0 [hbm:s0], s1  }
0xf4: {  	s0 =	simm.s32 @!p0 $0x3  }
0xf5: {  	_ =	swait.ge @!p0 [sflag:s0], s1  }
0xf6: {  	s1 =	ssub.s32 @!p0 $0x0, s1;
	[sflag:s0] =	ssyncset.done @!p0 $0x0  }
0xf7: {  	[sflag:s0] =	ssyncadd.s32 @!p0 s1  }
0xf8: {  	[bflag:$0x3] =	sbarrier.arrive $0xFFFF  }
0xf9: {  	_ =	shalt  }

// kernel: kernel.8.cloned.1.call-start
scs
__scs_entry_jumppad:
0x0: {  	(pc) =	sbr.rel $0x88, $3  }
0x1: {  	(tag) =	ssettag $0x0;
	lr =	simm.s32 $0x1  }
0x2: {  	[smem:$0x3F8A] =	sst lr;
	_ =	strace $0xD0000000  }
0x3: {  	_ = 	snop  }
0x4: {  	_ = 	snop  }
0x5: {  	_ = 	snop  }
0x6: {  	_ = 	snop  }
0x7: {  	_ = 	snop  }
__scs_overlays_trampoline_lowered:
0x8: {  	[smem:$0x3F99] =	sst s0  }
0x9: {  	[smem:$0x3F9A] =	sst s1  }
0xa: {  	[smem:$0x3F9B] =	sst s2  }
0xb: {  	[smem:$0x3F9C] =	sst s3  }
0xc: {  	[smem:$0x3F9D] =	sst s4  }
0xd: {  	[smem:$0x3F9E] =	sst s5  }
0xe: {  	[smem:$0x3F9F] =	sst s6  }
0xf: {  	[smem:$0x3FA0] =	sst s7  }
0x10: {  	[smem:$0x3FA1] =	sst s8  }
0x11: {  	[smem:$0x3FA2] =	sst s9;
	s0 =	simm.s32 @!p0 $0x0  }
0x12: {  	s1 =	sld [smem:$0x3F88];
	s0 =	simm.s32 @p0 $0x1  }
0x13: {  	[smem:$0x3FA3] =	sst s0;
	s0 =	simm.s32 @!p1 $0x0  }
0x14: {  	s2 =	sld [smem:$0x3F87];
	s0 =	simm.s32 @p1 $0x1  }
0x15: {  	[smem:$0x3FA4] =	sst s0;
	s0 =	simm.s32 @!p2 $0x0  }
0x16: {  	s3 =	sld [smem:$0x3FDB];
	s0 =	simm.s32 @p2 $0x1  }
0x17: {  	s4 =	simm.s32 $0x1BF5;
	[smem:$0x3FA6] =	sst s0  }
0x18: {  	s0 =	sld [smem:$0x3F89];
	_ =	swait.ge [sflag:s4], $0x0  }
0x19: {  	s7 =	sld [smem:$0x3F8A]  }
0x1a: {  	s8 =	sadd.s32 $0xFFFFE003, lr  }
0x1b: {  	s9 =	sadd.s32 $0xFFFFFEF7, lr;
	s5 =	simm.s32 $0xFFFFFFFF;
	p2 =	slt.u32 s8, $0xFFFFF086  }
0x1c: {  	p1 =	slt.u32 s9, $0xF7A;
	s5 =	simm.s32 @!p2 $0x0  }
0x1d: {  	s5 =	simm.s32 @p1 $0x1;
	p0 =	seq.s32 s7, s2  }
0x1e: {  	s7 =	smul.u32 @!p0 $0xF7A, s2;
	p2 =	seq.s32 @!p0 s5, $0x0  }
0x1f: {  	s9 =	smul.u32 $0xF7A, s1;
	s8 =	simm.s32 @!p0 $0x1BF5;
	p2 =	por !p2, p0  }
0x20: {  	[sflag:s8] =	ssyncset.s32 @!p0 $0xFFFFF086;
	s6 =	sadd.s32 @!p0 s3, s7;
	s7 =	simm.s32 @!p0 $0x108  }
0x21: {  	s3 =	sadd.s32 s3, s9;
	s6 =	sadd.s32 @!p0 $0x88, s6;
	s7 =	simm.s32 @p2 $0x1082  }
0x22: {  	[simem:s7], [sflag:s8] =	dma.local @!p0 [hbm:s6], $0xF7A  }
0x23: {  	s9 =	sor.u32 $0xD0000000, s2;
	s6 =	simm.s32 $0x108;
	_ =	swait.ge @!p0 [sflag:s8], $0x0  }
0x24: {  	s3 =	sadd.s32 $0x88, s3;
	s6 =	simm.s32 @!p1 $0x1082;
	[sflag:s4] =	ssyncset.s32 $0xFFFFF086  }
0x25: {  	[simem:s6], [sflag:s4] =	dma.local [hbm:s3], $0xF7A  }
0x26: {  	[smem:$0x3F8A] =	sst s1;
	(tag) =	ssettag s2;
	_ =	strace s9  }
0x27: {  	s1 =	sld [smem:$0x3F9A]  }
0x28: {  	s2 =	sld [smem:$0x3F9B]  }
0x29: {  	s4 =	sld [smem:$0x3F9D]  }
0x2a: {  	p0 =	seq.s32 s5, $0x0;
	s5 =	sld [smem:$0x3F9E]  }
0x2b: {  	s6 =	sld [smem:$0x3F9F]  }
0x2c: {  	s7 =	sld [smem:$0x3FA0]  }
0x2d: {  	s3 =	simm.s32 $0x108;
	s8 =	sld [smem:$0x3FA1]  }
0x2e: {  	s3 =	simm.s32 @!p0 $0x1082;
	s9 =	sld [smem:$0x3FA2]  }
0x2f: {  	lr =	sadd.s32 s0, s3;
	s0 =	sld [smem:$0x3F99]  }
0x30: {  	s3 =	sld [smem:$0x3F9C]  }
0x31: {  	[smem:$0x3FA5] =	sst s10  }
0x32: {  	s10 =	sld [smem:$0x3FA3];
	_ =	sdelay $0x3  }
0x33: {  	p0 =	seq.s32 s10, $0x1;
	s10 =	sld [smem:$0x3FA5];
	_ =	sdelay $0x3  }
0x34: {  	[smem:$0x3FA5] =	sst s10  }
0x35: {  	s10 =	sld [smem:$0x3FA4];
	_ =	sdelay $0x3  }
0x36: {  	p1 =	seq.s32 s10, $0x1;
	s10 =	sld [smem:$0x3FA5];
	_ =	sdelay $0x3  }
0x37: {  	[smem:$0x3FA5] =	sst s10  }
0x38: {  	s10 =	sld [smem:$0x3FA6]  }
0x39: {  	_ = 	snop;
	(pc) =	sbr.ind lr, $3  }
0x3a: {  	_ = 	snop  }
0x3b: {  	_ = 	snop  }
0x3c: {  	p2 =	seq.s32 s10, $0x1;
	s10 =	sld [smem:$0x3FA5]  }
0x3d: {  	_ =	shalt  }
0x3e: {  	_ =	shalt  }
0x3f: {  	_ =	shalt  }
0x40: {  	_ =	shalt  }
0x41: {  	_ =	shalt  }
0x42: {  	_ =	shalt  }
0x43: {  	_ =	shalt  }
0x44: {  	_ =	shalt  }
0x45: {  	_ =	shalt  }
0x46: {  	_ =	shalt  }
0x47: {  	_ =	shalt  }
0x48: {  	_ =	shalt  }
0x49: {  	_ =	shalt  }
0x4a: {  	_ =	shalt  }
0x4b: {  	_ =	shalt  }
0x4c: {  	_ =	shalt  }
0x4d: {  	_ =	shalt  }
0x4e: {  	_ =	shalt  }
0x4f: {  	_ =	shalt  }
0x50: {  	_ =	shalt  }
0x51: {  	_ =	shalt  }
0x52: {  	_ =	shalt  }
0x53: {  	_ =	shalt  }
0x54: {  	_ =	shalt  }
0x55: {  	_ =	shalt  }
0x56: {  	_ =	shalt  }
0x57: {  	_ =	shalt  }
0x58: {  	_ =	shalt  }
0x59: {  	_ =	shalt  }
0x5a: {  	_ =	shalt  }
0x5b: {  	_ =	shalt  }
0x5c: {  	_ =	shalt  }
0x5d: {  	_ =	shalt  }
0x5e: {  	_ =	shalt  }
0x5f: {  	_ =	shalt  }
0x60: {  	_ =	shalt  }
0x61: {  	_ =	shalt  }
0x62: {  	_ =	shalt  }
0x63: {  	_ =	shalt  }
0x64: {  	_ =	shalt  }
0x65: {  	_ =	shalt  }
0x66: {  	_ =	shalt  }
0x67: {  	_ =	shalt  }
0x68: {  	_ =	shalt  }
0x69: {  	_ =	shalt  }
0x6a: {  	_ =	shalt  }
0x6b: {  	_ =	shalt  }
0x6c: {  	_ =	shalt  }
0x6d: {  	_ =	shalt  }
0x6e: {  	_ =	shalt  }
0x6f: {  	_ =	shalt  }
0x70: {  	_ =	shalt  }
0x71: {  	_ =	shalt  }
0x72: {  	_ =	shalt  }
0x73: {  	_ =	shalt  }
0x74: {  	_ =	shalt  }
0x75: {  	_ =	shalt  }
0x76: {  	_ =	shalt  }
0x77: {  	_ =	shalt  }
0x78: {  	_ =	shalt  }
0x79: {  	_ =	shalt  }
0x7a: {  	_ =	shalt  }
0x7b: {  	_ =	shalt  }
0x7c: {  	_ =	shalt  }
0x7d: {  	_ =	shalt  }
0x7e: {  	_ =	shalt  }
0x7f: {  	_ =	shalt  }
0x80: {  	_ =	shalt  }
0x81: {  	_ =	shalt  }
0x82: {  	_ =	shalt  }
0x83: {  	_ =	shalt  }
0x84: {  	_ =	shalt  }
0x85: {  	_ =	shalt  }
0x86: {  	_ =	shalt  }
0x87: {  	_ =	shalt  }
.Lfunc_end0:
.L_simem_size_0:
called_computation_lowered:
.L_overlay_start_0:
0x88: {  	s2 =	sld [smem:$0x3FD9]  }
0x89: {  	s3 =	sld [smem:$0x3FFE];
	_ =	sdelay $0x1  }
0x8a: {  	s1 =	srdreg.scid  }
0x8b: {  	s0 =	sand.u32 $0x1, s1  }
0x8c: {  	s17 =	sshll.u32 s0, $0xA;
	s2 =	sadd.s32 s3, s2  }
0x8d: {  	s2 =	sadd.s32 s2, s17  }
0x8e: {  	[smem:$0x3FB1] =	sst s2  }
0x8f: {  	_ = 	snop  }
0x90: {  	s2 =	sld [smem:$0x3FC9];
	(tm) =	ssettm $0x1  }
0x91: {  	s18 =	sld [smem:$0x3FFB];
	_ =	sdelay $0x3  }
0x92: {  	_ =	strace s18  }
0x93: {  	s3 =	sld [smem:$0x3FFC];
	_ =	sdelay $0x3  }
0x94: {  	_ =	strace s3  }
0x95: {  	s3 =	sld [smem:$0x3FFD];
	_ =	sdelay $0x3  }
0x96: {  	_ =	strace s3  }
0x97: {  	_ =	strace $0x8FFFFFFF  }
0x98: {  	s19 =	sld [smem:$0x3FDB];
	_ =	sdelay $0x1  }
0x99: {  	s4 =	simm.s32 $_scs_section_size  }
0x9a: {  	s5 =	simm.s32 $_size__tile_overlayer_lowered;
	s6 =	simm.s32 $_tile_overlayer_lowered  }
0x9b: {  	s22 =	simm.s32 $0x1BFF;
	s21 =	sshll.u32 s6, $0x1;
	s3 =	sadd.s32 s4, s19  }
0x9c: {  	s7 =	simm.s32 $0x0;
	s20 =	sshll.u32 s5, $0x1;
	s5 =	sadd.s32 s21, s3  }
0x9d: {  	[timem:s7], [sflag:s22] =	dma.local [hbm:s5], s20  }
0x9e: {  	_ =	swait.ge [sflag:s22], s20  }
0x9f: {  	s4 =	ssub.s32 $0x0, s20;
	[sflag:s22] =	ssyncset.done $0x0  }
0xa0: {  	[sflag:s22] =	ssyncadd.s32 s4;
	_ =	sdelay $0x1  }
0xa1: {  	s23 =	simm.s32 $0x1B8B  }
0xa2: {  	_ =	swait.ge [sflag:s23], $0x1  }
0xa3: {  	[sflag:s23] =	ssyncset.done $0x0  }
0xa4: {  	s25 =	simm.s32 $0x1B8E;
	s24 =	sld [smem:$0x3FFE];
	[sflag:s23] =	ssyncadd.s32 $0xFFFFFFFF  }
0xa5: {  	s26 =	simm.s32 $execute0_lowered;
	[smem:$0x3FD2] =	sst s25  }
0xa6: {  	s5 =	sshll.u32 s26, $0x1;
	_ =	strace $0x80000046;
	[dreg:$0x1] =	wrdreg $0xFFFFFFFF  }
0xa7: {  	s28 =	simm.s32 $_size_execute0_lowered;
	s3 =	sadd.s32 s3, s5;
	[dreg:$0x0] =	wrdreg $0x0  }
0xa8: {  	s5 =	sshll.u32 s28, $0x1;
	[dreg:$0x2] =	wrdreg s3  }
0xa9: {  	[dreg:$0x3] =	wrdreg s5  }
0xaa: {  	[dreg:$0x4] =	wrdreg $0xC0  }
0xab: {  	_ =	task [dreg:s7], $0x5FFFF  }
0xac: {  	[dreg:$0x1] =	wrdreg $0xFFFFFFFF  }
0xad: {  	[dreg:$0x0] =	wrdreg $0x60  }
0xae: {  	[dreg:$0x2] =	wrdreg s2  }
0xaf: {  	[dreg:$0x3] =	wrdreg s24  }
0xb0: {  	[dreg:$0x4] =	wrdreg $0xA8000  }
0xb1: {  	[dreg:$0x5] =	wrdreg $0x9  }
0xb2: {  	_ =	task.clear_ibuf [dreg:s7], $0x6FFFF;
	_ =	strace $0x90000046  }
0xb3: {  	s29 =	simm.s32 $0x9;
	_ =	strace $0x80000048  }
0xb4: {  	_ =	swait.ge [sflag:s29], $0x1  }
0xb5: {  	[sflag:s29] =	ssyncadd.s32 $0xFFFFFFFF  }
0xb6: {  	_ =	strace $0x90000048  }
0xb7: {  	_ =	sfence  }
0xb8: {  	s30 =	sld [smem:$0x0];
	_ =	sdelay $0x2  }
0xb9: {  	s31 =	sshll.u32 s1, $0xD;
	s1 =	sshrl.u32 s1, $0x2  }
0xba: {  	s3 =	sand.u32 $0x4000, s31;
	s1 =	sadd.s32 s1, s30  }
0xbb: {  	s0 =	sor.u32 s3, s0;
	s1 =	sshll.u32 s1, $0x11  }
0xbc: {  	s0 =	sor.u32 s1, s0  }
0xbd: {  	s0 =	sadd.s32 $0x8F2B, s0  }
0xbe: {  	[sflag:s0] =	ssyncadd.remote.s32 $0x1  }
0xbf: {  	_ =	sfence.sel $0xFFFF  }
0xc0: {  	[dreg:$0x0] =	wrdreg $0xFFFFFFFF;
	(pc) =	sbr.abs _section_cstart, $3  }
0xc1: {  	[dreg:$0x1] =	wrdreg $0xFFFFFFFF  }
0xc2: {  	_ =	task.clear_ibuf [dreg:s7], $0x2FFFF;
	_ =	strace $0x9FFFFFFF  }
0xc3: {  	(tm) =	ssettm $0x7FFFFFFF  }
tec
execute0_lowered:
.L_overlay_start_1:
0x0: {  	(tag) =	ssettag $0x1  }
0x1: {  	s1 =	rddreg [dreg:$0x0]  }
0x2: {  	s6 =	rddreg [dreg:$0x1]  }
0x3: {  	s2 =	rddreg [dreg:$0x2]  }
0x4: {  	s3 =	srdreg.scid;
	s0 =	rddreg [dreg:$0x3];
	s4 =	simm.s32 $0x0  }
0x5: {  	s17 =	simm.s32 $0x3;
	s18 =	simm.s32 $0x1400;
	s19 =	simm.s32 $0x80  }
0x6: {  	s20 =	simm.s32 $0x6800;
	s21 =	simm.s32 $0x1;
	s22 =	simm.s32 $0x2  }
0x7: {  	s23 =	simm.s32 $0x1380;
	s24 =	simm.s32 $0x2700;
	s5 =	sand.u32 $0x1, s3  }
0x8: {  	s25 =	simm.s32 $0x2780;
	s3 =	stileid.u32;
	s7 =	smul.u32 $0x140000, s5  }
0x9: {  	[smem:$0x7FF] =	sst s4;
	s12 =	sadd.s32 $0xE400, s6;
	s8 =	smul.u32 $0x14000, s3  }
0xa: {  	s13 =	sadd.s32 $0x4400, s6;
	s29 =	smul.u32 $0x50000, s3;
	s9 =	sshll.u32 s3, $0x1  }
0xb: {  	_ =	strace $0x80000047;
	s10 =	ssub.s32 $0x2, s5;
	s9 =	sor.u32 s5, s9  }
0xc: {  	s31 =	sshrl.u32 s10, $0x1;
	s7 =	sadd.s32 s8, s7;
	s30 =	sshrl.u32 s29, $0x2  }
0xd: {  	s9 =	smul.u32 $0x2800, s9;
	s15 =	ssub.s32 s10, s31;
	s7 =	sshrl.u32 s7, $0x3  }
0xe: {  	s5 =	sadd.s32 s30, s2;
	s15 =	smax.u32 s15, $0x1;
	s14 =	sadd.s32 s7, s6  }
0xf: {  	s6 =	sadd.s32 $0x4000, s5;
	s7 =	sadd.s32 $0x8000, s5;
	s11 =	sshrl.u32 s9, $0x3  }
0x10: {  	s8 =	sadd.s32 $0xC000, s5;
	s9 =	sadd.s32 $0x10000, s5;
	s10 =	sadd.s32 s12, s11  }
0x11: {  	s16 =	sadd.s32 $0x280, s11;
	s11 =	sadd.s32 s13, s11;
	s14 =	sadd.s32 $0x18400, s14  }
0x12: {  	v0 =	vimm.f32 $0.0e+00;
	s12 =	sadd.s32 s12, s16;
	s13 =	sadd.s32 s13, s16;
	s16 =	simm.s32 $0x2800  }
.LBB2_1:
0x13: {  	s26 =	simm.s32 $0x200;
	s28 =	simm.s32 $0x0  }
.LBB2_2:
0x14: {  	p0 =	sne.s32 s26, $0xFE00;
	[tilespmem:s28+$0x2800] =	vst v0;
	s28 =	smov.u32 s26;
	s26 =	sadd.s32 $0x200, s26  }
.Ltmp0:
0x15: {  	(pc) =	sbr.rel @p0 .LBB2_2-.Ltmp0, $2  }
0x16: {  	_ =	sdelay $0x2  }
0x17: {  	s28 =	sshra.s32 s28, $0x2  }
0x18: {  	[tilespmem:s28+$0x2800] =	vst v0;
	s26 =	simm.s32 $0x200;
	s28 =	simm.s32 $0x0  }
.LBB2_4:
0x19: {  	p0 =	sne.s32 s26, $0xFE00;
	[tilespmem:s28+$0x2810] =	vst v0;
	s28 =	smov.u32 s26;
	s26 =	sadd.s32 $0x200, s26  }
.Ltmp1:
0x1a: {  	(pc) =	sbr.rel @p0 .LBB2_4-.Ltmp1, $2  }
0x1b: {  	_ =	sdelay $0x2  }
0x1c: {  	s28 =	sshra.s32 s28, $0x2  }
0x1d: {  	[tilespmem:s28+$0x2810] =	vst v0;
	s26 =	simm.s32 $0x200;
	s28 =	simm.s32 $0x0  }
.LBB2_6:
0x1e: {  	p0 =	sne.s32 s26, $0xFE00;
	[tilespmem:s28+$0x2820] =	vst v0;
	s28 =	smov.u32 s26;
	s26 =	sadd.s32 $0x200, s26  }
.Ltmp2:
0x1f: {  	(pc) =	sbr.rel @p0 .LBB2_6-.Ltmp2, $2  }
0x20: {  	_ =	sdelay $0x2  }
0x21: {  	s28 =	sshra.s32 s28, $0x2  }
0x22: {  	[tilespmem:s28+$0x2820] =	vst v0;
	s26 =	simm.s32 $0x200;
	s28 =	simm.s32 $0x0  }
.LBB2_8:
0x23: {  	p0 =	sne.s32 s26, $0xFE00;
	[tilespmem:s28+$0x2830] =	vst v0;
	s28 =	smov.u32 s26;
	s26 =	sadd.s32 $0x200, s26  }
.Ltmp3:
0x24: {  	(pc) =	sbr.rel @p0 .LBB2_8-.Ltmp3, $2  }
0x25: {  	_ =	sdelay $0x2  }
0x26: {  	s28 =	sshra.s32 s28, $0x2  }
0x27: {  	[tilespmem:s28+$0x2830] =	vst v0;
	s26 =	simm.s32 $0x200;
	s28 =	simm.s32 $0x0  }
.LBB2_10:
0x28: {  	p0 =	sne.s32 s26, $0xFE00;
	[tilespmem:s28+$0x2840] =	vst v0;
	s28 =	smov.u32 s26;
	s26 =	sadd.s32 $0x200, s26  }
.Ltmp4:
0x29: {  	(pc) =	sbr.rel @p0 .LBB2_10-.Ltmp4, $2  }
0x2a: {  	_ =	sdelay $0x2  }
0x2b: {  	s28 =	sshra.s32 s28, $0x2  }
0x2c: {  	[tilespmem:s28+$0x2840] =	vst v0;
	s26 =	simm.s32 $0x0;
	s28 =	simm.s32 $0x200;
	s29 =	simm.s32 $0x0  }
.LBB2_12:
0x2d: {  	p0 =	sne.s32 s28, $0xFE00;
	[tilespmem:s29+$0x2850] =	vst v0;
	s29 =	smov.u32 s28;
	s28 =	sadd.s32 $0x200, s28  }
.Ltmp5:
0x2e: {  	(pc) =	sbr.rel @p0 .LBB2_12-.Ltmp5, $2  }
0x2f: {  	_ =	sdelay $0x2  }
0x30: {  	s29 =	sshra.s32 s29, $0x2  }
0x31: {  	[tilespmem:s29+$0x2850] =	vst v0  }
.LBB2_14:
0x32: {  	p0 =	sne.s32 s26, $0xFE00  }
.Ltmp6:
0x33: {  	_ = 	snop;
	(pc) =	sbr.rel @p0 .LBB2_14-.Ltmp6, $3  }
0x34: {  	_ =	sdelay $0x1  }
0x35: {  	s28 =	sshra.s32 s26, $0x2  }
0x36: {  	s26 =	sadd.s32 $0x200, s26;
	[tilespmem:s28+$0x2860] =	vst v0  }
0x37: {  	s26 =	simm.s32 $0x200;
	s28 =	simm.s32 $0x0  }
.LBB2_16:
0x38: {  	p0 =	sne.s32 s26, $0xFE00;
	[tilespmem:s28+$0x2870] =	vst v0;
	s28 =	smov.u32 s26;
	s26 =	sadd.s32 $0x200, s26  }
.Ltmp7:
0x39: {  	(pc) =	sbr.rel @p0 .LBB2_16-.Ltmp7, $2  }
0x3a: {  	_ =	sdelay $0x2  }
0x3b: {  	s28 =	sshra.s32 s28, $0x2  }
0x3c: {  	[tilespmem:s28+$0x2870] =	vst v0  }
0x3d: {  	[spmem:s5] =	stream.linear.scatter [tilespmem:s16], [sflag:$0x3], $0x4000, $0x38;
	[tilespmem:$0x1E800] =	vst v63  }
0x3e: {  	_ =	swait.ge [sflag:s17], $0x4000  }
0x3f: {  	[sflag:s17] =	ssyncset.done $0x0  }
0x40: {  	[sflag:s17] =	ssyncadd.s32 $0xFFFFC000  }
0x41: {  	[spmem:s6] =	stream.linear.scatter [tilespmem:s16], [sflag:$0x3], $0x4000, $0x38;
	[tilespmem:$0x1E800] =	vst v63  }
0x42: {  	_ =	swait.ge [sflag:s17], $0x4000  }
0x43: {  	[sflag:s17] =	ssyncset.done $0x0  }
0x44: {  	[sflag:s17] =	ssyncadd.s32 $0xFFFFC000  }
0x45: {  	[spmem:s7] =	stream.linear.scatter [tilespmem:s16], [sflag:$0x3], $0x4000, $0x38;
	[tilespmem:$0x1E800] =	vst v63  }
0x46: {  	_ =	swait.ge [sflag:s17], $0x4000  }
0x47: {  	[sflag:s17] =	ssyncset.done $0x0  }
0x48: {  	[sflag:s17] =	ssyncadd.s32 $0xFFFFC000  }
0x49: {  	[spmem:s8] =	stream.linear.scatter [tilespmem:s16], [sflag:$0x3], $0x4000, $0x38;
	[tilespmem:$0x1E800] =	vst v63  }
0x4a: {  	_ =	swait.ge [sflag:s17], $0x4000  }
0x4b: {  	[sflag:s17] =	ssyncset.done $0x0  }
0x4c: {  	[sflag:s17] =	ssyncadd.s32 $0xFFFFC000  }
0x4d: {  	[spmem:s9] =	stream.linear.scatter [tilespmem:s16], [sflag:$0x3], $0x4000, $0x38;
	[tilespmem:$0x1E800] =	vst v63  }
0x4e: {  	_ =	swait.ge [sflag:s17], $0x4000  }
0x4f: {  	[sflag:s17] =	ssyncset.done $0x0  }
0x50: {  	[sflag:s17] =	ssyncadd.s32 $0xFFFFC000  }
0x51: {  	s26 =	simm.s32 $0x0;
	[bflag:$0x0] =	sbarrier.arrive $0xFFFF  }
0x52: {  	[tilespmem:s26], [sflag:$0x3] =	stream.linear.gather [hbm4b:s10+s26], $0x1400, $0x38;
	[tilespmem:$0x1E800] =	vst v63  }
0x53: {  	_ =	swait.ge [sflag:s17], $0x1400  }
0x54: {  	[sflag:s17] =	ssyncset.done $0x0  }
0x55: {  	[sflag:s17] =	ssyncadd.s32 $0xFFFFEC00  }
0x56: {  	[tilespmem:s18], [sflag:$0x3] =	stream.linear.gather [hbm4b:s11+s26], $0x1400, $0x38;
	[tilespmem:$0x1E800] =	vst v63  }
0x57: {  	_ =	swait.ge [sflag:s17], $0x1400  }
0x58: {  	[sflag:s17] =	ssyncset.done $0x0  }
0x59: {  	[sflag:s17] =	ssyncadd.s32 $0xFFFFEC00  }
0x5a: {  	[tilespmem:s16], [sflag:$0x1] =	stream.indirect.gather [hbm4b:s1+s19], $0x80, s26, s19, $0xb8;
	[tilespmem:$0x1E800] =	vst v63  }
0x5b: {  	s31 =	simm.s32 $0x80  }
0x5c: {  	[tilespmem:s20], [sflag:$0x2] =	stream.indirect.gather [hbm4b:s1+s19], $0x80, s31, s19, $0xb8;
	[tilespmem:$0x1E800] =	vst v63  }
0x5d: {  	_ =	swait.ge [sflag:s21], $0x4000  }
0x5e: {  	[sflag:s21] =	ssyncset.done $0x0  }
0x5f: {  	s29 =	simm.s32 $0x1400;
	[sflag:s21] =	ssyncadd.s32 $0xFFFFC000  }
0x60: {  	[spmem:s2] =	stream.indirect.scatter.add.f32 [tilespmem:s16], [sflag:$0x3], $0x80, s29, s19, $0xb8;
	[tilespmem:$0x1E800] =	vst v63  }
0x61: {  	_ =	swait.ge [sflag:s17], $0x4000  }
0x62: {  	[sflag:s17] =	ssyncset.done $0x0  }
0x63: {  	s30 =	simm.s32 $0x100;
	[sflag:s17] =	ssyncadd.s32 $0xFFFFC000  }
0x64: {  	[tilespmem:s16], [sflag:$0x1] =	stream.indirect.gather [hbm4b:s1+s19], $0x80, s30, s19, $0xb8;
	[tilespmem:$0x1E800] =	vst v63  }
0x65: {  	_ =	swait.ge [sflag:s22], $0x4000  }
0x66: {  	[sflag:s22] =	ssyncset.done $0x0  }
0x67: {  	s31 =	simm.s32 $0x1480;
	[sflag:s22] =	ssyncadd.s32 $0xFFFFC000  }
0x68: {  	[spmem:s2] =	stream.indirect.scatter.add.f32 [tilespmem:s20], [sflag:$0x3], $0x80, s31, s19, $0xb8;
	[tilespmem:$0x1E800] =	vst v63  }
0x69: {  	_ =	swait.ge [sflag:s17], $0x4000  }
0x6a: {  	s28 =	simm.s32 $0x800;
	s26 =	simm.s32 $0x100;
	[sflag:s17] =	ssyncset.done $0x0  }
.LBB2_18:
0x6b: {  	s29 =	sadd.s32 $0x80, s26  }
0x6c: {  	[sflag:s17] =	ssyncadd.s32 $0xFFFFC000;
	s30 =	smov.u32 s28;
	s31 =	sadd.s32 $0x400, s28  }
0x6d: {  	[tilespmem:s20], [sflag:$0x2] =	stream.indirect.gather [hbm4b:s1+s19], $0x80, s29, s19, $0xb8;
	[tilespmem:$0x1E800] =	vst v63  }
0x6e: {  	p0 =	sne.s32 s28, $0x4800;
	_ =	swait.ge [sflag:s21], $0x4000  }
0x6f: {  	[sflag:s21] =	ssyncset.done $0x0  }
0x70: {  	s28 =	sadd.s32 $0x1400, s26;
	[sflag:s21] =	ssyncadd.s32 $0xFFFFC000  }
0x71: {  	[spmem:s2] =	stream.indirect.scatter.add.f32 [tilespmem:s16], [sflag:$0x3], $0x80, s28, s19, $0xb8;
	[tilespmem:$0x1E800] =	vst v63  }
0x72: {  	_ =	swait.ge [sflag:s17], $0x4000  }
0x73: {  	[sflag:s17] =	ssyncset.done $0x0  }
0x74: {  	s28 =	sadd.s32 $0x100, s26;
	[sflag:s17] =	ssyncadd.s32 $0xFFFFC000  }
0x75: {  	[tilespmem:s16], [sflag:$0x1] =	stream.indirect.gather [hbm4b:s1+s19], $0x80, s28, s19, $0xb8;
	[tilespmem:$0x1E800] =	vst v63  }
0x76: {  	_ =	swait.ge [sflag:s22], $0x4000  }
.Ltmp8:
0x77: {  	[sflag:s22] =	ssyncset.done $0x0;
	(pc) =	sbr.rel @p0 .LBB2_18-.Ltmp8, $4  }
0x78: {  	s26 =	sadd.s32 $0x1480, s26;
	[sflag:s22] =	ssyncadd.s32 $0xFFFFC000  }
0x79: {  	[spmem:s2] =	stream.indirect.scatter.add.f32 [tilespmem:s20], [sflag:$0x3], $0x80, s26, s19, $0xb8;
	[tilespmem:$0x1E800] =	vst v63  }
0x7a: {  	_ =	swait.ge [sflag:s17], $0x4000  }
0x7b: {  	s28 =	smov.u32 s31;
	s26 =	sshra.s32 s30, $0x2;
	[sflag:s17] =	ssyncset.done $0x0  }
0x7c: {  	s28 =	sadd.s32 $0x80, s26;
	[sflag:s17] =	ssyncadd.s32 $0xFFFFC000  }
0x7d: {  	[tilespmem:s20], [sflag:$0x2] =	stream.indirect.gather [hbm4b:s1+s19], $0x80, s28, s19, $0xb8;
	[tilespmem:$0x1E800] =	vst v63  }
0x7e: {  	_ =	swait.ge [sflag:s21], $0x4000  }
0x7f: {  	[sflag:s21] =	ssyncset.done $0x0  }
0x80: {  	s28 =	sadd.s32 $0x1400, s26;
	[sflag:s21] =	ssyncadd.s32 $0xFFFFC000  }
0x81: {  	[spmem:s2] =	stream.indirect.scatter.add.f32 [tilespmem:s16], [sflag:$0x3], $0x80, s28, s19, $0xb8;
	[tilespmem:$0x1E800] =	vst v63  }
0x82: {  	_ =	swait.ge [sflag:s17], $0x4000  }
0x83: {  	[sflag:s17] =	ssyncset.done $0x0  }
0x84: {  	s28 =	sadd.s32 $0x100, s26;
	[sflag:s17] =	ssyncadd.s32 $0xFFFFC000  }
0x85: {  	[tilespmem:s16], [sflag:$0x1] =	stream.indirect.gather [hbm4b:s1+s19], $0x80, s28, s19, $0xb8;
	[tilespmem:$0x1E800] =	vst v63  }
0x86: {  	_ =	swait.ge [sflag:s22], $0x4000  }
0x87: {  	[sflag:s22] =	ssyncset.done $0x0  }
0x88: {  	s29 =	sadd.s32 $0x1480, s26;
	[sflag:s22] =	ssyncadd.s32 $0xFFFFC000  }
0x89: {  	[spmem:s2] =	stream.indirect.scatter.add.f32 [tilespmem:s20], [sflag:$0x3], $0x80, s29, s19, $0xb8;
	[tilespmem:$0x1E800] =	vst v63  }
0x8a: {  	_ =	swait.ge [sflag:s17], $0x4000  }
0x8b: {  	[sflag:s17] =	ssyncset.done $0x0  }
0x8c: {  	[sflag:s17] =	ssyncadd.s32 $0xFFFFC000  }
0x8d: {  	[tilespmem:s20], [sflag:$0x2] =	stream.indirect.gather [hbm4b:s1+s19], $0x80, s23, s19, $0xb8;
	[tilespmem:$0x1E800] =	vst v63  }
0x8e: {  	_ =	swait.ge [sflag:s21], $0x4000  }
0x8f: {  	[sflag:s21] =	ssyncset.done $0x0  }
0x90: {  	[sflag:s21] =	ssyncadd.s32 $0xFFFFC000  }
0x91: {  	[spmem:s2] =	stream.indirect.scatter.add.f32 [tilespmem:s16], [sflag:$0x3], $0x80, s24, s19, $0xb8;
	[tilespmem:$0x1E800] =	vst v63  }
0x92: {  	_ =	swait.ge [sflag:s17], $0x4000  }
0x93: {  	[sflag:s17] =	ssyncset.done $0x0  }
0x94: {  	[sflag:s17] =	ssyncadd.s32 $0xFFFFC000  }
0x95: {  	_ =	swait.ge [sflag:s22], $0x4000  }
0x96: {  	[sflag:s22] =	ssyncset.done $0x0  }
0x97: {  	[sflag:s22] =	ssyncadd.s32 $0xFFFFC000  }
0x98: {  	[spmem:s2] =	stream.indirect.scatter.add.f32 [tilespmem:s20], [sflag:$0x3], $0x80, s25, s19, $0xb8;
	[tilespmem:$0x1E800] =	vst v63  }
0x99: {  	_ =	swait.ge [sflag:s17], $0x4000  }
0x9a: {  	[sflag:s17] =	ssyncset.done $0x0  }
0x9b: {  	s30 =	simm.s32 $0x0;
	[sflag:s17] =	ssyncadd.s32 $0xFFFFC000  }
0x9c: {  	[tilespmem:s30], [sflag:$0x3] =	stream.linear.gather [hbm4b:s12+s30], $0x1400, $0x38;
	[tilespmem:$0x1E800] =	vst v63  }
0x9d: {  	_ =	swait.ge [sflag:s17], $0x1400  }
0x9e: {  	[sflag:s17] =	ssyncset.done $0x0  }
0x9f: {  	[sflag:s17] =	ssyncadd.s32 $0xFFFFEC00  }
0xa0: {  	[tilespmem:s18], [sflag:$0x3] =	stream.linear.gather [hbm4b:s13+s30], $0x1400, $0x38;
	[tilespmem:$0x1E800] =	vst v63  }
0xa1: {  	_ =	swait.ge [sflag:s17], $0x1400  }
0xa2: {  	[sflag:s17] =	ssyncset.done $0x0  }
0xa3: {  	[sflag:s17] =	ssyncadd.s32 $0xFFFFEC00  }
0xa4: {  	[tilespmem:s16], [sflag:$0x1] =	stream.indirect.gather [hbm4b:s1+s19], $0x80, s30, s19, $0xb8;
	[tilespmem:$0x1E800] =	vst v63  }
0xa5: {  	s31 =	simm.s32 $0x80  }
0xa6: {  	[tilespmem:s20], [sflag:$0x2] =	stream.indirect.gather [hbm4b:s1+s19], $0x80, s31, s19, $0xb8;
	[tilespmem:$0x1E800] =	vst v63  }
0xa7: {  	_ =	swait.ge [sflag:s21], $0x4000  }
0xa8: {  	[sflag:s21] =	ssyncset.done $0x0  }
0xa9: {  	s29 =	simm.s32 $0x1400;
	[sflag:s21] =	ssyncadd.s32 $0xFFFFC000  }
0xaa: {  	[spmem:s2] =	stream.indirect.scatter.add.f32 [tilespmem:s16], [sflag:$0x3], $0x80, s29, s19, $0xb8;
	[tilespmem:$0x1E800] =	vst v63  }
0xab: {  	_ =	swait.ge [sflag:s17], $0x4000  }
0xac: {  	[sflag:s17] =	ssyncset.done $0x0  }
0xad: {  	s30 =	simm.s32 $0x100;
	[sflag:s17] =	ssyncadd.s32 $0xFFFFC000  }
0xae: {  	[tilespmem:s16], [sflag:$0x1] =	stream.indirect.gather [hbm4b:s1+s19], $0x80, s30, s19, $0xb8;
	[tilespmem:$0x1E800] =	vst v63  }
0xaf: {  	_ =	swait.ge [sflag:s22], $0x4000  }
0xb0: {  	[sflag:s22] =	ssyncset.done $0x0  }
0xb1: {  	s31 =	simm.s32 $0x1480;
	[sflag:s22] =	ssyncadd.s32 $0xFFFFC000  }
0xb2: {  	[spmem:s2] =	stream.indirect.scatter.add.f32 [tilespmem:s20], [sflag:$0x3], $0x80, s31, s19, $0xb8;
	[tilespmem:$0x1E800] =	vst v63  }
0xb3: {  	_ =	swait.ge [sflag:s17], $0x4000  }
0xb4: {  	s26 =	simm.s32 $0x100;
	s28 =	simm.s32 $0x800;
	[sflag:s17] =	ssyncset.done $0x0  }
.LBB2_20:
0xb5: {  	s29 =	sadd.s32 $0x80, s26  }
0xb6: {  	[sflag:s17] =	ssyncadd.s32 $0xFFFFC000;
	s30 =	smov.u32 s28;
	s31 =	sadd.s32 $0x400, s28  }
0xb7: {  	[tilespmem:s20], [sflag:$0x2] =	stream.indirect.gather [hbm4b:s1+s19], $0x80, s29, s19, $0xb8;
	[tilespmem:$0x1E800] =	vst v63  }
0xb8: {  	p0 =	sne.s32 s28, $0x4800;
	_ =	swait.ge [sflag:s21], $0x4000  }
0xb9: {  	[sflag:s21] =	ssyncset.done $0x0  }
0xba: {  	s28 =	sadd.s32 $0x1400, s26;
	[sflag:s21] =	ssyncadd.s32 $0xFFFFC000  }
0xbb: {  	[spmem:s2] =	stream.indirect.scatter.add.f32 [tilespmem:s16], [sflag:$0x3], $0x80, s28, s19, $0xb8;
	[tilespmem:$0x1E800] =	vst v63  }
0xbc: {  	_ =	swait.ge [sflag:s17], $0x4000  }
0xbd: {  	[sflag:s17] =	ssyncset.done $0x0  }
0xbe: {  	s28 =	sadd.s32 $0x100, s26;
	[sflag:s17] =	ssyncadd.s32 $0xFFFFC000  }
0xbf: {  	[tilespmem:s16], [sflag:$0x1] =	stream.indirect.gather [hbm4b:s1+s19], $0x80, s28, s19, $0xb8;
	[tilespmem:$0x1E800] =	vst v63  }
0xc0: {  	_ =	swait.ge [sflag:s22], $0x4000  }
.Ltmp9:
0xc1: {  	[sflag:s22] =	ssyncset.done $0x0;
	(pc) =	sbr.rel @p0 .LBB2_20-.Ltmp9, $4  }
0xc2: {  	s26 =	sadd.s32 $0x1480, s26;
	[sflag:s22] =	ssyncadd.s32 $0xFFFFC000  }
0xc3: {  	[spmem:s2] =	stream.indirect.scatter.add.f32 [tilespmem:s20], [sflag:$0x3], $0x80, s26, s19, $0xb8;
	[tilespmem:$0x1E800] =	vst v63  }
0xc4: {  	_ =	swait.ge [sflag:s17], $0x4000  }
0xc5: {  	s28 =	smov.u32 s31;
	s26 =	sshra.s32 s30, $0x2;
	[sflag:s17] =	ssyncset.done $0x0  }
0xc6: {  	s28 =	sadd.s32 $0x80, s26;
	[sflag:s17] =	ssyncadd.s32 $0xFFFFC000  }
0xc7: {  	[tilespmem:s20], [sflag:$0x2] =	stream.indirect.gather [hbm4b:s1+s19], $0x80, s28, s19, $0xb8;
	[tilespmem:$0x1E800] =	vst v63  }
0xc8: {  	_ =	swait.ge [sflag:s21], $0x4000  }
0xc9: {  	[sflag:s21] =	ssyncset.done $0x0  }
0xca: {  	s30 =	sadd.s32 $0x1400, s26;
	[sflag:s21] =	ssyncadd.s32 $0xFFFFC000  }
0xcb: {  	[spmem:s2] =	stream.indirect.scatter.add.f32 [tilespmem:s16], [sflag:$0x3], $0x80, s30, s19, $0xb8;
	[tilespmem:$0x1E800] =	vst v63  }
0xcc: {  	_ =	swait.ge [sflag:s17], $0x4000  }
0xcd: {  	[sflag:s17] =	ssyncset.done $0x0  }
0xce: {  	s31 =	sadd.s32 $0x100, s26;
	[sflag:s17] =	ssyncadd.s32 $0xFFFFC000  }
0xcf: {  	[tilespmem:s16], [sflag:$0x1] =	stream.indirect.gather [hbm4b:s1+s19], $0x80, s31, s19, $0xb8;
	[tilespmem:$0x1E800] =	vst v63  }
0xd0: {  	_ =	swait.ge [sflag:s22], $0x4000  }
0xd1: {  	[sflag:s22] =	ssyncset.done $0x0  }
0xd2: {  	s29 =	sadd.s32 $0x1480, s26;
	[sflag:s22] =	ssyncadd.s32 $0xFFFFC000  }
0xd3: {  	[spmem:s2] =	stream.indirect.scatter.add.f32 [tilespmem:s20], [sflag:$0x3], $0x80, s29, s19, $0xb8;
	[tilespmem:$0x1E800] =	vst v63  }
0xd4: {  	_ =	swait.ge [sflag:s17], $0x4000  }
0xd5: {  	[sflag:s17] =	ssyncset.done $0x0  }
0xd6: {  	[sflag:s17] =	ssyncadd.s32 $0xFFFFC000  }
0xd7: {  	[tilespmem:s20], [sflag:$0x2] =	stream.indirect.gather [hbm4b:s1+s19], $0x80, s23, s19, $0xb8;
	[tilespmem:$0x1E800] =	vst v63  }
0xd8: {  	_ =	swait.ge [sflag:s21], $0x4000  }
0xd9: {  	[sflag:s21] =	ssyncset.done $0x0  }
0xda: {  	[sflag:s21] =	ssyncadd.s32 $0xFFFFC000  }
0xdb: {  	[spmem:s2] =	stream.indirect.scatter.add.f32 [tilespmem:s16], [sflag:$0x3], $0x80, s24, s19, $0xb8;
	[tilespmem:$0x1E800] =	vst v63  }
0xdc: {  	_ =	swait.ge [sflag:s17], $0x4000  }
0xdd: {  	[sflag:s17] =	ssyncset.done $0x0  }
0xde: {  	[sflag:s17] =	ssyncadd.s32 $0xFFFFC000  }
0xdf: {  	_ =	swait.ge [sflag:s22], $0x4000  }
0xe0: {  	[sflag:s22] =	ssyncset.done $0x0  }
0xe1: {  	[sflag:s22] =	ssyncadd.s32 $0xFFFFC000  }
0xe2: {  	[spmem:s2] =	stream.indirect.scatter.add.f32 [tilespmem:s20], [sflag:$0x3], $0x80, s25, s19, $0xb8;
	[tilespmem:$0x1E800] =	vst v63  }
0xe3: {  	_ =	swait.ge [sflag:s17], $0x4000  }
0xe4: {  	s4 =	sadd.s32 $0x1, s4;
	s30 =	sshll.u32 s3, $0x6;
	[sflag:s17] =	ssyncset.done $0x0  }
0xe5: {  	p0 =	sne.s32 s4, s15;
	s26 =	sor.u32 $0x1C03, s30;
	[sflag:s17] =	ssyncadd.s32 $0xFFFFC000  }
.Ltmp10:
0xe6: {  	s31 =	sshrl.u32 s5, $0x3;
	[bflag:$0x0] =	sbarrier.arrive $0xFFFF;
	(pc) =	sbr.rel @p0 .LBB2_1-.Ltmp10, $4  }
0xe7: {  	[hbm:s14], [sflag:s26] =	dma.local [spmem:s31], $0x2800  }
0xe8: {  	_ =	swait.ge [sflag:s17], $0x2800  }
0xe9: {  	[sflag:s17] =	ssyncset.done $0x0  }
0xea: {  	[sflag:s17] =	ssyncadd.s32 $0xFFFFD800  }
0xeb: {  	_ =	sfence.sel $0x180000  }
0xec: {  	[bflag:$0x0] =	sbarrier.arrive $0xFFFF  }
0xed: {  	p0 =	sne.s32 s3, $0x0;
	_ =	strace $0x90000047  }
0xee: {  	s0 =	sadd.s32 @!p0 $0x100000, s0;
	[bflag:$0x2] =	sbarrier.arrive $0xFFFF  }
0xef: {  	[sflag:s0] =	ssyncadd.tile.s32 @!p0 $0x1;
	_ =	shalt  }
.Lfunc_end2:
_tile_overlayer_lowered:
.L_overlay_start_2:
0xf0: {  	(tag) =	ssettag $0x2  }
0xf1: {  	s0 =	rddreg [dreg:$0x0];
	s2 =	stileid.u32  }
0xf2: {  	s1 =	rddreg [dreg:$0x1];
	p0 =	sne.s32 s2, $0x0  }
0xf3: {  	s3 =	rddreg [dreg:$0x2];
	[bflag:$0x3] =	sbarrier.arrive $0xFFFF;
	s2 =	simm.s32 @!p0 $0x1C03  }
0xf4: {  	[timem:s3], [sflag:s2] =	dma.local @!p0 [hbm:s0], s1  }
0xf5: {  	s0 =	simm.s32 @!p0 $0x3  }
0xf6: {  	_ =	swait.ge @!p0 [sflag:s0], s1  }
0xf7: {  	s1 =	ssub.s32 @!p0 $0x0, s1;
	[sflag:s0] =	ssyncset.done @!p0 $0x0  }
0xf8: {  	[sflag:s0] =	ssyncadd.s32 @!p0 s1  }
0xf9: {  	[bflag:$0x3] =	sbarrier.arrive $0xFFFF  }
0xfa: {  	_ =	shalt  }

</sc_bundles>
